<compile_context>
chip_gen: v7x
topology: tpu7x:2x2x1
jax: 0.10.2.dev20260603
libtpu: 0.0.44.dev20260713+nightly
codegen_flags: <defaults>
</compile_context>

<pallas_src>
import functools

import jax
import jax.numpy as jnp
from jax import lax
from jax.experimental import pallas as pl
from jax.experimental.pallas import tpu as pltpu
from jax.experimental.pallas import tpu_sc as plsc

_B = 16384
_E = 64
_L = 8
_LAMBDA = 1.0
_NROW = 100000
_NCAT = 1000

try:
    _info = plsc.get_sparse_core_info()
    _NC, _NS = _info.num_cores, _info.num_subcores
except Exception:
    _NC, _NS = 2, 16
_NW = _NC * _NS
_BPW = _B // _NW
_CHUNK = 128
_NCHUNK = _BPW // _CHUNK

_RCOLS = 16384
_RGRID = -(-_NROW // _RCOLS)


def _repack_body(nt_ref, out_ref):
    f32 = jnp.float32
    k = lax.broadcasted_iota(jnp.int32, (_E, 2 * _E), 0)
    j = lax.broadcasted_iota(jnp.int32, (_E, 2 * _E), 1)
    iev = (j == 2 * k).astype(f32)
    iod = (j == 2 * k + 1).astype(f32)
    dn = (((1,), (1,)), ((), ()))
    chunks = []
    for c in range(_RCOLS // (2 * _E)):
        sub = nt_ref[:, c * 2 * _E:(c + 1) * 2 * _E]
        ev = lax.dot_general(iev, sub, dn, preferred_element_type=f32)
        od = lax.dot_general(iod, sub, dn, preferred_element_type=f32)
        chunks.append(jnp.concatenate([ev, od], axis=1))
    out_ref[...] = jnp.concatenate(chunks, axis=0)


_repack_call = pl.pallas_call(
    _repack_body,
    grid=(_RGRID,),
    in_specs=[pl.BlockSpec((_E, _RCOLS), lambda i: (0, i))],
    out_specs=pl.BlockSpec((_RCOLS // 2, 2 * _E), lambda i: (i, 0)),
    out_shape=jax.ShapeDtypeStruct((_NROW // 2, 2 * _E), jnp.float32),
)



def _sc_taxo(idx2_hbm, aug_hbm, taxo_pk_out, idx2, crows, sem_c):
    wid = lax.axis_index("s") * _NC + lax.axis_index("c")
    base = wid * _BPW
    pltpu.sync_copy(idx2_hbm.at[:, pl.ds(base, _BPW)], idx2)
    copies = []
    for j in range(_NCHUNK):
        sl = pl.ds(j * _CHUNK, _CHUNK)
        copies.append(pltpu.async_copy(
            aug_hbm.at[idx2.at[1, sl]], crows.at[sl], sem_c))
    for c in copies:
        c.wait()
    pltpu.sync_copy(crows, taxo_pk_out.at[pl.ds(base, _BPW)])


def _sc_node(idx2_hbm, node_emd_hbm, node_pk_out, idx2, nrows, sem_n):
    wid = lax.axis_index("s") * _NC + lax.axis_index("c")
    base = wid * _BPW
    pltpu.sync_copy(idx2_hbm.at[:, pl.ds(base, _BPW)], idx2)
    copies = []
    for j in range(_NCHUNK):
        sl = pl.ds(j * _CHUNK, _CHUNK)
        copies.append(pltpu.async_copy(
            node_emd_hbm.at[idx2.at[0, sl]], nrows.at[sl], sem_n))
    for c in copies:
        c.wait()
    pltpu.sync_copy(nrows, node_pk_out.at[pl.ds(base, _BPW), pl.ds(0, _E)])


_sc_call_cache = {}


def _make_sc_call(name, body, out_type, scratch):
    if name not in _sc_call_cache:
        _sc_call_cache[name] = functools.partial(
            pl.kernel,
            mesh=plsc.VectorSubcoreMesh(core_axis_name="c",
                                        subcore_axis_name="s"),
            compiler_params=pltpu.CompilerParams(use_tc_tiling_on_sc=False),
            out_type=out_type,
            scratch_types=scratch,
        )(body)
    return _sc_call_cache[name]


_BLK = 2048
_GRID = _B // _BLK


def _tc_body(npk_ref, cpk_ref, lv_ref, lb_ref, t_ref, out_ref):
    i = pl.program_id(0)
    f32 = jnp.float32
    rows = lax.broadcasted_iota(jnp.int32, (2 * _E, 2 * _E), 0)
    cols = lax.broadcasted_iota(jnp.int32, (2 * _E, 2 * _E), 1)
    ident = (rows == cols).astype(f32)
    i64 = ident[:_E, :_E]
    dn = (((1,), (1,)), ((), ()))
    ne_t = lax.dot_general(ident[:_E], npk_ref[...], dn,
                           preferred_element_type=f32)
    cp_t = lax.dot_general(ident[:_E + 8], cpk_ref[...], dn,
                           preferred_element_type=f32)
    ce_t = cp_t[:_E]
    bias = cp_t[_E:_E + 1]
    lv = lv_ref[...]
    lb = lb_ref[...]

    wcat = []
    necat = []
    for l in range(_L):
        tl = t_ref[l]
        norm = jnp.sqrt(jnp.sum(tl * tl, axis=0, keepdims=True))
        tln = tl / jnp.maximum(norm, 1e-12)
        wcat.append(lax.dot_general(i64, tln, dn,
                                    preferred_element_type=f32))
        necat.append(jnp.where(lv == l, ne_t, 0.0))
    wcat_t = jnp.concatenate(wcat, axis=1)
    necat_t = jnp.concatenate(necat, axis=0)
    z_t = jnp.dot(wcat_t, necat_t, preferred_element_type=f32)
    s = jnp.sum(z_t * ce_t, axis=0, keepdims=True)
    score = s + bias
    bce = (jnp.maximum(score, 0.0) - score * lb
           + jnp.log1p(jnp.exp(-jnp.abs(score))))
    bsum = jnp.sum(bce)

    @pl.when(i == 0)
    def _():
        out_ref[0, 0] = 0.0

    out_ref[0, 0] += bsum

    @pl.when(i == _GRID - 1)
    def _():
        out_ref[0, 0] = out_ref[0, 0] * (_LAMBDA / _B)


_tc_call = pl.pallas_call(
    _tc_body,
    grid=(_GRID,),
    in_specs=[
        pl.BlockSpec((_BLK, 2 * _E), lambda i: (i, 0)),
        pl.BlockSpec((_BLK, 2 * _E), lambda i: (i, 0)),
        pl.BlockSpec((1, _BLK), lambda i: (0, i)),
        pl.BlockSpec((1, _BLK), lambda i: (0, i)),
        pl.BlockSpec((_L, _E, _E), lambda i: (0, 0, 0)),
    ],
    out_specs=pl.BlockSpec(memory_space=pltpu.SMEM),
    out_shape=jax.ShapeDtypeStruct((1, 1), jnp.float32),
)


def kernel(nodes, labels, levels, node_emd, taxo_emd, taxo_bias, transforms):
    idx2 = nodes.astype(jnp.int32).T
    aug = jnp.concatenate(
        [taxo_emd, taxo_bias[:, None],
         jnp.zeros((_NCAT, _E - 1), jnp.float32)], axis=1)
    taxo_pk = _make_sc_call(
        "taxo", _sc_taxo,
        jax.ShapeDtypeStruct((_B, 2 * _E), jnp.float32),
        [pltpu.VMEM((2, _BPW), jnp.int32),
         pltpu.VMEM((_BPW, 2 * _E), jnp.float32),
         pltpu.SemaphoreType.DMA],
    )(idx2, aug)
    node_pairs = _repack_call(node_emd.T)
    node_tab = node_pairs.reshape(_NROW, _E)
    node_pk = _make_sc_call(
        "node", _sc_node,
        jax.ShapeDtypeStruct((_B, 2 * _E), jnp.float32),
        [pltpu.VMEM((2, _BPW), jnp.int32),
         pltpu.VMEM((_BPW, _E), jnp.float32),
         pltpu.SemaphoreType.DMA],
    )(idx2, node_tab)
    lv2 = levels.astype(jnp.int32).reshape(1, _B)
    lb2 = labels.reshape(1, _B)
    out = _tc_call(node_pk, taxo_pk, lv2, lb2, transforms)
    return out[0, 0]

# --- scband reference (transcript-rebuilt; emitter-appended) ---
"""Pipeline reference for scband-abstract-ganclass-25915832664419 (READ-ONLY COPY).

The authoritative reference and input builder live on the scoring server;
editing this copy changes nothing except your own understanding.
"""

import jax, jax.numpy as jnp
import numpy as np

N_NODE = 100000
N_CAT = 1000
EMD = 64
MAX_LEVEL = 8
B = 16384
LAMBDA_TAXO = 1.0


def _renorm(w, max_norm=1.0):
    # mimic nn.Embedding(max_norm=1): rows with norm > max_norm are rescaled
    n = jnp.linalg.norm(w, axis=1, keepdims=True)
    return w * jnp.minimum(1.0, max_norm / (n + 1e-7))


def setup_inputs(seed: int = 0) -> dict:
    key = jax.random.key(seed)
    ks = jax.random.split(key, 7)
    nid = jax.random.randint(ks[0], (B, 1), 0, N_NODE)
    cid = jax.random.randint(ks[1], (B, 1), 0, N_CAT)
    nodes = jnp.concatenate([nid, cid], axis=1).astype(jnp.int64) if jax.config.jax_enable_x64 else jnp.concatenate([nid, cid], axis=1)
    labels = jax.random.uniform(ks[2], (B,), dtype=jnp.float32)
    levels = jax.random.randint(ks[3], (B,), 0, MAX_LEVEL)
    # learned parameters (torch renorms tables in-place on lookup; pre-renorm here)
    node_emd = _renorm(jax.random.normal(ks[4], (N_NODE, EMD), dtype=jnp.float32) * 0.1)
    taxo_emd = _renorm(jax.random.normal(ks[5], (N_CAT, EMD), dtype=jnp.float32) * 0.1)
    taxo_bias = jnp.zeros((N_CAT,), dtype=jnp.float32)
    stdv = 1.0 / np.sqrt(EMD)
    transforms = jax.random.uniform(ks[6], (MAX_LEVEL, EMD, EMD), minval=-stdv, maxval=stdv, dtype=jnp.float32)
    return {"nodes": nodes, "labels": labels, "levels": levels,
            "node_emd": node_emd, "taxo_emd": taxo_emd,
            "taxo_bias": taxo_bias, "transforms": transforms}


def reference(nodes, labels, levels, node_emd, taxo_emd, taxo_bias, transforms):
    # F.normalize(transforms, p=2, dim=1): normalize over axis 1 of [L, E, E]
    norm = jnp.linalg.norm(transforms, axis=1, keepdims=True)
    tn = transforms / jnp.maximum(norm, 1e-12)
    # node_emd(nodes[:,0]).unsqueeze(1) @ transforms[levels] -> [B,1,E] @ [B,E,E]
    ne = jnp.take(node_emd, nodes[:, 0], axis=0)          # [B, E]
    t = jnp.take(tn, levels, axis=0)                       # [B, E, E]
    ne2 = jnp.einsum('be,bef->bf', ne, t)                  # [B, E]
    ce = jnp.take(taxo_emd, nodes[:, 1], axis=0)           # [B, E]
    bias = jnp.take(taxo_bias, nodes[:, 1], axis=0)        # [B]
    score = jnp.sum(ne2 * ce, axis=1) + bias               # [B]
    # binary_cross_entropy_with_logits, reduction='mean' (numerically stable form)
    loss = jnp.mean(jnp.maximum(score, 0.0) - score * labels + jnp.log1p(jnp.exp(-jnp.abs(score))))
    return loss * LAMBDA_TAXO

if __name__ == "__main__":
    import jax
    _d = setup_inputs()
    print(jax.jit(kernel)(*tuple(_d.values())))

</pallas_src>

<mosaic_0001>
#map = affine_map<(d0, d1) -> (0, 0)>
module attributes {stable_mosaic.version = 14 : i64} {
  func.func @_sc_node(%arg0: i32, %arg1: i32, %arg2: memref<2x16384xi32, #tpu.memory_space<hbm>>, %arg3: memref<100000x64xf32, #tpu.memory_space<hbm>>, %arg4: memref<16384x128xf32, #tpu.memory_space<hbm>>, %arg5: memref<2x512xi32, #tpu.memory_space<vmem>>, %arg6: memref<512x64xf32, #tpu.memory_space<vmem>>, %arg7: memref<!tpu.dma_semaphore, #tpu.memory_space<semaphore_mem>>) attributes {dimension_semantics = [#tpu.dimension_semantics<core_parallel>, #tpu.dimension_semantics<subcore_parallel>], iteration_bounds = array<i64: 2, 16>, scalar_prefetch = 0 : i64, scratch_operands = 3 : i64, tpu.core_type = #tpu.core_type<sc_vector_subcore>, window_params = [{transform_indices = #map}, {transform_indices = #map}, {transform_indices = #map}]} {
    %mul3A = arith.constant 2 : i32
    %mul3A_0 = arith.muli %arg1, %mul3A : i32
    %add3A = arith.addi %mul3A_0, %arg0 : i32
    %mul3A_1 = arith.constant 512 : i32
    %mul3A_2 = arith.muli %add3A, %mul3A_1 : i32
    "tpu.region"() ({
      %run_scoped3A = tpu.sem_alloc : memref<!tpu.dma_semaphore, #tpu.memory_space<semaphore_mem>>
      %dma_start3A_81 = arith.constant 0 : i32
      %dma_start3A_82 = tpu.memref_slice %arg2[%dma_start3A_81, %mul3A_2] : memref<2x16384xi32, #tpu.memory_space<hbm>> -> memref<2x512xi32, #tpu.memory_space<hbm>>
      %dma_start3A_83 = arith.constant 0 : i32
      %dma_start3A_84 = tpu.memref_slice %arg2[%dma_start3A_83, %mul3A_2] : memref<2x16384xi32, #tpu.memory_space<hbm>> -> memref<2x512xi32, #tpu.memory_space<hbm>>
      tpu.enqueue_dma source(%dma_start3A_84 : memref<2x512xi32, #tpu.memory_space<hbm>>) target(%arg5 : memref<2x512xi32, #tpu.memory_space<vmem>>) target_semaphore(%run_scoped3A : memref<!tpu.dma_semaphore, #tpu.memory_space<semaphore_mem>>)
      %dma_wait3A_85 = arith.constant 0 : i32
      %dma_wait3A_86 = tpu.memref_slice %arg2[%dma_wait3A_85, %mul3A_2] : memref<2x16384xi32, #tpu.memory_space<hbm>> -> memref<2x512xi32, #tpu.memory_space<hbm>>
      %dma_wait3A_87 = arith.constant 0 : i32
      %dma_wait3A_88 = tpu.memref_slice %arg2[%dma_wait3A_87, %mul3A_2] : memref<2x16384xi32, #tpu.memory_space<hbm>> -> memref<2x512xi32, #tpu.memory_space<hbm>>
      tpu.wait_dma2 semaphore(%run_scoped3A : memref<!tpu.dma_semaphore, #tpu.memory_space<semaphore_mem>>) src(%dma_wait3A_88 : memref<2x512xi32, #tpu.memory_space<hbm>>) dst(%arg5 : memref<2x512xi32, #tpu.memory_space<vmem>>)
      tpu.yield
    }) : () -> ()
    %dma_start3A = arith.constant 0 : i32
    %dma_start3A_3 = arith.constant 0 : i32
    %dma_start3A_4 = arith.constant 0 : i32
    %dma_start3A_5 = tpu.memref_slice %arg6[%dma_start3A_3, %dma_start3A_4] : memref<512x64xf32, #tpu.memory_space<vmem>> -> memref<128x64xf32, #tpu.memory_space<vmem>>
    %dma_start3A_6 = arith.constant 0 : i32
    %dma_start3A_7 = tpu.memref_slice %arg5[%dma_start3A, %dma_start3A_6] : memref<2x512xi32, #tpu.memory_space<vmem>> -> memref<1x128xi32, #tpu.memory_space<vmem>>
    %dma_start3A_8 = tpu.memref_squeeze %dma_start3A_7 : memref<1x128xi32, #tpu.memory_space<vmem>> -> memref<128xi32, #tpu.memory_space<vmem>>
    %dma_start3A_9 = arith.constant 0 : i32
    %dma_start3A_10 = arith.constant 0 : i32
    %dma_start3A_11 = tpu.memref_slice %arg3[%dma_start3A_9, %dma_start3A_10] : memref<100000x64xf32, #tpu.memory_space<hbm>> -> memref<100000x64xf32, #tpu.memory_space<hbm>>
    tpu.enqueue_indirect_dma source(%dma_start3A_11 : memref<100000x64xf32, #tpu.memory_space<hbm>>) target(%dma_start3A_5 : memref<128x64xf32, #tpu.memory_space<vmem>>) offsets(%dma_start3A_8 : memref<128xi32, #tpu.memory_space<vmem>>) semaphore(%arg7 : memref<!tpu.dma_semaphore, #tpu.memory_space<semaphore_mem>>)
    %dma_start3A_12 = arith.constant 0 : i32
    %dma_start3A_13 = arith.constant 128 : i32
    %dma_start3A_14 = arith.constant 0 : i32
    %dma_start3A_15 = tpu.memref_slice %arg6[%dma_start3A_13, %dma_start3A_14] : memref<512x64xf32, #tpu.memory_space<vmem>> -> memref<128x64xf32, #tpu.memory_space<vmem>>
    %dma_start3A_16 = arith.constant 128 : i32
    %dma_start3A_17 = tpu.memref_slice %arg5[%dma_start3A_12, %dma_start3A_16] : memref<2x512xi32, #tpu.memory_space<vmem>> -> memref<1x128xi32, #tpu.memory_space<vmem>>
    %dma_start3A_18 = tpu.memref_squeeze %dma_start3A_17 : memref<1x128xi32, #tpu.memory_space<vmem>> -> memref<128xi32, #tpu.memory_space<vmem>>
    %dma_start3A_19 = arith.constant 0 : i32
    %dma_start3A_20 = arith.constant 0 : i32
    %dma_start3A_21 = tpu.memref_slice %arg3[%dma_start3A_19, %dma_start3A_20] : memref<100000x64xf32, #tpu.memory_space<hbm>> -> memref<100000x64xf32, #tpu.memory_space<hbm>>
    tpu.enqueue_indirect_dma source(%dma_start3A_21 : memref<100000x64xf32, #tpu.memory_space<hbm>>) target(%dma_start3A_15 : memref<128x64xf32, #tpu.memory_space<vmem>>) offsets(%dma_start3A_18 : memref<128xi32, #tpu.memory_space<vmem>>) semaphore(%arg7 : memref<!tpu.dma_semaphore, #tpu.memory_space<semaphore_mem>>)
    %dma_start3A_22 = arith.constant 0 : i32
    %dma_start3A_23 = arith.constant 256 : i32
    %dma_start3A_24 = arith.constant 0 : i32
    %dma_start3A_25 = tpu.memref_slice %arg6[%dma_start3A_23, %dma_start3A_24] : memref<512x64xf32, #tpu.memory_space<vmem>> -> memref<128x64xf32, #tpu.memory_space<vmem>>
    %dma_start3A_26 = arith.constant 256 : i32
    %dma_start3A_27 = tpu.memref_slice %arg5[%dma_start3A_22, %dma_start3A_26] : memref<2x512xi32, #tpu.memory_space<vmem>> -> memref<1x128xi32, #tpu.memory_space<vmem>>
    %dma_start3A_28 = tpu.memref_squeeze %dma_start3A_27 : memref<1x128xi32, #tpu.memory_space<vmem>> -> memref<128xi32, #tpu.memory_space<vmem>>
    %dma_start3A_29 = arith.constant 0 : i32
    %dma_start3A_30 = arith.constant 0 : i32
    %dma_start3A_31 = tpu.memref_slice %arg3[%dma_start3A_29, %dma_start3A_30] : memref<100000x64xf32, #tpu.memory_space<hbm>> -> memref<100000x64xf32, #tpu.memory_space<hbm>>
    tpu.enqueue_indirect_dma source(%dma_start3A_31 : memref<100000x64xf32, #tpu.memory_space<hbm>>) target(%dma_start3A_25 : memref<128x64xf32, #tpu.memory_space<vmem>>) offsets(%dma_start3A_28 : memref<128xi32, #tpu.memory_space<vmem>>) semaphore(%arg7 : memref<!tpu.dma_semaphore, #tpu.memory_space<semaphore_mem>>)
    %dma_start3A_32 = arith.constant 0 : i32
    %dma_start3A_33 = arith.constant 384 : i32
    %dma_start3A_34 = arith.constant 0 : i32
    %dma_start3A_35 = tpu.memref_slice %arg6[%dma_start3A_33, %dma_start3A_34] : memref<512x64xf32, #tpu.memory_space<vmem>> -> memref<128x64xf32, #tpu.memory_space<vmem>>
    %dma_start3A_36 = arith.constant 384 : i32
    %dma_start3A_37 = tpu.memref_slice %arg5[%dma_start3A_32, %dma_start3A_36] : memref<2x512xi32, #tpu.memory_space<vmem>> -> memref<1x128xi32, #tpu.memory_space<vmem>>
    %dma_start3A_38 = tpu.memref_squeeze %dma_start3A_37 : memref<1x128xi32, #tpu.memory_space<vmem>> -> memref<128xi32, #tpu.memory_space<vmem>>
    %dma_start3A_39 = arith.constant 0 : i32
    %dma_start3A_40 = arith.constant 0 : i32
    %dma_start3A_41 = tpu.memref_slice %arg3[%dma_start3A_39, %dma_start3A_40] : memref<100000x64xf32, #tpu.memory_space<hbm>> -> memref<100000x64xf32, #tpu.memory_space<hbm>>
    tpu.enqueue_indirect_dma source(%dma_start3A_41 : memref<100000x64xf32, #tpu.memory_space<hbm>>) target(%dma_start3A_35 : memref<128x64xf32, #tpu.memory_space<vmem>>) offsets(%dma_start3A_38 : memref<128xi32, #tpu.memory_space<vmem>>) semaphore(%arg7 : memref<!tpu.dma_semaphore, #tpu.memory_space<semaphore_mem>>)
    %dma_wait3A = arith.constant 0 : i32
    %dma_wait3A_42 = arith.constant 0 : i32
    %dma_wait3A_43 = arith.constant 0 : i32
    %dma_wait3A_44 = tpu.memref_slice %arg6[%dma_wait3A_42, %dma_wait3A_43] : memref<512x64xf32, #tpu.memory_space<vmem>> -> memref<128x64xf32, #tpu.memory_space<vmem>>
    %dma_wait3A_45 = arith.constant 0 : i32
    %dma_wait3A_46 = tpu.memref_slice %arg5[%dma_wait3A, %dma_wait3A_45] : memref<2x512xi32, #tpu.memory_space<vmem>> -> memref<1x128xi32, #tpu.memory_space<vmem>>
    %dma_wait3A_47 = tpu.memref_squeeze %dma_wait3A_46 : memref<1x128xi32, #tpu.memory_space<vmem>> -> memref<128xi32, #tpu.memory_space<vmem>>
    %dma_wait3A_48 = arith.constant 0 : i32
    %dma_wait3A_49 = arith.constant 0 : i32
    %dma_wait3A_50 = tpu.memref_slice %arg3[%dma_wait3A_48, %dma_wait3A_49] : memref<100000x64xf32, #tpu.memory_space<hbm>> -> memref<100000x64xf32, #tpu.memory_space<hbm>>
    tpu.wait_indirect_dma semaphore(%arg7 : memref<!tpu.dma_semaphore, #tpu.memory_space<semaphore_mem>>) src(%dma_wait3A_50 : memref<100000x64xf32, #tpu.memory_space<hbm>>) dst(%dma_wait3A_44 : memref<128x64xf32, #tpu.memory_space<vmem>>)
    %dma_wait3A_51 = arith.constant 0 : i32
    %dma_wait3A_52 = arith.constant 128 : i32
    %dma_wait3A_53 = arith.constant 0 : i32
    %dma_wait3A_54 = tpu.memref_slice %arg6[%dma_wait3A_52, %dma_wait3A_53] : memref<512x64xf32, #tpu.memory_space<vmem>> -> memref<128x64xf32, #tpu.memory_space<vmem>>
    %dma_wait3A_55 = arith.constant 128 : i32
    %dma_wait3A_56 = tpu.memref_slice %arg5[%dma_wait3A_51, %dma_wait3A_55] : memref<2x512xi32, #tpu.memory_space<vmem>> -> memref<1x128xi32, #tpu.memory_space<vmem>>
    %dma_wait3A_57 = tpu.memref_squeeze %dma_wait3A_56 : memref<1x128xi32, #tpu.memory_space<vmem>> -> memref<128xi32, #tpu.memory_space<vmem>>
    %dma_wait3A_58 = arith.constant 0 : i32
    %dma_wait3A_59 = arith.constant 0 : i32
    %dma_wait3A_60 = tpu.memref_slice %arg3[%dma_wait3A_58, %dma_wait3A_59] : memref<100000x64xf32, #tpu.memory_space<hbm>> -> memref<100000x64xf32, #tpu.memory_space<hbm>>
    tpu.wait_indirect_dma semaphore(%arg7 : memref<!tpu.dma_semaphore, #tpu.memory_space<semaphore_mem>>) src(%dma_wait3A_60 : memref<100000x64xf32, #tpu.memory_space<hbm>>) dst(%dma_wait3A_54 : memref<128x64xf32, #tpu.memory_space<vmem>>)
    %dma_wait3A_61 = arith.constant 0 : i32
    %dma_wait3A_62 = arith.constant 256 : i32
    %dma_wait3A_63 = arith.constant 0 : i32
    %dma_wait3A_64 = tpu.memref_slice %arg6[%dma_wait3A_62, %dma_wait3A_63] : memref<512x64xf32, #tpu.memory_space<vmem>> -> memref<128x64xf32, #tpu.memory_space<vmem>>
    %dma_wait3A_65 = arith.constant 256 : i32
    %dma_wait3A_66 = tpu.memref_slice %arg5[%dma_wait3A_61, %dma_wait3A_65] : memref<2x512xi32, #tpu.memory_space<vmem>> -> memref<1x128xi32, #tpu.memory_space<vmem>>
    %dma_wait3A_67 = tpu.memref_squeeze %dma_wait3A_66 : memref<1x128xi32, #tpu.memory_space<vmem>> -> memref<128xi32, #tpu.memory_space<vmem>>
    %dma_wait3A_68 = arith.constant 0 : i32
    %dma_wait3A_69 = arith.constant 0 : i32
    %dma_wait3A_70 = tpu.memref_slice %arg3[%dma_wait3A_68, %dma_wait3A_69] : memref<100000x64xf32, #tpu.memory_space<hbm>> -> memref<100000x64xf32, #tpu.memory_space<hbm>>
    tpu.wait_indirect_dma semaphore(%arg7 : memref<!tpu.dma_semaphore, #tpu.memory_space<semaphore_mem>>) src(%dma_wait3A_70 : memref<100000x64xf32, #tpu.memory_space<hbm>>) dst(%dma_wait3A_64 : memref<128x64xf32, #tpu.memory_space<vmem>>)
    %dma_wait3A_71 = arith.constant 0 : i32
    %dma_wait3A_72 = arith.constant 384 : i32
    %dma_wait3A_73 = arith.constant 0 : i32
    %dma_wait3A_74 = tpu.memref_slice %arg6[%dma_wait3A_72, %dma_wait3A_73] : memref<512x64xf32, #tpu.memory_space<vmem>> -> memref<128x64xf32, #tpu.memory_space<vmem>>
    %dma_wait3A_75 = arith.constant 384 : i32
    %dma_wait3A_76 = tpu.memref_slice %arg5[%dma_wait3A_71, %dma_wait3A_75] : memref<2x512xi32, #tpu.memory_space<vmem>> -> memref<1x128xi32, #tpu.memory_space<vmem>>
    %dma_wait3A_77 = tpu.memref_squeeze %dma_wait3A_76 : memref<1x128xi32, #tpu.memory_space<vmem>> -> memref<128xi32, #tpu.memory_space<vmem>>
    %dma_wait3A_78 = arith.constant 0 : i32
    %dma_wait3A_79 = arith.constant 0 : i32
    %dma_wait3A_80 = tpu.memref_slice %arg3[%dma_wait3A_78, %dma_wait3A_79] : memref<100000x64xf32, #tpu.memory_space<hbm>> -> memref<100000x64xf32, #tpu.memory_space<hbm>>
    tpu.wait_indirect_dma semaphore(%arg7 : memref<!tpu.dma_semaphore, #tpu.memory_space<semaphore_mem>>) src(%dma_wait3A_80 : memref<100000x64xf32, #tpu.memory_space<hbm>>) dst(%dma_wait3A_74 : memref<128x64xf32, #tpu.memory_space<vmem>>)
    "tpu.region"() ({
      %run_scoped3A = tpu.sem_alloc : memref<!tpu.dma_semaphore, #tpu.memory_space<semaphore_mem>>
      %dma_start3A_81 = arith.constant 0 : i32
      %dma_start3A_82 = tpu.memref_slice %arg4[%mul3A_2, %dma_start3A_81] : memref<16384x128xf32, #tpu.memory_space<hbm>> -> memref<512x64xf32, #tpu.memory_space<hbm>>
      %dma_start3A_83 = arith.constant 0 : i32
      %dma_start3A_84 = tpu.memref_slice %arg4[%mul3A_2, %dma_start3A_83] : memref<16384x128xf32, #tpu.memory_space<hbm>> -> memref<512x64xf32, #tpu.memory_space<hbm>>
      tpu.enqueue_dma source(%arg6 : memref<512x64xf32, #tpu.memory_space<vmem>>) target(%dma_start3A_84 : memref<512x64xf32, #tpu.memory_space<hbm>>) target_semaphore(%run_scoped3A : memref<!tpu.dma_semaphore, #tpu.memory_space<semaphore_mem>>)
      %dma_wait3A_85 = arith.constant 0 : i32
      %dma_wait3A_86 = tpu.memref_slice %arg4[%mul3A_2, %dma_wait3A_85] : memref<16384x128xf32, #tpu.memory_space<hbm>> -> memref<512x64xf32, #tpu.memory_space<hbm>>
      %dma_wait3A_87 = arith.constant 0 : i32
      %dma_wait3A_88 = tpu.memref_slice %arg4[%mul3A_2, %dma_wait3A_87] : memref<16384x128xf32, #tpu.memory_space<hbm>> -> memref<512x64xf32, #tpu.memory_space<hbm>>
      tpu.wait_dma2 semaphore(%run_scoped3A : memref<!tpu.dma_semaphore, #tpu.memory_space<semaphore_mem>>) src(%arg6 : memref<512x64xf32, #tpu.memory_space<vmem>>) dst(%dma_wait3A_88 : memref<512x64xf32, #tpu.memory_space<hbm>>)
      tpu.yield
    }) : () -> ()
    return
  }
}

#map = affine_map<(d0, d1) -> (0, 0)>
module attributes {stable_mosaic.version = 14 : i64} {
  func.func @_sc_taxo(%arg0: i32, %arg1: i32, %arg2: memref<2x16384xi32, #tpu.memory_space<hbm>>, %arg3: memref<1000x128xf32, #tpu.memory_space<hbm>>, %arg4: memref<16384x128xf32, #tpu.memory_space<hbm>>, %arg5: memref<2x512xi32, #tpu.memory_space<vmem>>, %arg6: memref<512x128xf32, #tpu.memory_space<vmem>>, %arg7: memref<!tpu.dma_semaphore, #tpu.memory_space<semaphore_mem>>) attributes {dimension_semantics = [#tpu.dimension_semantics<core_parallel>, #tpu.dimension_semantics<subcore_parallel>], iteration_bounds = array<i64: 2, 16>, scalar_prefetch = 0 : i64, scratch_operands = 3 : i64, tpu.core_type = #tpu.core_type<sc_vector_subcore>, window_params = [{transform_indices = #map}, {transform_indices = #map}, {transform_indices = #map}]} {
    %mul3A = arith.constant 2 : i32
    %mul3A_0 = arith.muli %arg1, %mul3A : i32
    %add3A = arith.addi %mul3A_0, %arg0 : i32
    %mul3A_1 = arith.constant 512 : i32
    %mul3A_2 = arith.muli %add3A, %mul3A_1 : i32
    "tpu.region"() ({
      %run_scoped3A = tpu.sem_alloc : memref<!tpu.dma_semaphore, #tpu.memory_space<semaphore_mem>>
      %dma_start3A_81 = arith.constant 0 : i32
      %dma_start3A_82 = tpu.memref_slice %arg2[%dma_start3A_81, %mul3A_2] : memref<2x16384xi32, #tpu.memory_space<hbm>> -> memref<2x512xi32, #tpu.memory_space<hbm>>
      %dma_start3A_83 = arith.constant 0 : i32
      %dma_start3A_84 = tpu.memref_slice %arg2[%dma_start3A_83, %mul3A_2] : memref<2x16384xi32, #tpu.memory_space<hbm>> -> memref<2x512xi32, #tpu.memory_space<hbm>>
      tpu.enqueue_dma source(%dma_start3A_84 : memref<2x512xi32, #tpu.memory_space<hbm>>) target(%arg5 : memref<2x512xi32, #tpu.memory_space<vmem>>) target_semaphore(%run_scoped3A : memref<!tpu.dma_semaphore, #tpu.memory_space<semaphore_mem>>)
      %dma_wait3A_85 = arith.constant 0 : i32
      %dma_wait3A_86 = tpu.memref_slice %arg2[%dma_wait3A_85, %mul3A_2] : memref<2x16384xi32, #tpu.memory_space<hbm>> -> memref<2x512xi32, #tpu.memory_space<hbm>>
      %dma_wait3A_87 = arith.constant 0 : i32
      %dma_wait3A_88 = tpu.memref_slice %arg2[%dma_wait3A_87, %mul3A_2] : memref<2x16384xi32, #tpu.memory_space<hbm>> -> memref<2x512xi32, #tpu.memory_space<hbm>>
      tpu.wait_dma2 semaphore(%run_scoped3A : memref<!tpu.dma_semaphore, #tpu.memory_space<semaphore_mem>>) src(%dma_wait3A_88 : memref<2x512xi32, #tpu.memory_space<hbm>>) dst(%arg5 : memref<2x512xi32, #tpu.memory_space<vmem>>)
      tpu.yield
    }) : () -> ()
    %dma_start3A = arith.constant 1 : i32
    %dma_start3A_3 = arith.constant 0 : i32
    %dma_start3A_4 = arith.constant 0 : i32
    %dma_start3A_5 = tpu.memref_slice %arg6[%dma_start3A_3, %dma_start3A_4] : memref<512x128xf32, #tpu.memory_space<vmem>> -> memref<128x128xf32, #tpu.memory_space<vmem>>
    %dma_start3A_6 = arith.constant 0 : i32
    %dma_start3A_7 = tpu.memref_slice %arg5[%dma_start3A, %dma_start3A_6] : memref<2x512xi32, #tpu.memory_space<vmem>> -> memref<1x128xi32, #tpu.memory_space<vmem>>
    %dma_start3A_8 = tpu.memref_squeeze %dma_start3A_7 : memref<1x128xi32, #tpu.memory_space<vmem>> -> memref<128xi32, #tpu.memory_space<vmem>>
    %dma_start3A_9 = arith.constant 0 : i32
    %dma_start3A_10 = arith.constant 0 : i32
    %dma_start3A_11 = tpu.memref_slice %arg3[%dma_start3A_9, %dma_start3A_10] : memref<1000x128xf32, #tpu.memory_space<hbm>> -> memref<1000x128xf32, #tpu.memory_space<hbm>>
    tpu.enqueue_indirect_dma source(%dma_start3A_11 : memref<1000x128xf32, #tpu.memory_space<hbm>>) target(%dma_start3A_5 : memref<128x128xf32, #tpu.memory_space<vmem>>) offsets(%dma_start3A_8 : memref<128xi32, #tpu.memory_space<vmem>>) semaphore(%arg7 : memref<!tpu.dma_semaphore, #tpu.memory_space<semaphore_mem>>)
    %dma_start3A_12 = arith.constant 1 : i32
    %dma_start3A_13 = arith.constant 128 : i32
    %dma_start3A_14 = arith.constant 0 : i32
    %dma_start3A_15 = tpu.memref_slice %arg6[%dma_start3A_13, %dma_start3A_14] : memref<512x128xf32, #tpu.memory_space<vmem>> -> memref<128x128xf32, #tpu.memory_space<vmem>>
    %dma_start3A_16 = arith.constant 128 : i32
    %dma_start3A_17 = tpu.memref_slice %arg5[%dma_start3A_12, %dma_start3A_16] : memref<2x512xi32, #tpu.memory_space<vmem>> -> memref<1x128xi32, #tpu.memory_space<vmem>>
    %dma_start3A_18 = tpu.memref_squeeze %dma_start3A_17 : memref<1x128xi32, #tpu.memory_space<vmem>> -> memref<128xi32, #tpu.memory_space<vmem>>
    %dma_start3A_19 = arith.constant 0 : i32
    %dma_start3A_20 = arith.constant 0 : i32
    %dma_start3A_21 = tpu.memref_slice %arg3[%dma_start3A_19, %dma_start3A_20] : memref<1000x128xf32, #tpu.memory_space<hbm>> -> memref<1000x128xf32, #tpu.memory_space<hbm>>
    tpu.enqueue_indirect_dma source(%dma_start3A_21 : memref<1000x128xf32, #tpu.memory_space<hbm>>) target(%dma_start3A_15 : memref<128x128xf32, #tpu.memory_space<vmem>>) offsets(%dma_start3A_18 : memref<128xi32, #tpu.memory_space<vmem>>) semaphore(%arg7 : memref<!tpu.dma_semaphore, #tpu.memory_space<semaphore_mem>>)
    %dma_start3A_22 = arith.constant 1 : i32
    %dma_start3A_23 = arith.constant 256 : i32
    %dma_start3A_24 = arith.constant 0 : i32
    %dma_start3A_25 = tpu.memref_slice %arg6[%dma_start3A_23, %dma_start3A_24] : memref<512x128xf32, #tpu.memory_space<vmem>> -> memref<128x128xf32, #tpu.memory_space<vmem>>
    %dma_start3A_26 = arith.constant 256 : i32
    %dma_start3A_27 = tpu.memref_slice %arg5[%dma_start3A_22, %dma_start3A_26] : memref<2x512xi32, #tpu.memory_space<vmem>> -> memref<1x128xi32, #tpu.memory_space<vmem>>
    %dma_start3A_28 = tpu.memref_squeeze %dma_start3A_27 : memref<1x128xi32, #tpu.memory_space<vmem>> -> memref<128xi32, #tpu.memory_space<vmem>>
    %dma_start3A_29 = arith.constant 0 : i32
    %dma_start3A_30 = arith.constant 0 : i32
    %dma_start3A_31 = tpu.memref_slice %arg3[%dma_start3A_29, %dma_start3A_30] : memref<1000x128xf32, #tpu.memory_space<hbm>> -> memref<1000x128xf32, #tpu.memory_space<hbm>>
    tpu.enqueue_indirect_dma source(%dma_start3A_31 : memref<1000x128xf32, #tpu.memory_space<hbm>>) target(%dma_start3A_25 : memref<128x128xf32, #tpu.memory_space<vmem>>) offsets(%dma_start3A_28 : memref<128xi32, #tpu.memory_space<vmem>>) semaphore(%arg7 : memref<!tpu.dma_semaphore, #tpu.memory_space<semaphore_mem>>)
    %dma_start3A_32 = arith.constant 1 : i32
    %dma_start3A_33 = arith.constant 384 : i32
    %dma_start3A_34 = arith.constant 0 : i32
    %dma_start3A_35 = tpu.memref_slice %arg6[%dma_start3A_33, %dma_start3A_34] : memref<512x128xf32, #tpu.memory_space<vmem>> -> memref<128x128xf32, #tpu.memory_space<vmem>>
    %dma_start3A_36 = arith.constant 384 : i32
    %dma_start3A_37 = tpu.memref_slice %arg5[%dma_start3A_32, %dma_start3A_36] : memref<2x512xi32, #tpu.memory_space<vmem>> -> memref<1x128xi32, #tpu.memory_space<vmem>>
    %dma_start3A_38 = tpu.memref_squeeze %dma_start3A_37 : memref<1x128xi32, #tpu.memory_space<vmem>> -> memref<128xi32, #tpu.memory_space<vmem>>
    %dma_start3A_39 = arith.constant 0 : i32
    %dma_start3A_40 = arith.constant 0 : i32
    %dma_start3A_41 = tpu.memref_slice %arg3[%dma_start3A_39, %dma_start3A_40] : memref<1000x128xf32, #tpu.memory_space<hbm>> -> memref<1000x128xf32, #tpu.memory_space<hbm>>
    tpu.enqueue_indirect_dma source(%dma_start3A_41 : memref<1000x128xf32, #tpu.memory_space<hbm>>) target(%dma_start3A_35 : memref<128x128xf32, #tpu.memory_space<vmem>>) offsets(%dma_start3A_38 : memref<128xi32, #tpu.memory_space<vmem>>) semaphore(%arg7 : memref<!tpu.dma_semaphore, #tpu.memory_space<semaphore_mem>>)
    %dma_wait3A = arith.constant 1 : i32
    %dma_wait3A_42 = arith.constant 0 : i32
    %dma_wait3A_43 = arith.constant 0 : i32
    %dma_wait3A_44 = tpu.memref_slice %arg6[%dma_wait3A_42, %dma_wait3A_43] : memref<512x128xf32, #tpu.memory_space<vmem>> -> memref<128x128xf32, #tpu.memory_space<vmem>>
    %dma_wait3A_45 = arith.constant 0 : i32
    %dma_wait3A_46 = tpu.memref_slice %arg5[%dma_wait3A, %dma_wait3A_45] : memref<2x512xi32, #tpu.memory_space<vmem>> -> memref<1x128xi32, #tpu.memory_space<vmem>>
    %dma_wait3A_47 = tpu.memref_squeeze %dma_wait3A_46 : memref<1x128xi32, #tpu.memory_space<vmem>> -> memref<128xi32, #tpu.memory_space<vmem>>
    %dma_wait3A_48 = arith.constant 0 : i32
    %dma_wait3A_49 = arith.constant 0 : i32
    %dma_wait3A_50 = tpu.memref_slice %arg3[%dma_wait3A_48, %dma_wait3A_49] : memref<1000x128xf32, #tpu.memory_space<hbm>> -> memref<1000x128xf32, #tpu.memory_space<hbm>>
    tpu.wait_indirect_dma semaphore(%arg7 : memref<!tpu.dma_semaphore, #tpu.memory_space<semaphore_mem>>) src(%dma_wait3A_50 : memref<1000x128xf32, #tpu.memory_space<hbm>>) dst(%dma_wait3A_44 : memref<128x128xf32, #tpu.memory_space<vmem>>)
    %dma_wait3A_51 = arith.constant 1 : i32
    %dma_wait3A_52 = arith.constant 128 : i32
    %dma_wait3A_53 = arith.constant 0 : i32
    %dma_wait3A_54 = tpu.memref_slice %arg6[%dma_wait3A_52, %dma_wait3A_53] : memref<512x128xf32, #tpu.memory_space<vmem>> -> memref<128x128xf32, #tpu.memory_space<vmem>>
    %dma_wait3A_55 = arith.constant 128 : i32
    %dma_wait3A_56 = tpu.memref_slice %arg5[%dma_wait3A_51, %dma_wait3A_55] : memref<2x512xi32, #tpu.memory_space<vmem>> -> memref<1x128xi32, #tpu.memory_space<vmem>>
    %dma_wait3A_57 = tpu.memref_squeeze %dma_wait3A_56 : memref<1x128xi32, #tpu.memory_space<vmem>> -> memref<128xi32, #tpu.memory_space<vmem>>
    %dma_wait3A_58 = arith.constant 0 : i32
    %dma_wait3A_59 = arith.constant 0 : i32
    %dma_wait3A_60 = tpu.memref_slice %arg3[%dma_wait3A_58, %dma_wait3A_59] : memref<1000x128xf32, #tpu.memory_space<hbm>> -> memref<1000x128xf32, #tpu.memory_space<hbm>>
    tpu.wait_indirect_dma semaphore(%arg7 : memref<!tpu.dma_semaphore, #tpu.memory_space<semaphore_mem>>) src(%dma_wait3A_60 : memref<1000x128xf32, #tpu.memory_space<hbm>>) dst(%dma_wait3A_54 : memref<128x128xf32, #tpu.memory_space<vmem>>)
    %dma_wait3A_61 = arith.constant 1 : i32
    %dma_wait3A_62 = arith.constant 256 : i32
    %dma_wait3A_63 = arith.constant 0 : i32
    %dma_wait3A_64 = tpu.memref_slice %arg6[%dma_wait3A_62, %dma_wait3A_63] : memref<512x128xf32, #tpu.memory_space<vmem>> -> memref<128x128xf32, #tpu.memory_space<vmem>>
    %dma_wait3A_65 = arith.constant 256 : i32
    %dma_wait3A_66 = tpu.memref_slice %arg5[%dma_wait3A_61, %dma_wait3A_65] : memref<2x512xi32, #tpu.memory_space<vmem>> -> memref<1x128xi32, #tpu.memory_space<vmem>>
    %dma_wait3A_67 = tpu.memref_squeeze %dma_wait3A_66 : memref<1x128xi32, #tpu.memory_space<vmem>> -> memref<128xi32, #tpu.memory_space<vmem>>
    %dma_wait3A_68 = arith.constant 0 : i32
    %dma_wait3A_69 = arith.constant 0 : i32
    %dma_wait3A_70 = tpu.memref_slice %arg3[%dma_wait3A_68, %dma_wait3A_69] : memref<1000x128xf32, #tpu.memory_space<hbm>> -> memref<1000x128xf32, #tpu.memory_space<hbm>>
    tpu.wait_indirect_dma semaphore(%arg7 : memref<!tpu.dma_semaphore, #tpu.memory_space<semaphore_mem>>) src(%dma_wait3A_70 : memref<1000x128xf32, #tpu.memory_space<hbm>>) dst(%dma_wait3A_64 : memref<128x128xf32, #tpu.memory_space<vmem>>)
    %dma_wait3A_71 = arith.constant 1 : i32
    %dma_wait3A_72 = arith.constant 384 : i32
    %dma_wait3A_73 = arith.constant 0 : i32
    %dma_wait3A_74 = tpu.memref_slice %arg6[%dma_wait3A_72, %dma_wait3A_73] : memref<512x128xf32, #tpu.memory_space<vmem>> -> memref<128x128xf32, #tpu.memory_space<vmem>>
    %dma_wait3A_75 = arith.constant 384 : i32
    %dma_wait3A_76 = tpu.memref_slice %arg5[%dma_wait3A_71, %dma_wait3A_75] : memref<2x512xi32, #tpu.memory_space<vmem>> -> memref<1x128xi32, #tpu.memory_space<vmem>>
    %dma_wait3A_77 = tpu.memref_squeeze %dma_wait3A_76 : memref<1x128xi32, #tpu.memory_space<vmem>> -> memref<128xi32, #tpu.memory_space<vmem>>
    %dma_wait3A_78 = arith.constant 0 : i32
    %dma_wait3A_79 = arith.constant 0 : i32
    %dma_wait3A_80 = tpu.memref_slice %arg3[%dma_wait3A_78, %dma_wait3A_79] : memref<1000x128xf32, #tpu.memory_space<hbm>> -> memref<1000x128xf32, #tpu.memory_space<hbm>>
    tpu.wait_indirect_dma semaphore(%arg7 : memref<!tpu.dma_semaphore, #tpu.memory_space<semaphore_mem>>) src(%dma_wait3A_80 : memref<1000x128xf32, #tpu.memory_space<hbm>>) dst(%dma_wait3A_74 : memref<128x128xf32, #tpu.memory_space<vmem>>)
    "tpu.region"() ({
      %run_scoped3A = tpu.sem_alloc : memref<!tpu.dma_semaphore, #tpu.memory_space<semaphore_mem>>
      %dma_start3A_81 = arith.constant 0 : i32
      %dma_start3A_82 = tpu.memref_slice %arg4[%mul3A_2, %dma_start3A_81] : memref<16384x128xf32, #tpu.memory_space<hbm>> -> memref<512x128xf32, #tpu.memory_space<hbm>>
      %dma_start3A_83 = arith.constant 0 : i32
      %dma_start3A_84 = tpu.memref_slice %arg4[%mul3A_2, %dma_start3A_83] : memref<16384x128xf32, #tpu.memory_space<hbm>> -> memref<512x128xf32, #tpu.memory_space<hbm>>
      tpu.enqueue_dma source(%arg6 : memref<512x128xf32, #tpu.memory_space<vmem>>) target(%dma_start3A_84 : memref<512x128xf32, #tpu.memory_space<hbm>>) target_semaphore(%run_scoped3A : memref<!tpu.dma_semaphore, #tpu.memory_space<semaphore_mem>>)
      %dma_wait3A_85 = arith.constant 0 : i32
      %dma_wait3A_86 = tpu.memref_slice %arg4[%mul3A_2, %dma_wait3A_85] : memref<16384x128xf32, #tpu.memory_space<hbm>> -> memref<512x128xf32, #tpu.memory_space<hbm>>
      %dma_wait3A_87 = arith.constant 0 : i32
      %dma_wait3A_88 = tpu.memref_slice %arg4[%mul3A_2, %dma_wait3A_87] : memref<16384x128xf32, #tpu.memory_space<hbm>> -> memref<512x128xf32, #tpu.memory_space<hbm>>
      tpu.wait_dma2 semaphore(%run_scoped3A : memref<!tpu.dma_semaphore, #tpu.memory_space<semaphore_mem>>) src(%arg6 : memref<512x128xf32, #tpu.memory_space<vmem>>) dst(%dma_wait3A_88 : memref<512x128xf32, #tpu.memory_space<hbm>>)
      tpu.yield
    }) : () -> ()
    return
  }
}

module attributes {stable_mosaic.version = 14 : i64} {
  func.func @_repack_body(%arg0: i32, %arg1: memref<64x16384xf32, #tpu.memory_space<vmem>>, %arg2: memref<8192x128xf32, #tpu.memory_space<vmem>>) attributes {dimension_semantics = [#tpu.dimension_semantics<arbitrary>], iteration_bounds = array<i64: 7>, scalar_prefetch = 0 : i64, scratch_operands = 0 : i64, tpu.core_type = #tpu.core_type<tc>, window_params = [{transform_indices = @transform_0, window_bounds = array<i64: 64, 16384>}, {transform_indices = @transform_1, window_bounds = array<i64: 8192, 128>}]} {
    %iota3A = tpu.iota {dimensions = array<i32: 0>} : vector<64x128xi32>
    %iota3A_0 = tpu.iota {dimensions = array<i32: 1>} : vector<64x128xi32>
    %mul3A = arith.constant 2 : i32
    %mul3A_1 = vector.broadcast %mul3A : i32 to vector<64x128xi32>
    %mul3A_2 = arith.muli %mul3A_1, %iota3A : vector<64x128xi32>
    %eq3A = arith.cmpi eq, %iota3A_0, %mul3A_2 : vector<64x128xi32>
    %convert_element_type3A = arith.extui %eq3A : vector<64x128xi1> to vector<64x128xi32>
    %convert_element_type3A_3 = arith.sitofp %convert_element_type3A : vector<64x128xi32> to vector<64x128xf32>
    %mul3A_4 = arith.constant 2 : i32
    %mul3A_5 = vector.broadcast %mul3A_4 : i32 to vector<64x128xi32>
    %mul3A_6 = arith.muli %mul3A_5, %iota3A : vector<64x128xi32>
    %add3A = arith.constant 1 : i32
    %add3A_7 = vector.broadcast %add3A : i32 to vector<64x128xi32>
    %add3A_8 = arith.addi %mul3A_6, %add3A_7 : vector<64x128xi32>
    %eq3A_9 = arith.cmpi eq, %iota3A_0, %add3A_8 : vector<64x128xi32>
    %convert_element_type3A_10 = arith.extui %eq3A_9 : vector<64x128xi1> to vector<64x128xi32>
    %convert_element_type3A_11 = arith.sitofp %convert_element_type3A_10 : vector<64x128xi32> to vector<64x128xf32>
    %get3A = arith.constant 0 : index
    %get3A_12 = arith.constant 0 : index
    %get3A_13 = vector.load %arg1[%get3A, %get3A_12] : memref<64x16384xf32, #tpu.memory_space<vmem>>, vector<64x128xf32>
    %dot_general3A = arith.constant dense<0.000000e+00> : vector<64x64xf32>
    %dot_general3A_14 = tpu.matmul %convert_element_type3A_3, %get3A_13, %dot_general3A {dimension_numbers = #tpu.dot_dimension_numbers<[1], [1], [0], [0], [0, 0, 1, 0], [], []>, transpose_lhs_hint = false} : vector<64x128xf32>, vector<64x128xf32>, vector<64x64xf32> -> vector<64x64xf32>
    %dot_general3A_15 = arith.constant dense<0.000000e+00> : vector<64x64xf32>
    %dot_general3A_16 = tpu.matmul %convert_element_type3A_11, %get3A_13, %dot_general3A_15 {dimension_numbers = #tpu.dot_dimension_numbers<[1], [1], [0], [0], [0, 0, 1, 0], [], []>, transpose_lhs_hint = false} : vector<64x128xf32>, vector<64x128xf32>, vector<64x64xf32> -> vector<64x64xf32>
    %concatenate3A = tpu.concatenate %dot_general3A_14, %dot_general3A_16 in 1 : vector<64x64xf32>, vector<64x64xf32> -> vector<64x128xf32>
    %get3A_17 = arith.constant 0 : index
    %get3A_18 = arith.constant 128 : index
    %get3A_19 = vector.load %arg1[%get3A_17, %get3A_18] : memref<64x16384xf32, #tpu.memory_space<vmem>>, vector<64x128xf32>
    %dot_general3A_20 = arith.constant dense<0.000000e+00> : vector<64x64xf32>
    %dot_general3A_21 = tpu.matmul %convert_element_type3A_3, %get3A_19, %dot_general3A_20 {dimension_numbers = #tpu.dot_dimension_numbers<[1], [1], [0], [0], [0, 0, 1, 0], [], []>, transpose_lhs_hint = false} : vector<64x128xf32>, vector<64x128xf32>, vector<64x64xf32> -> vector<64x64xf32>
    %dot_general3A_22 = arith.constant dense<0.000000e+00> : vector<64x64xf32>
    %dot_general3A_23 = tpu.matmul %convert_element_type3A_11, %get3A_19, %dot_general3A_22 {dimension_numbers = #tpu.dot_dimension_numbers<[1], [1], [0], [0], [0, 0, 1, 0], [], []>, transpose_lhs_hint = false} : vector<64x128xf32>, vector<64x128xf32>, vector<64x64xf32> -> vector<64x64xf32>
    %concatenate3A_24 = tpu.concatenate %dot_general3A_21, %dot_general3A_23 in 1 : vector<64x64xf32>, vector<64x64xf32> -> vector<64x128xf32>
    %get3A_25 = arith.constant 0 : index
    %get3A_26 = arith.constant 256 : index
    %get3A_27 = vector.load %arg1[%get3A_25, %get3A_26] : memref<64x16384xf32, #tpu.memory_space<vmem>>, vector<64x128xf32>
    %dot_general3A_28 = arith.constant dense<0.000000e+00> : vector<64x64xf32>
    %dot_general3A_29 = tpu.matmul %convert_element_type3A_3, %get3A_27, %dot_general3A_28 {dimension_numbers = #tpu.dot_dimension_numbers<[1], [1], [0], [0], [0, 0, 1, 0], [], []>, transpose_lhs_hint = false} : vector<64x128xf32>, vector<64x128xf32>, vector<64x64xf32> -> vector<64x64xf32>
    %dot_general3A_30 = arith.constant dense<0.000000e+00> : vector<64x64xf32>
    %dot_general3A_31 = tpu.matmul %convert_element_type3A_11, %get3A_27, %dot_general3A_30 {dimension_numbers = #tpu.dot_dimension_numbers<[1], [1], [0], [0], [0, 0, 1, 0], [], []>, transpose_lhs_hint = false} : vector<64x128xf32>, vector<64x128xf32>, vector<64x64xf32> -> vector<64x64xf32>
    %concatenate3A_32 = tpu.concatenate %dot_general3A_29, %dot_general3A_31 in 1 : vector<64x64xf32>, vector<64x64xf32> -> vector<64x128xf32>
    %get3A_33 = arith.constant 0 : index
    %get3A_34 = arith.constant 384 : index
    %get3A_35 = vector.load %arg1[%get3A_33, %get3A_34] : memref<64x16384xf32, #tpu.memory_space<vmem>>, vector<64x128xf32>
    %dot_general3A_36 = arith.constant dense<0.000000e+00> : vector<64x64xf32>
    %dot_general3A_37 = tpu.matmul %convert_element_type3A_3, %get3A_35, %dot_general3A_36 {dimension_numbers = #tpu.dot_dimension_numbers<[1], [1], [0], [0], [0, 0, 1, 0], [], []>, transpose_lhs_hint = false} : vector<64x128xf32>, vector<64x128xf32>, vector<64x64xf32> -> vector<64x64xf32>
    %dot_general3A_38 = arith.constant dense<0.000000e+00> : vector<64x64xf32>
    %dot_general3A_39 = tpu.matmul %convert_element_type3A_11, %get3A_35, %dot_general3A_38 {dimension_numbers = #tpu.dot_dimension_numbers<[1], [1], [0], [0], [0, 0, 1, 0], [], []>, transpose_lhs_hint = false} : vector<64x128xf32>, vector<64x128xf32>, vector<64x64xf32> -> vector<64x64xf32>
    %concatenate3A_40 = tpu.concatenate %dot_general3A_37, %dot_general3A_39 in 1 : vector<64x64xf32>, vector<64x64xf32> -> vector<64x128xf32>
    %get3A_41 = arith.constant 0 : index
    %get3A_42 = arith.constant 512 : index
    %get3A_43 = vector.load %arg1[%get3A_41, %get3A_42] : memref<64x16384xf32, #tpu.memory_space<vmem>>, vector<64x128xf32>
    %dot_general3A_44 = arith.constant dense<0.000000e+00> : vector<64x64xf32>
    %dot_general3A_45 = tpu.matmul %convert_element_type3A_3, %get3A_43, %dot_general3A_44 {dimension_numbers = #tpu.dot_dimension_numbers<[1], [1], [0], [0], [0, 0, 1, 0], [], []>, transpose_lhs_hint = false} : vector<64x128xf32>, vector<64x128xf32>, vector<64x64xf32> -> vector<64x64xf32>
    %dot_general3A_46 = arith.constant dense<0.000000e+00> : vector<64x64xf32>
    %dot_general3A_47 = tpu.matmul %convert_element_type3A_11, %get3A_43, %dot_general3A_46 {dimension_numbers = #tpu.dot_dimension_numbers<[1], [1], [0], [0], [0, 0, 1, 0], [], []>, transpose_lhs_hint = false} : vector<64x128xf32>, vector<64x128xf32>, vector<64x64xf32> -> vector<64x64xf32>
    %concatenate3A_48 = tpu.concatenate %dot_general3A_45, %dot_general3A_47 in 1 : vector<64x64xf32>, vector<64x64xf32> -> vector<64x128xf32>
    %get3A_49 = arith.constant 0 : index
    %get3A_50 = arith.constant 640 : index
    %get3A_51 = vector.load %arg1[%get3A_49, %get3A_50] : memref<64x16384xf32, #tpu.memory_space<vmem>>, vector<64x128xf32>
    %dot_general3A_52 = arith.constant dense<0.000000e+00> : vector<64x64xf32>
    %dot_general3A_53 = tpu.matmul %convert_element_type3A_3, %get3A_51, %dot_general3A_52 {dimension_numbers = #tpu.dot_dimension_numbers<[1], [1], [0], [0], [0, 0, 1, 0], [], []>, transpose_lhs_hint = false} : vector<64x128xf32>, vector<64x128xf32>, vector<64x64xf32> -> vector<64x64xf32>
    %dot_general3A_54 = arith.constant dense<0.000000e+00> : vector<64x64xf32>
    %dot_general3A_55 = tpu.matmul %convert_element_type3A_11, %get3A_51, %dot_general3A_54 {dimension_numbers = #tpu.dot_dimension_numbers<[1], [1], [0], [0], [0, 0, 1, 0], [], []>, transpose_lhs_hint = false} : vector<64x128xf32>, vector<64x128xf32>, vector<64x64xf32> -> vector<64x64xf32>
    %concatenate3A_56 = tpu.concatenate %dot_general3A_53, %dot_general3A_55 in 1 : vector<64x64xf32>, vector<64x64xf32> -> vector<64x128xf32>
    %get3A_57 = arith.constant 0 : index
    %get3A_58 = arith.constant 768 : index
    %get3A_59 = vector.load %arg1[%get3A_57, %get3A_58] : memref<64x16384xf32, #tpu.memory_space<vmem>>, vector<64x128xf32>
    %dot_general3A_60 = arith.constant dense<0.000000e+00> : vector<64x64xf32>
    %dot_general3A_61 = tpu.matmul %convert_element_type3A_3, %get3A_59, %dot_general3A_60 {dimension_numbers = #tpu.dot_dimension_numbers<[1], [1], [0], [0], [0, 0, 1, 0], [], []>, transpose_lhs_hint = false} : vector<64x128xf32>, vector<64x128xf32>, vector<64x64xf32> -> vector<64x64xf32>
    %dot_general3A_62 = arith.constant dense<0.000000e+00> : vector<64x64xf32>
    %dot_general3A_63 = tpu.matmul %convert_element_type3A_11, %get3A_59, %dot_general3A_62 {dimension_numbers = #tpu.dot_dimension_numbers<[1], [1], [0], [0], [0, 0, 1, 0], [], []>, transpose_lhs_hint = false} : vector<64x128xf32>, vector<64x128xf32>, vector<64x64xf32> -> vector<64x64xf32>
    %concatenate3A_64 = tpu.concatenate %dot_general3A_61, %dot_general3A_63 in 1 : vector<64x64xf32>, vector<64x64xf32> -> vector<64x128xf32>
    %get3A_65 = arith.constant 0 : index
    %get3A_66 = arith.constant 896 : index
    %get3A_67 = vector.load %arg1[%get3A_65, %get3A_66] : memref<64x16384xf32, #tpu.memory_space<vmem>>, vector<64x128xf32>
    %dot_general3A_68 = arith.constant dense<0.000000e+00> : vector<64x64xf32>
    %dot_general3A_69 = tpu.matmul %convert_element_type3A_3, %get3A_67, %dot_general3A_68 {dimension_numbers = #tpu.dot_dimension_numbers<[1], [1], [0], [0], [0, 0, 1, 0], [], []>, transpose_lhs_hint = false} : vector<64x128xf32>, vector<64x128xf32>, vector<64x64xf32> -> vector<64x64xf32>
    %dot_general3A_70 = arith.constant dense<0.000000e+00> : vector<64x64xf32>
    %dot_general3A_71 = tpu.matmul %convert_element_type3A_11, %get3A_67, %dot_general3A_70 {dimension_numbers = #tpu.dot_dimension_numbers<[1], [1], [0], [0], [0, 0, 1, 0], [], []>, transpose_lhs_hint = false} : vector<64x128xf32>, vector<64x128xf32>, vector<64x64xf32> -> vector<64x64xf32>
    %concatenate3A_72 = tpu.concatenate %dot_general3A_69, %dot_general3A_71 in 1 : vector<64x64xf32>, vector<64x64xf32> -> vector<64x128xf32>
    %get3A_73 = arith.constant 0 : index
    %get3A_74 = arith.constant 1024 : index
    %get3A_75 = vector.load %arg1[%get3A_73, %get3A_74] : memref<64x16384xf32, #tpu.memory_space<vmem>>, vector<64x128xf32>
    %dot_general3A_76 = arith.constant dense<0.000000e+00> : vector<64x64xf32>
    %dot_general3A_77 = tpu.matmul %convert_element_type3A_3, %get3A_75, %dot_general3A_76 {dimension_numbers = #tpu.dot_dimension_numbers<[1], [1], [0], [0], [0, 0, 1, 0], [], []>, transpose_lhs_hint = false} : vector<64x128xf32>, vector<64x128xf32>, vector<64x64xf32> -> vector<64x64xf32>
    %dot_general3A_78 = arith.constant dense<0.000000e+00> : vector<64x64xf32>
    %dot_general3A_79 = tpu.matmul %convert_element_type3A_11, %get3A_75, %dot_general3A_78 {dimension_numbers = #tpu.dot_dimension_numbers<[1], [1], [0], [0], [0, 0, 1, 0], [], []>, transpose_lhs_hint = false} : vector<64x128xf32>, vector<64x128xf32>, vector<64x64xf32> -> vector<64x64xf32>
    %concatenate3A_80 = tpu.concatenate %dot_general3A_77, %dot_general3A_79 in 1 : vector<64x64xf32>, vector<64x64xf32> -> vector<64x128xf32>
    %get3A_81 = arith.constant 0 : index
    %get3A_82 = arith.constant 1152 : index
    %get3A_83 = vector.load %arg1[%get3A_81, %get3A_82] : memref<64x16384xf32, #tpu.memory_space<vmem>>, vector<64x128xf32>
    %dot_general3A_84 = arith.constant dense<0.000000e+00> : vector<64x64xf32>
    %dot_general3A_85 = tpu.matmul %convert_element_type3A_3, %get3A_83, %dot_general3A_84 {dimension_numbers = #tpu.dot_dimension_numbers<[1], [1], [0], [0], [0, 0, 1, 0], [], []>, transpose_lhs_hint = false} : vector<64x128xf32>, vector<64x128xf32>, vector<64x64xf32> -> vector<64x64xf32>
    %dot_general3A_86 = arith.constant dense<0.000000e+00> : vector<64x64xf32>
    %dot_general3A_87 = tpu.matmul %convert_element_type3A_11, %get3A_83, %dot_general3A_86 {dimension_numbers = #tpu.dot_dimension_numbers<[1], [1], [0], [0], [0, 0, 1, 0], [], []>, transpose_lhs_hint = false} : vector<64x128xf32>, vector<64x128xf32>, vector<64x64xf32> -> vector<64x64xf32>
    %concatenate3A_88 = tpu.concatenate %dot_general3A_85, %dot_general3A_87 in 1 : vector<64x64xf32>, vector<64x64xf32> -> vector<64x128xf32>
    %get3A_89 = arith.constant 0 : index
    %get3A_90 = arith.constant 1280 : index
    %get3A_91 = vector.load %arg1[%get3A_89, %get3A_90] : memref<64x16384xf32, #tpu.memory_space<vmem>>, vector<64x128xf32>
    %dot_general3A_92 = arith.constant dense<0.000000e+00> : vector<64x64xf32>
    %dot_general3A_93 = tpu.matmul %convert_element_type3A_3, %get3A_91, %dot_general3A_92 {dimension_numbers = #tpu.dot_dimension_numbers<[1], [1], [0], [0], [0, 0, 1, 0], [], []>, transpose_lhs_hint = false} : vector<64x128xf32>, vector<64x128xf32>, vector<64x64xf32> -> vector<64x64xf32>
    %dot_general3A_94 = arith.constant dense<0.000000e+00> : vector<64x64xf32>
    %dot_general3A_95 = tpu.matmul %convert_element_type3A_11, %get3A_91, %dot_general3A_94 {dimension_numbers = #tpu.dot_dimension_numbers<[1], [1], [0], [0], [0, 0, 1, 0], [], []>, transpose_lhs_hint = false} : vector<64x128xf32>, vector<64x128xf32>, vector<64x64xf32> -> vector<64x64xf32>
    %concatenate3A_96 = tpu.concatenate %dot_general3A_93, %dot_general3A_95 in 1 : vector<64x64xf32>, vector<64x64xf32> -> vector<64x128xf32>
    %get3A_97 = arith.constant 0 : index
    %get3A_98 = arith.constant 1408 : index
    %get3A_99 = vector.load %arg1[%get3A_97, %get3A_98] : memref<64x16384xf32, #tpu.memory_space<vmem>>, vector<64x128xf32>
    %dot_general3A_100 = arith.constant dense<0.000000e+00> : vector<64x64xf32>
    %dot_general3A_101 = tpu.matmul %convert_element_type3A_3, %get3A_99, %dot_general3A_100 {dimension_numbers = #tpu.dot_dimension_numbers<[1], [1], [0], [0], [0, 0, 1, 0], [], []>, transpose_lhs_hint = false} : vector<64x128xf32>, vector<64x128xf32>, vector<64x64xf32> -> vector<64x64xf32>
    %dot_general3A_102 = arith.constant dense<0.000000e+00> : vector<64x64xf32>
    %dot_general3A_103 = tpu.matmul %convert_element_type3A_11, %get3A_99, %dot_general3A_102 {dimension_numbers = #tpu.dot_dimension_numbers<[1], [1], [0], [0], [0, 0, 1, 0], [], []>, transpose_lhs_hint = false} : vector<64x128xf32>, vector<64x128xf32>, vector<64x64xf32> -> vector<64x64xf32>
    %concatenate3A_104 = tpu.concatenate %dot_general3A_101, %dot_general3A_103 in 1 : vector<64x64xf32>, vector<64x64xf32> -> vector<64x128xf32>
    %get3A_105 = arith.constant 0 : index
    %get3A_106 = arith.constant 1536 : index
    %get3A_107 = vector.load %arg1[%get3A_105, %get3A_106] : memref<64x16384xf32, #tpu.memory_space<vmem>>, vector<64x128xf32>
    %dot_general3A_108 = arith.constant dense<0.000000e+00> : vector<64x64xf32>
    %dot_general3A_109 = tpu.matmul %convert_element_type3A_3, %get3A_107, %dot_general3A_108 {dimension_numbers = #tpu.dot_dimension_numbers<[1], [1], [0], [0], [0, 0, 1, 0], [], []>, transpose_lhs_hint = false} : vector<64x128xf32>, vector<64x128xf32>, vector<64x64xf32> -> vector<64x64xf32>
    %dot_general3A_110 = arith.constant dense<0.000000e+00> : vector<64x64xf32>
    %dot_general3A_111 = tpu.matmul %convert_element_type3A_11, %get3A_107, %dot_general3A_110 {dimension_numbers = #tpu.dot_dimension_numbers<[1], [1], [0], [0], [0, 0, 1, 0], [], []>, transpose_lhs_hint = false} : vector<64x128xf32>, vector<64x128xf32>, vector<64x64xf32> -> vector<64x64xf32>
    %concatenate3A_112 = tpu.concatenate %dot_general3A_109, %dot_general3A_111 in 1 : vector<64x64xf32>, vector<64x64xf32> -> vector<64x128xf32>
    %get3A_113 = arith.constant 0 : index
    %get3A_114 = arith.constant 1664 : index
    %get3A_115 = vector.load %arg1[%get3A_113, %get3A_114] : memref<64x16384xf32, #tpu.memory_space<vmem>>, vector<64x128xf32>
    %dot_general3A_116 = arith.constant dense<0.000000e+00> : vector<64x64xf32>
    %dot_general3A_117 = tpu.matmul %convert_element_type3A_3, %get3A_115, %dot_general3A_116 {dimension_numbers = #tpu.dot_dimension_numbers<[1], [1], [0], [0], [0, 0, 1, 0], [], []>, transpose_lhs_hint = false} : vector<64x128xf32>, vector<64x128xf32>, vector<64x64xf32> -> vector<64x64xf32>
    %dot_general3A_118 = arith.constant dense<0.000000e+00> : vector<64x64xf32>
    %dot_general3A_119 = tpu.matmul %convert_element_type3A_11, %get3A_115, %dot_general3A_118 {dimension_numbers = #tpu.dot_dimension_numbers<[1], [1], [0], [0], [0, 0, 1, 0], [], []>, transpose_lhs_hint = false} : vector<64x128xf32>, vector<64x128xf32>, vector<64x64xf32> -> vector<64x64xf32>
    %concatenate3A_120 = tpu.concatenate %dot_general3A_117, %dot_general3A_119 in 1 : vector<64x64xf32>, vector<64x64xf32> -> vector<64x128xf32>
    %get3A_121 = arith.constant 0 : index
    %get3A_122 = arith.constant 1792 : index
    %get3A_123 = vector.load %arg1[%get3A_121, %get3A_122] : memref<64x16384xf32, #tpu.memory_space<vmem>>, vector<64x128xf32>
    %dot_general3A_124 = arith.constant dense<0.000000e+00> : vector<64x64xf32>
    %dot_general3A_125 = tpu.matmul %convert_element_type3A_3, %get3A_123, %dot_general3A_124 {dimension_numbers = #tpu.dot_dimension_numbers<[1], [1], [0], [0], [0, 0, 1, 0], [], []>, transpose_lhs_hint = false} : vector<64x128xf32>, vector<64x128xf32>, vector<64x64xf32> -> vector<64x64xf32>
    %dot_general3A_126 = arith.constant dense<0.000000e+00> : vector<64x64xf32>
    %dot_general3A_127 = tpu.matmul %convert_element_type3A_11, %get3A_123, %dot_general3A_126 {dimension_numbers = #tpu.dot_dimension_numbers<[1], [1], [0], [0], [0, 0, 1, 0], [], []>, transpose_lhs_hint = false} : vector<64x128xf32>, vector<64x128xf32>, vector<64x64xf32> -> vector<64x64xf32>
    %concatenate3A_128 = tpu.concatenate %dot_general3A_125, %dot_general3A_127 in 1 : vector<64x64xf32>, vector<64x64xf32> -> vector<64x128xf32>
    %get3A_129 = arith.constant 0 : index
    %get3A_130 = arith.constant 1920 : index
    %get3A_131 = vector.load %arg1[%get3A_129, %get3A_130] : memref<64x16384xf32, #tpu.memory_space<vmem>>, vector<64x128xf32>
    %dot_general3A_132 = arith.constant dense<0.000000e+00> : vector<64x64xf32>
    %dot_general3A_133 = tpu.matmul %convert_element_type3A_3, %get3A_131, %dot_general3A_132 {dimension_numbers = #tpu.dot_dimension_numbers<[1], [1], [0], [0], [0, 0, 1, 0], [], []>, transpose_lhs_hint = false} : vector<64x128xf32>, vector<64x128xf32>, vector<64x64xf32> -> vector<64x64xf32>
    %dot_general3A_134 = arith.constant dense<0.000000e+00> : vector<64x64xf32>
    %dot_general3A_135 = tpu.matmul %convert_element_type3A_11, %get3A_131, %dot_general3A_134 {dimension_numbers = #tpu.dot_dimension_numbers<[1], [1], [0], [0], [0, 0, 1, 0], [], []>, transpose_lhs_hint = false} : vector<64x128xf32>, vector<64x128xf32>, vector<64x64xf32> -> vector<64x64xf32>
    %concatenate3A_136 = tpu.concatenate %dot_general3A_133, %dot_general3A_135 in 1 : vector<64x64xf32>, vector<64x64xf32> -> vector<64x128xf32>
    %get3A_137 = arith.constant 0 : index
    %get3A_138 = arith.constant 2048 : index
    %get3A_139 = vector.load %arg1[%get3A_137, %get3A_138] : memref<64x16384xf32, #tpu.memory_space<vmem>>, vector<64x128xf32>
    %dot_general3A_140 = arith.constant dense<0.000000e+00> : vector<64x64xf32>
    %dot_general3A_141 = tpu.matmul %convert_element_type3A_3, %get3A_139, %dot_general3A_140 {dimension_numbers = #tpu.dot_dimension_numbers<[1], [1], [0], [0], [0, 0, 1, 0], [], []>, transpose_lhs_hint = false} : vector<64x128xf32>, vector<64x128xf32>, vector<64x64xf32> -> vector<64x64xf32>
    %dot_general3A_142 = arith.constant dense<0.000000e+00> : vector<64x64xf32>
    %dot_general3A_143 = tpu.matmul %convert_element_type3A_11, %get3A_139, %dot_general3A_142 {dimension_numbers = #tpu.dot_dimension_numbers<[1], [1], [0], [0], [0, 0, 1, 0], [], []>, transpose_lhs_hint = false} : vector<64x128xf32>, vector<64x128xf32>, vector<64x64xf32> -> vector<64x64xf32>
    %concatenate3A_144 = tpu.concatenate %dot_general3A_141, %dot_general3A_143 in 1 : vector<64x64xf32>, vector<64x64xf32> -> vector<64x128xf32>
    %get3A_145 = arith.constant 0 : index
    %get3A_146 = arith.constant 2176 : index
    %get3A_147 = vector.load %arg1[%get3A_145, %get3A_146] : memref<64x16384xf32, #tpu.memory_space<vmem>>, vector<64x128xf32>
    %dot_general3A_148 = arith.constant dense<0.000000e+00> : vector<64x64xf32>
    %dot_general3A_149 = tpu.matmul %convert_element_type3A_3, %get3A_147, %dot_general3A_148 {dimension_numbers = #tpu.dot_dimension_numbers<[1], [1], [0], [0], [0, 0, 1, 0], [], []>, transpose_lhs_hint = false} : vector<64x128xf32>, vector<64x128xf32>, vector<64x64xf32> -> vector<64x64xf32>
    %dot_general3A_150 = arith.constant dense<0.000000e+00> : vector<64x64xf32>
    %dot_general3A_151 = tpu.matmul %convert_element_type3A_11, %get3A_147, %dot_general3A_150 {dimension_numbers = #tpu.dot_dimension_numbers<[1], [1], [0], [0], [0, 0, 1, 0], [], []>, transpose_lhs_hint = false} : vector<64x128xf32>, vector<64x128xf32>, vector<64x64xf32> -> vector<64x64xf32>
    %concatenate3A_152 = tpu.concatenate %dot_general3A_149, %dot_general3A_151 in 1 : vector<64x64xf32>, vector<64x64xf32> -> vector<64x128xf32>
    %get3A_153 = arith.constant 0 : index
    %get3A_154 = arith.constant 2304 : index
    %get3A_155 = vector.load %arg1[%get3A_153, %get3A_154] : memref<64x16384xf32, #tpu.memory_space<vmem>>, vector<64x128xf32>
    %dot_general3A_156 = arith.constant dense<0.000000e+00> : vector<64x64xf32>
    %dot_general3A_157 = tpu.matmul %convert_element_type3A_3, %get3A_155, %dot_general3A_156 {dimension_numbers = #tpu.dot_dimension_numbers<[1], [1], [0], [0], [0, 0, 1, 0], [], []>, transpose_lhs_hint = false} : vector<64x128xf32>, vector<64x128xf32>, vector<64x64xf32> -> vector<64x64xf32>
    %dot_general3A_158 = arith.constant dense<0.000000e+00> : vector<64x64xf32>
    %dot_general3A_159 = tpu.matmul %convert_element_type3A_11, %get3A_155, %dot_general3A_158 {dimension_numbers = #tpu.dot_dimension_numbers<[1], [1], [0], [0], [0, 0, 1, 0], [], []>, transpose_lhs_hint = false} : vector<64x128xf32>, vector<64x128xf32>, vector<64x64xf32> -> vector<64x64xf32>
    %concatenate3A_160 = tpu.concatenate %dot_general3A_157, %dot_general3A_159 in 1 : vector<64x64xf32>, vector<64x64xf32> -> vector<64x128xf32>
    %get3A_161 = arith.constant 0 : index
    %get3A_162 = arith.constant 2432 : index
    %get3A_163 = vector.load %arg1[%get3A_161, %get3A_162] : memref<64x16384xf32, #tpu.memory_space<vmem>>, vector<64x128xf32>
    %dot_general3A_164 = arith.constant dense<0.000000e+00> : vector<64x64xf32>
    %dot_general3A_165 = tpu.matmul %convert_element_type3A_3, %get3A_163, %dot_general3A_164 {dimension_numbers = #tpu.dot_dimension_numbers<[1], [1], [0], [0], [0, 0, 1, 0], [], []>, transpose_lhs_hint = false} : vector<64x128xf32>, vector<64x128xf32>, vector<64x64xf32> -> vector<64x64xf32>
    %dot_general3A_166 = arith.constant dense<0.000000e+00> : vector<64x64xf32>
    %dot_general3A_167 = tpu.matmul %convert_element_type3A_11, %get3A_163, %dot_general3A_166 {dimension_numbers = #tpu.dot_dimension_numbers<[1], [1], [0], [0], [0, 0, 1, 0], [], []>, transpose_lhs_hint = false} : vector<64x128xf32>, vector<64x128xf32>, vector<64x64xf32> -> vector<64x64xf32>
    %concatenate3A_168 = tpu.concatenate %dot_general3A_165, %dot_general3A_167 in 1 : vector<64x64xf32>, vector<64x64xf32> -> vector<64x128xf32>
    %get3A_169 = arith.constant 0 : index
    %get3A_170 = arith.constant 2560 : index
    %get3A_171 = vector.load %arg1[%get3A_169, %get3A_170] : memref<64x16384xf32, #tpu.memory_space<vmem>>, vector<64x128xf32>
    %dot_general3A_172 = arith.constant dense<0.000000e+00> : vector<64x64xf32>
    %dot_general3A_173 = tpu.matmul %convert_element_type3A_3, %get3A_171, %dot_general3A_172 {dimension_numbers = #tpu.dot_dimension_numbers<[1], [1], [0], [0], [0, 0, 1, 0], [], []>, transpose_lhs_hint = false} : vector<64x128xf32>, vector<64x128xf32>, vector<64x64xf32> -> vector<64x64xf32>
    %dot_general3A_174 = arith.constant dense<0.000000e+00> : vector<64x64xf32>
    %dot_general3A_175 = tpu.matmul %convert_element_type3A_11, %get3A_171, %dot_general3A_174 {dimension_numbers = #tpu.dot_dimension_numbers<[1], [1], [0], [0], [0, 0, 1, 0], [], []>, transpose_lhs_hint = false} : vector<64x128xf32>, vector<64x128xf32>, vector<64x64xf32> -> vector<64x64xf32>
    %concatenate3A_176 = tpu.concatenate %dot_general3A_173, %dot_general3A_175 in 1 : vector<64x64xf32>, vector<64x64xf32> -> vector<64x128xf32>
    %get3A_177 = arith.constant 0 : index
    %get3A_178 = arith.constant 2688 : index
    %get3A_179 = vector.load %arg1[%get3A_177, %get3A_178] : memref<64x16384xf32, #tpu.memory_space<vmem>>, vector<64x128xf32>
    %dot_general3A_180 = arith.constant dense<0.000000e+00> : vector<64x64xf32>
    %dot_general3A_181 = tpu.matmul %convert_element_type3A_3, %get3A_179, %dot_general3A_180 {dimension_numbers = #tpu.dot_dimension_numbers<[1], [1], [0], [0], [0, 0, 1, 0], [], []>, transpose_lhs_hint = false} : vector<64x128xf32>, vector<64x128xf32>, vector<64x64xf32> -> vector<64x64xf32>
    %dot_general3A_182 = arith.constant dense<0.000000e+00> : vector<64x64xf32>
    %dot_general3A_183 = tpu.matmul %convert_element_type3A_11, %get3A_179, %dot_general3A_182 {dimension_numbers = #tpu.dot_dimension_numbers<[1], [1], [0], [0], [0, 0, 1, 0], [], []>, transpose_lhs_hint = false} : vector<64x128xf32>, vector<64x128xf32>, vector<64x64xf32> -> vector<64x64xf32>
    %concatenate3A_184 = tpu.concatenate %dot_general3A_181, %dot_general3A_183 in 1 : vector<64x64xf32>, vector<64x64xf32> -> vector<64x128xf32>
    %get3A_185 = arith.constant 0 : index
    %get3A_186 = arith.constant 2816 : index
    %get3A_187 = vector.load %arg1[%get3A_185, %get3A_186] : memref<64x16384xf32, #tpu.memory_space<vmem>>, vector<64x128xf32>
    %dot_general3A_188 = arith.constant dense<0.000000e+00> : vector<64x64xf32>
    %dot_general3A_189 = tpu.matmul %convert_element_type3A_3, %get3A_187, %dot_general3A_188 {dimension_numbers = #tpu.dot_dimension_numbers<[1], [1], [0], [0], [0, 0, 1, 0], [], []>, transpose_lhs_hint = false} : vector<64x128xf32>, vector<64x128xf32>, vector<64x64xf32> -> vector<64x64xf32>
    %dot_general3A_190 = arith.constant dense<0.000000e+00> : vector<64x64xf32>
    %dot_general3A_191 = tpu.matmul %convert_element_type3A_11, %get3A_187, %dot_general3A_190 {dimension_numbers = #tpu.dot_dimension_numbers<[1], [1], [0], [0], [0, 0, 1, 0], [], []>, transpose_lhs_hint = false} : vector<64x128xf32>, vector<64x128xf32>, vector<64x64xf32> -> vector<64x64xf32>
    %concatenate3A_192 = tpu.concatenate %dot_general3A_189, %dot_general3A_191 in 1 : vector<64x64xf32>, vector<64x64xf32> -> vector<64x128xf32>
    %get3A_193 = arith.constant 0 : index
    %get3A_194 = arith.constant 2944 : index
    %get3A_195 = vector.load %arg1[%get3A_193, %get3A_194] : memref<64x16384xf32, #tpu.memory_space<vmem>>, vector<64x128xf32>
    %dot_general3A_196 = arith.constant dense<0.000000e+00> : vector<64x64xf32>
    %dot_general3A_197 = tpu.matmul %convert_element_type3A_3, %get3A_195, %dot_general3A_196 {dimension_numbers = #tpu.dot_dimension_numbers<[1], [1], [0], [0], [0, 0, 1, 0], [], []>, transpose_lhs_hint = false} : vector<64x128xf32>, vector<64x128xf32>, vector<64x64xf32> -> vector<64x64xf32>
    %dot_general3A_198 = arith.constant dense<0.000000e+00> : vector<64x64xf32>
    %dot_general3A_199 = tpu.matmul %convert_element_type3A_11, %get3A_195, %dot_general3A_198 {dimension_numbers = #tpu.dot_dimension_numbers<[1], [1], [0], [0], [0, 0, 1, 0], [], []>, transpose_lhs_hint = false} : vector<64x128xf32>, vector<64x128xf32>, vector<64x64xf32> -> vector<64x64xf32>
    %concatenate3A_200 = tpu.concatenate %dot_general3A_197, %dot_general3A_199 in 1 : vector<64x64xf32>, vector<64x64xf32> -> vector<64x128xf32>
    %get3A_201 = arith.constant 0 : index
    %get3A_202 = arith.constant 3072 : index
    %get3A_203 = vector.load %arg1[%get3A_201, %get3A_202] : memref<64x16384xf32, #tpu.memory_space<vmem>>, vector<64x128xf32>
    %dot_general3A_204 = arith.constant dense<0.000000e+00> : vector<64x64xf32>
    %dot_general3A_205 = tpu.matmul %convert_element_type3A_3, %get3A_203, %dot_general3A_204 {dimension_numbers = #tpu.dot_dimension_numbers<[1], [1], [0], [0], [0, 0, 1, 0], [], []>, transpose_lhs_hint = false} : vector<64x128xf32>, vector<64x128xf32>, vector<64x64xf32> -> vector<64x64xf32>
    %dot_general3A_206 = arith.constant dense<0.000000e+00> : vector<64x64xf32>
    %dot_general3A_207 = tpu.matmul %convert_element_type3A_11, %get3A_203, %dot_general3A_206 {dimension_numbers = #tpu.dot_dimension_numbers<[1], [1], [0], [0], [0, 0, 1, 0], [], []>, transpose_lhs_hint = false} : vector<64x128xf32>, vector<64x128xf32>, vector<64x64xf32> -> vector<64x64xf32>
    %concatenate3A_208 = tpu.concatenate %dot_general3A_205, %dot_general3A_207 in 1 : vector<64x64xf32>, vector<64x64xf32> -> vector<64x128xf32>
    %get3A_209 = arith.constant 0 : index
    %get3A_210 = arith.constant 3200 : index
    %get3A_211 = vector.load %arg1[%get3A_209, %get3A_210] : memref<64x16384xf32, #tpu.memory_space<vmem>>, vector<64x128xf32>
    %dot_general3A_212 = arith.constant dense<0.000000e+00> : vector<64x64xf32>
    %dot_general3A_213 = tpu.matmul %convert_element_type3A_3, %get3A_211, %dot_general3A_212 {dimension_numbers = #tpu.dot_dimension_numbers<[1], [1], [0], [0], [0, 0, 1, 0], [], []>, transpose_lhs_hint = false} : vector<64x128xf32>, vector<64x128xf32>, vector<64x64xf32> -> vector<64x64xf32>
    %dot_general3A_214 = arith.constant dense<0.000000e+00> : vector<64x64xf32>
    %dot_general3A_215 = tpu.matmul %convert_element_type3A_11, %get3A_211, %dot_general3A_214 {dimension_numbers = #tpu.dot_dimension_numbers<[1], [1], [0], [0], [0, 0, 1, 0], [], []>, transpose_lhs_hint = false} : vector<64x128xf32>, vector<64x128xf32>, vector<64x64xf32> -> vector<64x64xf32>
    %concatenate3A_216 = tpu.concatenate %dot_general3A_213, %dot_general3A_215 in 1 : vector<64x64xf32>, vector<64x64xf32> -> vector<64x128xf32>
    %get3A_217 = arith.constant 0 : index
    %get3A_218 = arith.constant 3328 : index
    %get3A_219 = vector.load %arg1[%get3A_217, %get3A_218] : memref<64x16384xf32, #tpu.memory_space<vmem>>, vector<64x128xf32>
    %dot_general3A_220 = arith.constant dense<0.000000e+00> : vector<64x64xf32>
    %dot_general3A_221 = tpu.matmul %convert_element_type3A_3, %get3A_219, %dot_general3A_220 {dimension_numbers = #tpu.dot_dimension_numbers<[1], [1], [0], [0], [0, 0, 1, 0], [], []>, transpose_lhs_hint = false} : vector<64x128xf32>, vector<64x128xf32>, vector<64x64xf32> -> vector<64x64xf32>
    %dot_general3A_222 = arith.constant dense<0.000000e+00> : vector<64x64xf32>
    %dot_general3A_223 = tpu.matmul %convert_element_type3A_11, %get3A_219, %dot_general3A_222 {dimension_numbers = #tpu.dot_dimension_numbers<[1], [1], [0], [0], [0, 0, 1, 0], [], []>, transpose_lhs_hint = false} : vector<64x128xf32>, vector<64x128xf32>, vector<64x64xf32> -> vector<64x64xf32>
    %concatenate3A_224 = tpu.concatenate %dot_general3A_221, %dot_general3A_223 in 1 : vector<64x64xf32>, vector<64x64xf32> -> vector<64x128xf32>
    %get3A_225 = arith.constant 0 : index
    %get3A_226 = arith.constant 3456 : index
    %get3A_227 = vector.load %arg1[%get3A_225, %get3A_226] : memref<64x16384xf32, #tpu.memory_space<vmem>>, vector<64x128xf32>
    %dot_general3A_228 = arith.constant dense<0.000000e+00> : vector<64x64xf32>
    %dot_general3A_229 = tpu.matmul %convert_element_type3A_3, %get3A_227, %dot_general3A_228 {dimension_numbers = #tpu.dot_dimension_numbers<[1], [1], [0], [0], [0, 0, 1, 0], [], []>, transpose_lhs_hint = false} : vector<64x128xf32>, vector<64x128xf32>, vector<64x64xf32> -> vector<64x64xf32>
    %dot_general3A_230 = arith.constant dense<0.000000e+00> : vector<64x64xf32>
    %dot_general3A_231 = tpu.matmul %convert_element_type3A_11, %get3A_227, %dot_general3A_230 {dimension_numbers = #tpu.dot_dimension_numbers<[1], [1], [0], [0], [0, 0, 1, 0], [], []>, transpose_lhs_hint = false} : vector<64x128xf32>, vector<64x128xf32>, vector<64x64xf32> -> vector<64x64xf32>
    %concatenate3A_232 = tpu.concatenate %dot_general3A_229, %dot_general3A_231 in 1 : vector<64x64xf32>, vector<64x64xf32> -> vector<64x128xf32>
    %get3A_233 = arith.constant 0 : index
    %get3A_234 = arith.constant 3584 : index
    %get3A_235 = vector.load %arg1[%get3A_233, %get3A_234] : memref<64x16384xf32, #tpu.memory_space<vmem>>, vector<64x128xf32>
    %dot_general3A_236 = arith.constant dense<0.000000e+00> : vector<64x64xf32>
    %dot_general3A_237 = tpu.matmul %convert_element_type3A_3, %get3A_235, %dot_general3A_236 {dimension_numbers = #tpu.dot_dimension_numbers<[1], [1], [0], [0], [0, 0, 1, 0], [], []>, transpose_lhs_hint = false} : vector<64x128xf32>, vector<64x128xf32>, vector<64x64xf32> -> vector<64x64xf32>
    %dot_general3A_238 = arith.constant dense<0.000000e+00> : vector<64x64xf32>
    %dot_general3A_239 = tpu.matmul %convert_element_type3A_11, %get3A_235, %dot_general3A_238 {dimension_numbers = #tpu.dot_dimension_numbers<[1], [1], [0], [0], [0, 0, 1, 0], [], []>, transpose_lhs_hint = false} : vector<64x128xf32>, vector<64x128xf32>, vector<64x64xf32> -> vector<64x64xf32>
    %concatenate3A_240 = tpu.concatenate %dot_general3A_237, %dot_general3A_239 in 1 : vector<64x64xf32>, vector<64x64xf32> -> vector<64x128xf32>
    %get3A_241 = arith.constant 0 : index
    %get3A_242 = arith.constant 3712 : index
    %get3A_243 = vector.load %arg1[%get3A_241, %get3A_242] : memref<64x16384xf32, #tpu.memory_space<vmem>>, vector<64x128xf32>
    %dot_general3A_244 = arith.constant dense<0.000000e+00> : vector<64x64xf32>
    %dot_general3A_245 = tpu.matmul %convert_element_type3A_3, %get3A_243, %dot_general3A_244 {dimension_numbers = #tpu.dot_dimension_numbers<[1], [1], [0], [0], [0, 0, 1, 0], [], []>, transpose_lhs_hint = false} : vector<64x128xf32>, vector<64x128xf32>, vector<64x64xf32> -> vector<64x64xf32>
    %dot_general3A_246 = arith.constant dense<0.000000e+00> : vector<64x64xf32>
    %dot_general3A_247 = tpu.matmul %convert_element_type3A_11, %get3A_243, %dot_general3A_246 {dimension_numbers = #tpu.dot_dimension_numbers<[1], [1], [0], [0], [0, 0, 1, 0], [], []>, transpose_lhs_hint = false} : vector<64x128xf32>, vector<64x128xf32>, vector<64x64xf32> -> vector<64x64xf32>
    %concatenate3A_248 = tpu.concatenate %dot_general3A_245, %dot_general3A_247 in 1 : vector<64x64xf32>, vector<64x64xf32> -> vector<64x128xf32>
    %get3A_249 = arith.constant 0 : index
    %get3A_250 = arith.constant 3840 : index
    %get3A_251 = vector.load %arg1[%get3A_249, %get3A_250] : memref<64x16384xf32, #tpu.memory_space<vmem>>, vector<64x128xf32>
    %dot_general3A_252 = arith.constant dense<0.000000e+00> : vector<64x64xf32>
    %dot_general3A_253 = tpu.matmul %convert_element_type3A_3, %get3A_251, %dot_general3A_252 {dimension_numbers = #tpu.dot_dimension_numbers<[1], [1], [0], [0], [0, 0, 1, 0], [], []>, transpose_lhs_hint = false} : vector<64x128xf32>, vector<64x128xf32>, vector<64x64xf32> -> vector<64x64xf32>
    %dot_general3A_254 = arith.constant dense<0.000000e+00> : vector<64x64xf32>
    %dot_general3A_255 = tpu.matmul %convert_element_type3A_11, %get3A_251, %dot_general3A_254 {dimension_numbers = #tpu.dot_dimension_numbers<[1], [1], [0], [0], [0, 0, 1, 0], [], []>, transpose_lhs_hint = false} : vector<64x128xf32>, vector<64x128xf32>, vector<64x64xf32> -> vector<64x64xf32>
    %concatenate3A_256 = tpu.concatenate %dot_general3A_253, %dot_general3A_255 in 1 : vector<64x64xf32>, vector<64x64xf32> -> vector<64x128xf32>
    %get3A_257 = arith.constant 0 : index
    %get3A_258 = arith.constant 3968 : index
    %get3A_259 = vector.load %arg1[%get3A_257, %get3A_258] : memref<64x16384xf32, #tpu.memory_space<vmem>>, vector<64x128xf32>
    %dot_general3A_260 = arith.constant dense<0.000000e+00> : vector<64x64xf32>
    %dot_general3A_261 = tpu.matmul %convert_element_type3A_3, %get3A_259, %dot_general3A_260 {dimension_numbers = #tpu.dot_dimension_numbers<[1], [1], [0], [0], [0, 0, 1, 0], [], []>, transpose_lhs_hint = false} : vector<64x128xf32>, vector<64x128xf32>, vector<64x64xf32> -> vector<64x64xf32>
    %dot_general3A_262 = arith.constant dense<0.000000e+00> : vector<64x64xf32>
    %dot_general3A_263 = tpu.matmul %convert_element_type3A_11, %get3A_259, %dot_general3A_262 {dimension_numbers = #tpu.dot_dimension_numbers<[1], [1], [0], [0], [0, 0, 1, 0], [], []>, transpose_lhs_hint = false} : vector<64x128xf32>, vector<64x128xf32>, vector<64x64xf32> -> vector<64x64xf32>
    %concatenate3A_264 = tpu.concatenate %dot_general3A_261, %dot_general3A_263 in 1 : vector<64x64xf32>, vector<64x64xf32> -> vector<64x128xf32>
    %get3A_265 = arith.constant 0 : index
    %get3A_266 = arith.constant 4096 : index
    %get3A_267 = vector.load %arg1[%get3A_265, %get3A_266] : memref<64x16384xf32, #tpu.memory_space<vmem>>, vector<64x128xf32>
    %dot_general3A_268 = arith.constant dense<0.000000e+00> : vector<64x64xf32>
    %dot_general3A_269 = tpu.matmul %convert_element_type3A_3, %get3A_267, %dot_general3A_268 {dimension_numbers = #tpu.dot_dimension_numbers<[1], [1], [0], [0], [0, 0, 1, 0], [], []>, transpose_lhs_hint = false} : vector<64x128xf32>, vector<64x128xf32>, vector<64x64xf32> -> vector<64x64xf32>
    %dot_general3A_270 = arith.constant dense<0.000000e+00> : vector<64x64xf32>
    %dot_general3A_271 = tpu.matmul %convert_element_type3A_11, %get3A_267, %dot_general3A_270 {dimension_numbers = #tpu.dot_dimension_numbers<[1], [1], [0], [0], [0, 0, 1, 0], [], []>, transpose_lhs_hint = false} : vector<64x128xf32>, vector<64x128xf32>, vector<64x64xf32> -> vector<64x64xf32>
    %concatenate3A_272 = tpu.concatenate %dot_general3A_269, %dot_general3A_271 in 1 : vector<64x64xf32>, vector<64x64xf32> -> vector<64x128xf32>
    %get3A_273 = arith.constant 0 : index
    %get3A_274 = arith.constant 4224 : index
    %get3A_275 = vector.load %arg1[%get3A_273, %get3A_274] : memref<64x16384xf32, #tpu.memory_space<vmem>>, vector<64x128xf32>
    %dot_general3A_276 = arith.constant dense<0.000000e+00> : vector<64x64xf32>
    %dot_general3A_277 = tpu.matmul %convert_element_type3A_3, %get3A_275, %dot_general3A_276 {dimension_numbers = #tpu.dot_dimension_numbers<[1], [1], [0], [0], [0, 0, 1, 0], [], []>, transpose_lhs_hint = false} : vector<64x128xf32>, vector<64x128xf32>, vector<64x64xf32> -> vector<64x64xf32>
    %dot_general3A_278 = arith.constant dense<0.000000e+00> : vector<64x64xf32>
    %dot_general3A_279 = tpu.matmul %convert_element_type3A_11, %get3A_275, %dot_general3A_278 {dimension_numbers = #tpu.dot_dimension_numbers<[1], [1], [0], [0], [0, 0, 1, 0], [], []>, transpose_lhs_hint = false} : vector<64x128xf32>, vector<64x128xf32>, vector<64x64xf32> -> vector<64x64xf32>
    %concatenate3A_280 = tpu.concatenate %dot_general3A_277, %dot_general3A_279 in 1 : vector<64x64xf32>, vector<64x64xf32> -> vector<64x128xf32>
    %get3A_281 = arith.constant 0 : index
    %get3A_282 = arith.constant 4352 : index
    %get3A_283 = vector.load %arg1[%get3A_281, %get3A_282] : memref<64x16384xf32, #tpu.memory_space<vmem>>, vector<64x128xf32>
    %dot_general3A_284 = arith.constant dense<0.000000e+00> : vector<64x64xf32>
    %dot_general3A_285 = tpu.matmul %convert_element_type3A_3, %get3A_283, %dot_general3A_284 {dimension_numbers = #tpu.dot_dimension_numbers<[1], [1], [0], [0], [0, 0, 1, 0], [], []>, transpose_lhs_hint = false} : vector<64x128xf32>, vector<64x128xf32>, vector<64x64xf32> -> vector<64x64xf32>
    %dot_general3A_286 = arith.constant dense<0.000000e+00> : vector<64x64xf32>
    %dot_general3A_287 = tpu.matmul %convert_element_type3A_11, %get3A_283, %dot_general3A_286 {dimension_numbers = #tpu.dot_dimension_numbers<[1], [1], [0], [0], [0, 0, 1, 0], [], []>, transpose_lhs_hint = false} : vector<64x128xf32>, vector<64x128xf32>, vector<64x64xf32> -> vector<64x64xf32>
    %concatenate3A_288 = tpu.concatenate %dot_general3A_285, %dot_general3A_287 in 1 : vector<64x64xf32>, vector<64x64xf32> -> vector<64x128xf32>
    %get3A_289 = arith.constant 0 : index
    %get3A_290 = arith.constant 4480 : index
    %get3A_291 = vector.load %arg1[%get3A_289, %get3A_290] : memref<64x16384xf32, #tpu.memory_space<vmem>>, vector<64x128xf32>
    %dot_general3A_292 = arith.constant dense<0.000000e+00> : vector<64x64xf32>
    %dot_general3A_293 = tpu.matmul %convert_element_type3A_3, %get3A_291, %dot_general3A_292 {dimension_numbers = #tpu.dot_dimension_numbers<[1], [1], [0], [0], [0, 0, 1, 0], [], []>, transpose_lhs_hint = false} : vector<64x128xf32>, vector<64x128xf32>, vector<64x64xf32> -> vector<64x64xf32>
    %dot_general3A_294 = arith.constant dense<0.000000e+00> : vector<64x64xf32>
    %dot_general3A_295 = tpu.matmul %convert_element_type3A_11, %get3A_291, %dot_general3A_294 {dimension_numbers = #tpu.dot_dimension_numbers<[1], [1], [0], [0], [0, 0, 1, 0], [], []>, transpose_lhs_hint = false} : vector<64x128xf32>, vector<64x128xf32>, vector<64x64xf32> -> vector<64x64xf32>
    %concatenate3A_296 = tpu.concatenate %dot_general3A_293, %dot_general3A_295 in 1 : vector<64x64xf32>, vector<64x64xf32> -> vector<64x128xf32>
    %get3A_297 = arith.constant 0 : index
    %get3A_298 = arith.constant 4608 : index
    %get3A_299 = vector.load %arg1[%get3A_297, %get3A_298] : memref<64x16384xf32, #tpu.memory_space<vmem>>, vector<64x128xf32>
    %dot_general3A_300 = arith.constant dense<0.000000e+00> : vector<64x64xf32>
    %dot_general3A_301 = tpu.matmul %convert_element_type3A_3, %get3A_299, %dot_general3A_300 {dimension_numbers = #tpu.dot_dimension_numbers<[1], [1], [0], [0], [0, 0, 1, 0], [], []>, transpose_lhs_hint = false} : vector<64x128xf32>, vector<64x128xf32>, vector<64x64xf32> -> vector<64x64xf32>
    %dot_general3A_302 = arith.constant dense<0.000000e+00> : vector<64x64xf32>
    %dot_general3A_303 = tpu.matmul %convert_element_type3A_11, %get3A_299, %dot_general3A_302 {dimension_numbers = #tpu.dot_dimension_numbers<[1], [1], [0], [0], [0, 0, 1, 0], [], []>, transpose_lhs_hint = false} : vector<64x128xf32>, vector<64x128xf32>, vector<64x64xf32> -> vector<64x64xf32>
    %concatenate3A_304 = tpu.concatenate %dot_general3A_301, %dot_general3A_303 in 1 : vector<64x64xf32>, vector<64x64xf32> -> vector<64x128xf32>
    %get3A_305 = arith.constant 0 : index
    %get3A_306 = arith.constant 4736 : index
    %get3A_307 = vector.load %arg1[%get3A_305, %get3A_306] : memref<64x16384xf32, #tpu.memory_space<vmem>>, vector<64x128xf32>
    %dot_general3A_308 = arith.constant dense<0.000000e+00> : vector<64x64xf32>
    %dot_general3A_309 = tpu.matmul %convert_element_type3A_3, %get3A_307, %dot_general3A_308 {dimension_numbers = #tpu.dot_dimension_numbers<[1], [1], [0], [0], [0, 0, 1, 0], [], []>, transpose_lhs_hint = false} : vector<64x128xf32>, vector<64x128xf32>, vector<64x64xf32> -> vector<64x64xf32>
    %dot_general3A_310 = arith.constant dense<0.000000e+00> : vector<64x64xf32>
    %dot_general3A_311 = tpu.matmul %convert_element_type3A_11, %get3A_307, %dot_general3A_310 {dimension_numbers = #tpu.dot_dimension_numbers<[1], [1], [0], [0], [0, 0, 1, 0], [], []>, transpose_lhs_hint = false} : vector<64x128xf32>, vector<64x128xf32>, vector<64x64xf32> -> vector<64x64xf32>
    %concatenate3A_312 = tpu.concatenate %dot_general3A_309, %dot_general3A_311 in 1 : vector<64x64xf32>, vector<64x64xf32> -> vector<64x128xf32>
    %get3A_313 = arith.constant 0 : index
    %get3A_314 = arith.constant 4864 : index
    %get3A_315 = vector.load %arg1[%get3A_313, %get3A_314] : memref<64x16384xf32, #tpu.memory_space<vmem>>, vector<64x128xf32>
    %dot_general3A_316 = arith.constant dense<0.000000e+00> : vector<64x64xf32>
    %dot_general3A_317 = tpu.matmul %convert_element_type3A_3, %get3A_315, %dot_general3A_316 {dimension_numbers = #tpu.dot_dimension_numbers<[1], [1], [0], [0], [0, 0, 1, 0], [], []>, transpose_lhs_hint = false} : vector<64x128xf32>, vector<64x128xf32>, vector<64x64xf32> -> vector<64x64xf32>
    %dot_general3A_318 = arith.constant dense<0.000000e+00> : vector<64x64xf32>
    %dot_general3A_319 = tpu.matmul %convert_element_type3A_11, %get3A_315, %dot_general3A_318 {dimension_numbers = #tpu.dot_dimension_numbers<[1], [1], [0], [0], [0, 0, 1, 0], [], []>, transpose_lhs_hint = false} : vector<64x128xf32>, vector<64x128xf32>, vector<64x64xf32> -> vector<64x64xf32>
    %concatenate3A_320 = tpu.concatenate %dot_general3A_317, %dot_general3A_319 in 1 : vector<64x64xf32>, vector<64x64xf32> -> vector<64x128xf32>
    %get3A_321 = arith.constant 0 : index
    %get3A_322 = arith.constant 4992 : index
    %get3A_323 = vector.load %arg1[%get3A_321, %get3A_322] : memref<64x16384xf32, #tpu.memory_space<vmem>>, vector<64x128xf32>
    %dot_general3A_324 = arith.constant dense<0.000000e+00> : vector<64x64xf32>
    %dot_general3A_325 = tpu.matmul %convert_element_type3A_3, %get3A_323, %dot_general3A_324 {dimension_numbers = #tpu.dot_dimension_numbers<[1], [1], [0], [0], [0, 0, 1, 0], [], []>, transpose_lhs_hint = false} : vector<64x128xf32>, vector<64x128xf32>, vector<64x64xf32> -> vector<64x64xf32>
    %dot_general3A_326 = arith.constant dense<0.000000e+00> : vector<64x64xf32>
    %dot_general3A_327 = tpu.matmul %convert_element_type3A_11, %get3A_323, %dot_general3A_326 {dimension_numbers = #tpu.dot_dimension_numbers<[1], [1], [0], [0], [0, 0, 1, 0], [], []>, transpose_lhs_hint = false} : vector<64x128xf32>, vector<64x128xf32>, vector<64x64xf32> -> vector<64x64xf32>
    %concatenate3A_328 = tpu.concatenate %dot_general3A_325, %dot_general3A_327 in 1 : vector<64x64xf32>, vector<64x64xf32> -> vector<64x128xf32>
    %get3A_329 = arith.constant 0 : index
    %get3A_330 = arith.constant 5120 : index
    %get3A_331 = vector.load %arg1[%get3A_329, %get3A_330] : memref<64x16384xf32, #tpu.memory_space<vmem>>, vector<64x128xf32>
    %dot_general3A_332 = arith.constant dense<0.000000e+00> : vector<64x64xf32>
    %dot_general3A_333 = tpu.matmul %convert_element_type3A_3, %get3A_331, %dot_general3A_332 {dimension_numbers = #tpu.dot_dimension_numbers<[1], [1], [0], [0], [0, 0, 1, 0], [], []>, transpose_lhs_hint = false} : vector<64x128xf32>, vector<64x128xf32>, vector<64x64xf32> -> vector<64x64xf32>
    %dot_general3A_334 = arith.constant dense<0.000000e+00> : vector<64x64xf32>
    %dot_general3A_335 = tpu.matmul %convert_element_type3A_11, %get3A_331, %dot_general3A_334 {dimension_numbers = #tpu.dot_dimension_numbers<[1], [1], [0], [0], [0, 0, 1, 0], [], []>, transpose_lhs_hint = false} : vector<64x128xf32>, vector<64x128xf32>, vector<64x64xf32> -> vector<64x64xf32>
    %concatenate3A_336 = tpu.concatenate %dot_general3A_333, %dot_general3A_335 in 1 : vector<64x64xf32>, vector<64x64xf32> -> vector<64x128xf32>
    %get3A_337 = arith.constant 0 : index
    %get3A_338 = arith.constant 5248 : index
    %get3A_339 = vector.load %arg1[%get3A_337, %get3A_338] : memref<64x16384xf32, #tpu.memory_space<vmem>>, vector<64x128xf32>
    %dot_general3A_340 = arith.constant dense<0.000000e+00> : vector<64x64xf32>
    %dot_general3A_341 = tpu.matmul %convert_element_type3A_3, %get3A_339, %dot_general3A_340 {dimension_numbers = #tpu.dot_dimension_numbers<[1], [1], [0], [0], [0, 0, 1, 0], [], []>, transpose_lhs_hint = false} : vector<64x128xf32>, vector<64x128xf32>, vector<64x64xf32> -> vector<64x64xf32>
    %dot_general3A_342 = arith.constant dense<0.000000e+00> : vector<64x64xf32>
    %dot_general3A_343 = tpu.matmul %convert_element_type3A_11, %get3A_339, %dot_general3A_342 {dimension_numbers = #tpu.dot_dimension_numbers<[1], [1], [0], [0], [0, 0, 1, 0], [], []>, transpose_lhs_hint = false} : vector<64x128xf32>, vector<64x128xf32>, vector<64x64xf32> -> vector<64x64xf32>
    %concatenate3A_344 = tpu.concatenate %dot_general3A_341, %dot_general3A_343 in 1 : vector<64x64xf32>, vector<64x64xf32> -> vector<64x128xf32>
    %get3A_345 = arith.constant 0 : index
    %get3A_346 = arith.constant 5376 : index
    %get3A_347 = vector.load %arg1[%get3A_345, %get3A_346] : memref<64x16384xf32, #tpu.memory_space<vmem>>, vector<64x128xf32>
    %dot_general3A_348 = arith.constant dense<0.000000e+00> : vector<64x64xf32>
    %dot_general3A_349 = tpu.matmul %convert_element_type3A_3, %get3A_347, %dot_general3A_348 {dimension_numbers = #tpu.dot_dimension_numbers<[1], [1], [0], [0], [0, 0, 1, 0], [], []>, transpose_lhs_hint = false} : vector<64x128xf32>, vector<64x128xf32>, vector<64x64xf32> -> vector<64x64xf32>
    %dot_general3A_350 = arith.constant dense<0.000000e+00> : vector<64x64xf32>
    %dot_general3A_351 = tpu.matmul %convert_element_type3A_11, %get3A_347, %dot_general3A_350 {dimension_numbers = #tpu.dot_dimension_numbers<[1], [1], [0], [0], [0, 0, 1, 0], [], []>, transpose_lhs_hint = false} : vector<64x128xf32>, vector<64x128xf32>, vector<64x64xf32> -> vector<64x64xf32>
    %concatenate3A_352 = tpu.concatenate %dot_general3A_349, %dot_general3A_351 in 1 : vector<64x64xf32>, vector<64x64xf32> -> vector<64x128xf32>
    %get3A_353 = arith.constant 0 : index
    %get3A_354 = arith.constant 5504 : index
    %get3A_355 = vector.load %arg1[%get3A_353, %get3A_354] : memref<64x16384xf32, #tpu.memory_space<vmem>>, vector<64x128xf32>
    %dot_general3A_356 = arith.constant dense<0.000000e+00> : vector<64x64xf32>
    %dot_general3A_357 = tpu.matmul %convert_element_type3A_3, %get3A_355, %dot_general3A_356 {dimension_numbers = #tpu.dot_dimension_numbers<[1], [1], [0], [0], [0, 0, 1, 0], [], []>, transpose_lhs_hint = false} : vector<64x128xf32>, vector<64x128xf32>, vector<64x64xf32> -> vector<64x64xf32>
    %dot_general3A_358 = arith.constant dense<0.000000e+00> : vector<64x64xf32>
    %dot_general3A_359 = tpu.matmul %convert_element_type3A_11, %get3A_355, %dot_general3A_358 {dimension_numbers = #tpu.dot_dimension_numbers<[1], [1], [0], [0], [0, 0, 1, 0], [], []>, transpose_lhs_hint = false} : vector<64x128xf32>, vector<64x128xf32>, vector<64x64xf32> -> vector<64x64xf32>
    %concatenate3A_360 = tpu.concatenate %dot_general3A_357, %dot_general3A_359 in 1 : vector<64x64xf32>, vector<64x64xf32> -> vector<64x128xf32>
    %get3A_361 = arith.constant 0 : index
    %get3A_362 = arith.constant 5632 : index
    %get3A_363 = vector.load %arg1[%get3A_361, %get3A_362] : memref<64x16384xf32, #tpu.memory_space<vmem>>, vector<64x128xf32>
    %dot_general3A_364 = arith.constant dense<0.000000e+00> : vector<64x64xf32>
    %dot_general3A_365 = tpu.matmul %convert_element_type3A_3, %get3A_363, %dot_general3A_364 {dimension_numbers = #tpu.dot_dimension_numbers<[1], [1], [0], [0], [0, 0, 1, 0], [], []>, transpose_lhs_hint = false} : vector<64x128xf32>, vector<64x128xf32>, vector<64x64xf32> -> vector<64x64xf32>
    %dot_general3A_366 = arith.constant dense<0.000000e+00> : vector<64x64xf32>
    %dot_general3A_367 = tpu.matmul %convert_element_type3A_11, %get3A_363, %dot_general3A_366 {dimension_numbers = #tpu.dot_dimension_numbers<[1], [1], [0], [0], [0, 0, 1, 0], [], []>, transpose_lhs_hint = false} : vector<64x128xf32>, vector<64x128xf32>, vector<64x64xf32> -> vector<64x64xf32>
    %concatenate3A_368 = tpu.concatenate %dot_general3A_365, %dot_general3A_367 in 1 : vector<64x64xf32>, vector<64x64xf32> -> vector<64x128xf32>
    %get3A_369 = arith.constant 0 : index
    %get3A_370 = arith.constant 5760 : index
    %get3A_371 = vector.load %arg1[%get3A_369, %get3A_370] : memref<64x16384xf32, #tpu.memory_space<vmem>>, vector<64x128xf32>
    %dot_general3A_372 = arith.constant dense<0.000000e+00> : vector<64x64xf32>
    %dot_general3A_373 = tpu.matmul %convert_element_type3A_3, %get3A_371, %dot_general3A_372 {dimension_numbers = #tpu.dot_dimension_numbers<[1], [1], [0], [0], [0, 0, 1, 0], [], []>, transpose_lhs_hint = false} : vector<64x128xf32>, vector<64x128xf32>, vector<64x64xf32> -> vector<64x64xf32>
    %dot_general3A_374 = arith.constant dense<0.000000e+00> : vector<64x64xf32>
    %dot_general3A_375 = tpu.matmul %convert_element_type3A_11, %get3A_371, %dot_general3A_374 {dimension_numbers = #tpu.dot_dimension_numbers<[1], [1], [0], [0], [0, 0, 1, 0], [], []>, transpose_lhs_hint = false} : vector<64x128xf32>, vector<64x128xf32>, vector<64x64xf32> -> vector<64x64xf32>
    %concatenate3A_376 = tpu.concatenate %dot_general3A_373, %dot_general3A_375 in 1 : vector<64x64xf32>, vector<64x64xf32> -> vector<64x128xf32>
    %get3A_377 = arith.constant 0 : index
    %get3A_378 = arith.constant 5888 : index
    %get3A_379 = vector.load %arg1[%get3A_377, %get3A_378] : memref<64x16384xf32, #tpu.memory_space<vmem>>, vector<64x128xf32>
    %dot_general3A_380 = arith.constant dense<0.000000e+00> : vector<64x64xf32>
    %dot_general3A_381 = tpu.matmul %convert_element_type3A_3, %get3A_379, %dot_general3A_380 {dimension_numbers = #tpu.dot_dimension_numbers<[1], [1], [0], [0], [0, 0, 1, 0], [], []>, transpose_lhs_hint = false} : vector<64x128xf32>, vector<64x128xf32>, vector<64x64xf32> -> vector<64x64xf32>
    %dot_general3A_382 = arith.constant dense<0.000000e+00> : vector<64x64xf32>
    %dot_general3A_383 = tpu.matmul %convert_element_type3A_11, %get3A_379, %dot_general3A_382 {dimension_numbers = #tpu.dot_dimension_numbers<[1], [1], [0], [0], [0, 0, 1, 0], [], []>, transpose_lhs_hint = false} : vector<64x128xf32>, vector<64x128xf32>, vector<64x64xf32> -> vector<64x64xf32>
    %concatenate3A_384 = tpu.concatenate %dot_general3A_381, %dot_general3A_383 in 1 : vector<64x64xf32>, vector<64x64xf32> -> vector<64x128xf32>
    %get3A_385 = arith.constant 0 : index
    %get3A_386 = arith.constant 6016 : index
    %get3A_387 = vector.load %arg1[%get3A_385, %get3A_386] : memref<64x16384xf32, #tpu.memory_space<vmem>>, vector<64x128xf32>
    %dot_general3A_388 = arith.constant dense<0.000000e+00> : vector<64x64xf32>
    %dot_general3A_389 = tpu.matmul %convert_element_type3A_3, %get3A_387, %dot_general3A_388 {dimension_numbers = #tpu.dot_dimension_numbers<[1], [1], [0], [0], [0, 0, 1, 0], [], []>, transpose_lhs_hint = false} : vector<64x128xf32>, vector<64x128xf32>, vector<64x64xf32> -> vector<64x64xf32>
    %dot_general3A_390 = arith.constant dense<0.000000e+00> : vector<64x64xf32>
    %dot_general3A_391 = tpu.matmul %convert_element_type3A_11, %get3A_387, %dot_general3A_390 {dimension_numbers = #tpu.dot_dimension_numbers<[1], [1], [0], [0], [0, 0, 1, 0], [], []>, transpose_lhs_hint = false} : vector<64x128xf32>, vector<64x128xf32>, vector<64x64xf32> -> vector<64x64xf32>
    %concatenate3A_392 = tpu.concatenate %dot_general3A_389, %dot_general3A_391 in 1 : vector<64x64xf32>, vector<64x64xf32> -> vector<64x128xf32>
    %get3A_393 = arith.constant 0 : index
    %get3A_394 = arith.constant 6144 : index
    %get3A_395 = vector.load %arg1[%get3A_393, %get3A_394] : memref<64x16384xf32, #tpu.memory_space<vmem>>, vector<64x128xf32>
    %dot_general3A_396 = arith.constant dense<0.000000e+00> : vector<64x64xf32>
    %dot_general3A_397 = tpu.matmul %convert_element_type3A_3, %get3A_395, %dot_general3A_396 {dimension_numbers = #tpu.dot_dimension_numbers<[1], [1], [0], [0], [0, 0, 1, 0], [], []>, transpose_lhs_hint = false} : vector<64x128xf32>, vector<64x128xf32>, vector<64x64xf32> -> vector<64x64xf32>
    %dot_general3A_398 = arith.constant dense<0.000000e+00> : vector<64x64xf32>
    %dot_general3A_399 = tpu.matmul %convert_element_type3A_11, %get3A_395, %dot_general3A_398 {dimension_numbers = #tpu.dot_dimension_numbers<[1], [1], [0], [0], [0, 0, 1, 0], [], []>, transpose_lhs_hint = false} : vector<64x128xf32>, vector<64x128xf32>, vector<64x64xf32> -> vector<64x64xf32>
    %concatenate3A_400 = tpu.concatenate %dot_general3A_397, %dot_general3A_399 in 1 : vector<64x64xf32>, vector<64x64xf32> -> vector<64x128xf32>
    %get3A_401 = arith.constant 0 : index
    %get3A_402 = arith.constant 6272 : index
    %get3A_403 = vector.load %arg1[%get3A_401, %get3A_402] : memref<64x16384xf32, #tpu.memory_space<vmem>>, vector<64x128xf32>
    %dot_general3A_404 = arith.constant dense<0.000000e+00> : vector<64x64xf32>
    %dot_general3A_405 = tpu.matmul %convert_element_type3A_3, %get3A_403, %dot_general3A_404 {dimension_numbers = #tpu.dot_dimension_numbers<[1], [1], [0], [0], [0, 0, 1, 0], [], []>, transpose_lhs_hint = false} : vector<64x128xf32>, vector<64x128xf32>, vector<64x64xf32> -> vector<64x64xf32>
    %dot_general3A_406 = arith.constant dense<0.000000e+00> : vector<64x64xf32>
    %dot_general3A_407 = tpu.matmul %convert_element_type3A_11, %get3A_403, %dot_general3A_406 {dimension_numbers = #tpu.dot_dimension_numbers<[1], [1], [0], [0], [0, 0, 1, 0], [], []>, transpose_lhs_hint = false} : vector<64x128xf32>, vector<64x128xf32>, vector<64x64xf32> -> vector<64x64xf32>
    %concatenate3A_408 = tpu.concatenate %dot_general3A_405, %dot_general3A_407 in 1 : vector<64x64xf32>, vector<64x64xf32> -> vector<64x128xf32>
    %get3A_409 = arith.constant 0 : index
    %get3A_410 = arith.constant 6400 : index
    %get3A_411 = vector.load %arg1[%get3A_409, %get3A_410] : memref<64x16384xf32, #tpu.memory_space<vmem>>, vector<64x128xf32>
    %dot_general3A_412 = arith.constant dense<0.000000e+00> : vector<64x64xf32>
    %dot_general3A_413 = tpu.matmul %convert_element_type3A_3, %get3A_411, %dot_general3A_412 {dimension_numbers = #tpu.dot_dimension_numbers<[1], [1], [0], [0], [0, 0, 1, 0], [], []>, transpose_lhs_hint = false} : vector<64x128xf32>, vector<64x128xf32>, vector<64x64xf32> -> vector<64x64xf32>
    %dot_general3A_414 = arith.constant dense<0.000000e+00> : vector<64x64xf32>
    %dot_general3A_415 = tpu.matmul %convert_element_type3A_11, %get3A_411, %dot_general3A_414 {dimension_numbers = #tpu.dot_dimension_numbers<[1], [1], [0], [0], [0, 0, 1, 0], [], []>, transpose_lhs_hint = false} : vector<64x128xf32>, vector<64x128xf32>, vector<64x64xf32> -> vector<64x64xf32>
    %concatenate3A_416 = tpu.concatenate %dot_general3A_413, %dot_general3A_415 in 1 : vector<64x64xf32>, vector<64x64xf32> -> vector<64x128xf32>
    %get3A_417 = arith.constant 0 : index
    %get3A_418 = arith.constant 6528 : index
    %get3A_419 = vector.load %arg1[%get3A_417, %get3A_418] : memref<64x16384xf32, #tpu.memory_space<vmem>>, vector<64x128xf32>
    %dot_general3A_420 = arith.constant dense<0.000000e+00> : vector<64x64xf32>
    %dot_general3A_421 = tpu.matmul %convert_element_type3A_3, %get3A_419, %dot_general3A_420 {dimension_numbers = #tpu.dot_dimension_numbers<[1], [1], [0], [0], [0, 0, 1, 0], [], []>, transpose_lhs_hint = false} : vector<64x128xf32>, vector<64x128xf32>, vector<64x64xf32> -> vector<64x64xf32>
    %dot_general3A_422 = arith.constant dense<0.000000e+00> : vector<64x64xf32>
    %dot_general3A_423 = tpu.matmul %convert_element_type3A_11, %get3A_419, %dot_general3A_422 {dimension_numbers = #tpu.dot_dimension_numbers<[1], [1], [0], [0], [0, 0, 1, 0], [], []>, transpose_lhs_hint = false} : vector<64x128xf32>, vector<64x128xf32>, vector<64x64xf32> -> vector<64x64xf32>
    %concatenate3A_424 = tpu.concatenate %dot_general3A_421, %dot_general3A_423 in 1 : vector<64x64xf32>, vector<64x64xf32> -> vector<64x128xf32>
    %get3A_425 = arith.constant 0 : index
    %get3A_426 = arith.constant 6656 : index
    %get3A_427 = vector.load %arg1[%get3A_425, %get3A_426] : memref<64x16384xf32, #tpu.memory_space<vmem>>, vector<64x128xf32>
    %dot_general3A_428 = arith.constant dense<0.000000e+00> : vector<64x64xf32>
    %dot_general3A_429 = tpu.matmul %convert_element_type3A_3, %get3A_427, %dot_general3A_428 {dimension_numbers = #tpu.dot_dimension_numbers<[1], [1], [0], [0], [0, 0, 1, 0], [], []>, transpose_lhs_hint = false} : vector<64x128xf32>, vector<64x128xf32>, vector<64x64xf32> -> vector<64x64xf32>
    %dot_general3A_430 = arith.constant dense<0.000000e+00> : vector<64x64xf32>
    %dot_general3A_431 = tpu.matmul %convert_element_type3A_11, %get3A_427, %dot_general3A_430 {dimension_numbers = #tpu.dot_dimension_numbers<[1], [1], [0], [0], [0, 0, 1, 0], [], []>, transpose_lhs_hint = false} : vector<64x128xf32>, vector<64x128xf32>, vector<64x64xf32> -> vector<64x64xf32>
    %concatenate3A_432 = tpu.concatenate %dot_general3A_429, %dot_general3A_431 in 1 : vector<64x64xf32>, vector<64x64xf32> -> vector<64x128xf32>
    %get3A_433 = arith.constant 0 : index
    %get3A_434 = arith.constant 6784 : index
    %get3A_435 = vector.load %arg1[%get3A_433, %get3A_434] : memref<64x16384xf32, #tpu.memory_space<vmem>>, vector<64x128xf32>
    %dot_general3A_436 = arith.constant dense<0.000000e+00> : vector<64x64xf32>
    %dot_general3A_437 = tpu.matmul %convert_element_type3A_3, %get3A_435, %dot_general3A_436 {dimension_numbers = #tpu.dot_dimension_numbers<[1], [1], [0], [0], [0, 0, 1, 0], [], []>, transpose_lhs_hint = false} : vector<64x128xf32>, vector<64x128xf32>, vector<64x64xf32> -> vector<64x64xf32>
    %dot_general3A_438 = arith.constant dense<0.000000e+00> : vector<64x64xf32>
    %dot_general3A_439 = tpu.matmul %convert_element_type3A_11, %get3A_435, %dot_general3A_438 {dimension_numbers = #tpu.dot_dimension_numbers<[1], [1], [0], [0], [0, 0, 1, 0], [], []>, transpose_lhs_hint = false} : vector<64x128xf32>, vector<64x128xf32>, vector<64x64xf32> -> vector<64x64xf32>
    %concatenate3A_440 = tpu.concatenate %dot_general3A_437, %dot_general3A_439 in 1 : vector<64x64xf32>, vector<64x64xf32> -> vector<64x128xf32>
    %get3A_441 = arith.constant 0 : index
    %get3A_442 = arith.constant 6912 : index
    %get3A_443 = vector.load %arg1[%get3A_441, %get3A_442] : memref<64x16384xf32, #tpu.memory_space<vmem>>, vector<64x128xf32>
    %dot_general3A_444 = arith.constant dense<0.000000e+00> : vector<64x64xf32>
    %dot_general3A_445 = tpu.matmul %convert_element_type3A_3, %get3A_443, %dot_general3A_444 {dimension_numbers = #tpu.dot_dimension_numbers<[1], [1], [0], [0], [0, 0, 1, 0], [], []>, transpose_lhs_hint = false} : vector<64x128xf32>, vector<64x128xf32>, vector<64x64xf32> -> vector<64x64xf32>
    %dot_general3A_446 = arith.constant dense<0.000000e+00> : vector<64x64xf32>
    %dot_general3A_447 = tpu.matmul %convert_element_type3A_11, %get3A_443, %dot_general3A_446 {dimension_numbers = #tpu.dot_dimension_numbers<[1], [1], [0], [0], [0, 0, 1, 0], [], []>, transpose_lhs_hint = false} : vector<64x128xf32>, vector<64x128xf32>, vector<64x64xf32> -> vector<64x64xf32>
    %concatenate3A_448 = tpu.concatenate %dot_general3A_445, %dot_general3A_447 in 1 : vector<64x64xf32>, vector<64x64xf32> -> vector<64x128xf32>
    %get3A_449 = arith.constant 0 : index
    %get3A_450 = arith.constant 7040 : index
    %get3A_451 = vector.load %arg1[%get3A_449, %get3A_450] : memref<64x16384xf32, #tpu.memory_space<vmem>>, vector<64x128xf32>
    %dot_general3A_452 = arith.constant dense<0.000000e+00> : vector<64x64xf32>
    %dot_general3A_453 = tpu.matmul %convert_element_type3A_3, %get3A_451, %dot_general3A_452 {dimension_numbers = #tpu.dot_dimension_numbers<[1], [1], [0], [0], [0, 0, 1, 0], [], []>, transpose_lhs_hint = false} : vector<64x128xf32>, vector<64x128xf32>, vector<64x64xf32> -> vector<64x64xf32>
    %dot_general3A_454 = arith.constant dense<0.000000e+00> : vector<64x64xf32>
    %dot_general3A_455 = tpu.matmul %convert_element_type3A_11, %get3A_451, %dot_general3A_454 {dimension_numbers = #tpu.dot_dimension_numbers<[1], [1], [0], [0], [0, 0, 1, 0], [], []>, transpose_lhs_hint = false} : vector<64x128xf32>, vector<64x128xf32>, vector<64x64xf32> -> vector<64x64xf32>
    %concatenate3A_456 = tpu.concatenate %dot_general3A_453, %dot_general3A_455 in 1 : vector<64x64xf32>, vector<64x64xf32> -> vector<64x128xf32>
    %get3A_457 = arith.constant 0 : index
    %get3A_458 = arith.constant 7168 : index
    %get3A_459 = vector.load %arg1[%get3A_457, %get3A_458] : memref<64x16384xf32, #tpu.memory_space<vmem>>, vector<64x128xf32>
    %dot_general3A_460 = arith.constant dense<0.000000e+00> : vector<64x64xf32>
    %dot_general3A_461 = tpu.matmul %convert_element_type3A_3, %get3A_459, %dot_general3A_460 {dimension_numbers = #tpu.dot_dimension_numbers<[1], [1], [0], [0], [0, 0, 1, 0], [], []>, transpose_lhs_hint = false} : vector<64x128xf32>, vector<64x128xf32>, vector<64x64xf32> -> vector<64x64xf32>
    %dot_general3A_462 = arith.constant dense<0.000000e+00> : vector<64x64xf32>
    %dot_general3A_463 = tpu.matmul %convert_element_type3A_11, %get3A_459, %dot_general3A_462 {dimension_numbers = #tpu.dot_dimension_numbers<[1], [1], [0], [0], [0, 0, 1, 0], [], []>, transpose_lhs_hint = false} : vector<64x128xf32>, vector<64x128xf32>, vector<64x64xf32> -> vector<64x64xf32>
    %concatenate3A_464 = tpu.concatenate %dot_general3A_461, %dot_general3A_463 in 1 : vector<64x64xf32>, vector<64x64xf32> -> vector<64x128xf32>
    %get3A_465 = arith.constant 0 : index
    %get3A_466 = arith.constant 7296 : index
    %get3A_467 = vector.load %arg1[%get3A_465, %get3A_466] : memref<64x16384xf32, #tpu.memory_space<vmem>>, vector<64x128xf32>
    %dot_general3A_468 = arith.constant dense<0.000000e+00> : vector<64x64xf32>
    %dot_general3A_469 = tpu.matmul %convert_element_type3A_3, %get3A_467, %dot_general3A_468 {dimension_numbers = #tpu.dot_dimension_numbers<[1], [1], [0], [0], [0, 0, 1, 0], [], []>, transpose_lhs_hint = false} : vector<64x128xf32>, vector<64x128xf32>, vector<64x64xf32> -> vector<64x64xf32>
    %dot_general3A_470 = arith.constant dense<0.000000e+00> : vector<64x64xf32>
    %dot_general3A_471 = tpu.matmul %convert_element_type3A_11, %get3A_467, %dot_general3A_470 {dimension_numbers = #tpu.dot_dimension_numbers<[1], [1], [0], [0], [0, 0, 1, 0], [], []>, transpose_lhs_hint = false} : vector<64x128xf32>, vector<64x128xf32>, vector<64x64xf32> -> vector<64x64xf32>
    %concatenate3A_472 = tpu.concatenate %dot_general3A_469, %dot_general3A_471 in 1 : vector<64x64xf32>, vector<64x64xf32> -> vector<64x128xf32>
    %get3A_473 = arith.constant 0 : index
    %get3A_474 = arith.constant 7424 : index
    %get3A_475 = vector.load %arg1[%get3A_473, %get3A_474] : memref<64x16384xf32, #tpu.memory_space<vmem>>, vector<64x128xf32>
    %dot_general3A_476 = arith.constant dense<0.000000e+00> : vector<64x64xf32>
    %dot_general3A_477 = tpu.matmul %convert_element_type3A_3, %get3A_475, %dot_general3A_476 {dimension_numbers = #tpu.dot_dimension_numbers<[1], [1], [0], [0], [0, 0, 1, 0], [], []>, transpose_lhs_hint = false} : vector<64x128xf32>, vector<64x128xf32>, vector<64x64xf32> -> vector<64x64xf32>
    %dot_general3A_478 = arith.constant dense<0.000000e+00> : vector<64x64xf32>
    %dot_general3A_479 = tpu.matmul %convert_element_type3A_11, %get3A_475, %dot_general3A_478 {dimension_numbers = #tpu.dot_dimension_numbers<[1], [1], [0], [0], [0, 0, 1, 0], [], []>, transpose_lhs_hint = false} : vector<64x128xf32>, vector<64x128xf32>, vector<64x64xf32> -> vector<64x64xf32>
    %concatenate3A_480 = tpu.concatenate %dot_general3A_477, %dot_general3A_479 in 1 : vector<64x64xf32>, vector<64x64xf32> -> vector<64x128xf32>
    %get3A_481 = arith.constant 0 : index
    %get3A_482 = arith.constant 7552 : index
    %get3A_483 = vector.load %arg1[%get3A_481, %get3A_482] : memref<64x16384xf32, #tpu.memory_space<vmem>>, vector<64x128xf32>
    %dot_general3A_484 = arith.constant dense<0.000000e+00> : vector<64x64xf32>
    %dot_general3A_485 = tpu.matmul %convert_element_type3A_3, %get3A_483, %dot_general3A_484 {dimension_numbers = #tpu.dot_dimension_numbers<[1], [1], [0], [0], [0, 0, 1, 0], [], []>, transpose_lhs_hint = false} : vector<64x128xf32>, vector<64x128xf32>, vector<64x64xf32> -> vector<64x64xf32>
    %dot_general3A_486 = arith.constant dense<0.000000e+00> : vector<64x64xf32>
    %dot_general3A_487 = tpu.matmul %convert_element_type3A_11, %get3A_483, %dot_general3A_486 {dimension_numbers = #tpu.dot_dimension_numbers<[1], [1], [0], [0], [0, 0, 1, 0], [], []>, transpose_lhs_hint = false} : vector<64x128xf32>, vector<64x128xf32>, vector<64x64xf32> -> vector<64x64xf32>
    %concatenate3A_488 = tpu.concatenate %dot_general3A_485, %dot_general3A_487 in 1 : vector<64x64xf32>, vector<64x64xf32> -> vector<64x128xf32>
    %get3A_489 = arith.constant 0 : index
    %get3A_490 = arith.constant 7680 : index
    %get3A_491 = vector.load %arg1[%get3A_489, %get3A_490] : memref<64x16384xf32, #tpu.memory_space<vmem>>, vector<64x128xf32>
    %dot_general3A_492 = arith.constant dense<0.000000e+00> : vector<64x64xf32>
    %dot_general3A_493 = tpu.matmul %convert_element_type3A_3, %get3A_491, %dot_general3A_492 {dimension_numbers = #tpu.dot_dimension_numbers<[1], [1], [0], [0], [0, 0, 1, 0], [], []>, transpose_lhs_hint = false} : vector<64x128xf32>, vector<64x128xf32>, vector<64x64xf32> -> vector<64x64xf32>
    %dot_general3A_494 = arith.constant dense<0.000000e+00> : vector<64x64xf32>
    %dot_general3A_495 = tpu.matmul %convert_element_type3A_11, %get3A_491, %dot_general3A_494 {dimension_numbers = #tpu.dot_dimension_numbers<[1], [1], [0], [0], [0, 0, 1, 0], [], []>, transpose_lhs_hint = false} : vector<64x128xf32>, vector<64x128xf32>, vector<64x64xf32> -> vector<64x64xf32>
    %concatenate3A_496 = tpu.concatenate %dot_general3A_493, %dot_general3A_495 in 1 : vector<64x64xf32>, vector<64x64xf32> -> vector<64x128xf32>
    %get3A_497 = arith.constant 0 : index
    %get3A_498 = arith.constant 7808 : index
    %get3A_499 = vector.load %arg1[%get3A_497, %get3A_498] : memref<64x16384xf32, #tpu.memory_space<vmem>>, vector<64x128xf32>
    %dot_general3A_500 = arith.constant dense<0.000000e+00> : vector<64x64xf32>
    %dot_general3A_501 = tpu.matmul %convert_element_type3A_3, %get3A_499, %dot_general3A_500 {dimension_numbers = #tpu.dot_dimension_numbers<[1], [1], [0], [0], [0, 0, 1, 0], [], []>, transpose_lhs_hint = false} : vector<64x128xf32>, vector<64x128xf32>, vector<64x64xf32> -> vector<64x64xf32>
    %dot_general3A_502 = arith.constant dense<0.000000e+00> : vector<64x64xf32>
    %dot_general3A_503 = tpu.matmul %convert_element_type3A_11, %get3A_499, %dot_general3A_502 {dimension_numbers = #tpu.dot_dimension_numbers<[1], [1], [0], [0], [0, 0, 1, 0], [], []>, transpose_lhs_hint = false} : vector<64x128xf32>, vector<64x128xf32>, vector<64x64xf32> -> vector<64x64xf32>
    %concatenate3A_504 = tpu.concatenate %dot_general3A_501, %dot_general3A_503 in 1 : vector<64x64xf32>, vector<64x64xf32> -> vector<64x128xf32>
    %get3A_505 = arith.constant 0 : index
    %get3A_506 = arith.constant 7936 : index
    %get3A_507 = vector.load %arg1[%get3A_505, %get3A_506] : memref<64x16384xf32, #tpu.memory_space<vmem>>, vector<64x128xf32>
    %dot_general3A_508 = arith.constant dense<0.000000e+00> : vector<64x64xf32>
    %dot_general3A_509 = tpu.matmul %convert_element_type3A_3, %get3A_507, %dot_general3A_508 {dimension_numbers = #tpu.dot_dimension_numbers<[1], [1], [0], [0], [0, 0, 1, 0], [], []>, transpose_lhs_hint = false} : vector<64x128xf32>, vector<64x128xf32>, vector<64x64xf32> -> vector<64x64xf32>
    %dot_general3A_510 = arith.constant dense<0.000000e+00> : vector<64x64xf32>
    %dot_general3A_511 = tpu.matmul %convert_element_type3A_11, %get3A_507, %dot_general3A_510 {dimension_numbers = #tpu.dot_dimension_numbers<[1], [1], [0], [0], [0, 0, 1, 0], [], []>, transpose_lhs_hint = false} : vector<64x128xf32>, vector<64x128xf32>, vector<64x64xf32> -> vector<64x64xf32>
    %concatenate3A_512 = tpu.concatenate %dot_general3A_509, %dot_general3A_511 in 1 : vector<64x64xf32>, vector<64x64xf32> -> vector<64x128xf32>
    %get3A_513 = arith.constant 0 : index
    %get3A_514 = arith.constant 8064 : index
    %get3A_515 = vector.load %arg1[%get3A_513, %get3A_514] : memref<64x16384xf32, #tpu.memory_space<vmem>>, vector<64x128xf32>
    %dot_general3A_516 = arith.constant dense<0.000000e+00> : vector<64x64xf32>
    %dot_general3A_517 = tpu.matmul %convert_element_type3A_3, %get3A_515, %dot_general3A_516 {dimension_numbers = #tpu.dot_dimension_numbers<[1], [1], [0], [0], [0, 0, 1, 0], [], []>, transpose_lhs_hint = false} : vector<64x128xf32>, vector<64x128xf32>, vector<64x64xf32> -> vector<64x64xf32>
    %dot_general3A_518 = arith.constant dense<0.000000e+00> : vector<64x64xf32>
    %dot_general3A_519 = tpu.matmul %convert_element_type3A_11, %get3A_515, %dot_general3A_518 {dimension_numbers = #tpu.dot_dimension_numbers<[1], [1], [0], [0], [0, 0, 1, 0], [], []>, transpose_lhs_hint = false} : vector<64x128xf32>, vector<64x128xf32>, vector<64x64xf32> -> vector<64x64xf32>
    %concatenate3A_520 = tpu.concatenate %dot_general3A_517, %dot_general3A_519 in 1 : vector<64x64xf32>, vector<64x64xf32> -> vector<64x128xf32>
    %get3A_521 = arith.constant 0 : index
    %get3A_522 = arith.constant 8192 : index
    %get3A_523 = vector.load %arg1[%get3A_521, %get3A_522] : memref<64x16384xf32, #tpu.memory_space<vmem>>, vector<64x128xf32>
    %dot_general3A_524 = arith.constant dense<0.000000e+00> : vector<64x64xf32>
    %dot_general3A_525 = tpu.matmul %convert_element_type3A_3, %get3A_523, %dot_general3A_524 {dimension_numbers = #tpu.dot_dimension_numbers<[1], [1], [0], [0], [0, 0, 1, 0], [], []>, transpose_lhs_hint = false} : vector<64x128xf32>, vector<64x128xf32>, vector<64x64xf32> -> vector<64x64xf32>
    %dot_general3A_526 = arith.constant dense<0.000000e+00> : vector<64x64xf32>
    %dot_general3A_527 = tpu.matmul %convert_element_type3A_11, %get3A_523, %dot_general3A_526 {dimension_numbers = #tpu.dot_dimension_numbers<[1], [1], [0], [0], [0, 0, 1, 0], [], []>, transpose_lhs_hint = false} : vector<64x128xf32>, vector<64x128xf32>, vector<64x64xf32> -> vector<64x64xf32>
    %concatenate3A_528 = tpu.concatenate %dot_general3A_525, %dot_general3A_527 in 1 : vector<64x64xf32>, vector<64x64xf32> -> vector<64x128xf32>
    %get3A_529 = arith.constant 0 : index
    %get3A_530 = arith.constant 8320 : index
    %get3A_531 = vector.load %arg1[%get3A_529, %get3A_530] : memref<64x16384xf32, #tpu.memory_space<vmem>>, vector<64x128xf32>
    %dot_general3A_532 = arith.constant dense<0.000000e+00> : vector<64x64xf32>
    %dot_general3A_533 = tpu.matmul %convert_element_type3A_3, %get3A_531, %dot_general3A_532 {dimension_numbers = #tpu.dot_dimension_numbers<[1], [1], [0], [0], [0, 0, 1, 0], [], []>, transpose_lhs_hint = false} : vector<64x128xf32>, vector<64x128xf32>, vector<64x64xf32> -> vector<64x64xf32>
    %dot_general3A_534 = arith.constant dense<0.000000e+00> : vector<64x64xf32>
    %dot_general3A_535 = tpu.matmul %convert_element_type3A_11, %get3A_531, %dot_general3A_534 {dimension_numbers = #tpu.dot_dimension_numbers<[1], [1], [0], [0], [0, 0, 1, 0], [], []>, transpose_lhs_hint = false} : vector<64x128xf32>, vector<64x128xf32>, vector<64x64xf32> -> vector<64x64xf32>
    %concatenate3A_536 = tpu.concatenate %dot_general3A_533, %dot_general3A_535 in 1 : vector<64x64xf32>, vector<64x64xf32> -> vector<64x128xf32>
    %get3A_537 = arith.constant 0 : index
    %get3A_538 = arith.constant 8448 : index
    %get3A_539 = vector.load %arg1[%get3A_537, %get3A_538] : memref<64x16384xf32, #tpu.memory_space<vmem>>, vector<64x128xf32>
    %dot_general3A_540 = arith.constant dense<0.000000e+00> : vector<64x64xf32>
    %dot_general3A_541 = tpu.matmul %convert_element_type3A_3, %get3A_539, %dot_general3A_540 {dimension_numbers = #tpu.dot_dimension_numbers<[1], [1], [0], [0], [0, 0, 1, 0], [], []>, transpose_lhs_hint = false} : vector<64x128xf32>, vector<64x128xf32>, vector<64x64xf32> -> vector<64x64xf32>
    %dot_general3A_542 = arith.constant dense<0.000000e+00> : vector<64x64xf32>
    %dot_general3A_543 = tpu.matmul %convert_element_type3A_11, %get3A_539, %dot_general3A_542 {dimension_numbers = #tpu.dot_dimension_numbers<[1], [1], [0], [0], [0, 0, 1, 0], [], []>, transpose_lhs_hint = false} : vector<64x128xf32>, vector<64x128xf32>, vector<64x64xf32> -> vector<64x64xf32>
    %concatenate3A_544 = tpu.concatenate %dot_general3A_541, %dot_general3A_543 in 1 : vector<64x64xf32>, vector<64x64xf32> -> vector<64x128xf32>
    %get3A_545 = arith.constant 0 : index
    %get3A_546 = arith.constant 8576 : index
    %get3A_547 = vector.load %arg1[%get3A_545, %get3A_546] : memref<64x16384xf32, #tpu.memory_space<vmem>>, vector<64x128xf32>
    %dot_general3A_548 = arith.constant dense<0.000000e+00> : vector<64x64xf32>
    %dot_general3A_549 = tpu.matmul %convert_element_type3A_3, %get3A_547, %dot_general3A_548 {dimension_numbers = #tpu.dot_dimension_numbers<[1], [1], [0], [0], [0, 0, 1, 0], [], []>, transpose_lhs_hint = false} : vector<64x128xf32>, vector<64x128xf32>, vector<64x64xf32> -> vector<64x64xf32>
    %dot_general3A_550 = arith.constant dense<0.000000e+00> : vector<64x64xf32>
    %dot_general3A_551 = tpu.matmul %convert_element_type3A_11, %get3A_547, %dot_general3A_550 {dimension_numbers = #tpu.dot_dimension_numbers<[1], [1], [0], [0], [0, 0, 1, 0], [], []>, transpose_lhs_hint = false} : vector<64x128xf32>, vector<64x128xf32>, vector<64x64xf32> -> vector<64x64xf32>
    %concatenate3A_552 = tpu.concatenate %dot_general3A_549, %dot_general3A_551 in 1 : vector<64x64xf32>, vector<64x64xf32> -> vector<64x128xf32>
    %get3A_553 = arith.constant 0 : index
    %get3A_554 = arith.constant 8704 : index
    %get3A_555 = vector.load %arg1[%get3A_553, %get3A_554] : memref<64x16384xf32, #tpu.memory_space<vmem>>, vector<64x128xf32>
    %dot_general3A_556 = arith.constant dense<0.000000e+00> : vector<64x64xf32>
    %dot_general3A_557 = tpu.matmul %convert_element_type3A_3, %get3A_555, %dot_general3A_556 {dimension_numbers = #tpu.dot_dimension_numbers<[1], [1], [0], [0], [0, 0, 1, 0], [], []>, transpose_lhs_hint = false} : vector<64x128xf32>, vector<64x128xf32>, vector<64x64xf32> -> vector<64x64xf32>
    %dot_general3A_558 = arith.constant dense<0.000000e+00> : vector<64x64xf32>
    %dot_general3A_559 = tpu.matmul %convert_element_type3A_11, %get3A_555, %dot_general3A_558 {dimension_numbers = #tpu.dot_dimension_numbers<[1], [1], [0], [0], [0, 0, 1, 0], [], []>, transpose_lhs_hint = false} : vector<64x128xf32>, vector<64x128xf32>, vector<64x64xf32> -> vector<64x64xf32>
    %concatenate3A_560 = tpu.concatenate %dot_general3A_557, %dot_general3A_559 in 1 : vector<64x64xf32>, vector<64x64xf32> -> vector<64x128xf32>
    %get3A_561 = arith.constant 0 : index
    %get3A_562 = arith.constant 8832 : index
    %get3A_563 = vector.load %arg1[%get3A_561, %get3A_562] : memref<64x16384xf32, #tpu.memory_space<vmem>>, vector<64x128xf32>
    %dot_general3A_564 = arith.constant dense<0.000000e+00> : vector<64x64xf32>
    %dot_general3A_565 = tpu.matmul %convert_element_type3A_3, %get3A_563, %dot_general3A_564 {dimension_numbers = #tpu.dot_dimension_numbers<[1], [1], [0], [0], [0, 0, 1, 0], [], []>, transpose_lhs_hint = false} : vector<64x128xf32>, vector<64x128xf32>, vector<64x64xf32> -> vector<64x64xf32>
    %dot_general3A_566 = arith.constant dense<0.000000e+00> : vector<64x64xf32>
    %dot_general3A_567 = tpu.matmul %convert_element_type3A_11, %get3A_563, %dot_general3A_566 {dimension_numbers = #tpu.dot_dimension_numbers<[1], [1], [0], [0], [0, 0, 1, 0], [], []>, transpose_lhs_hint = false} : vector<64x128xf32>, vector<64x128xf32>, vector<64x64xf32> -> vector<64x64xf32>
    %concatenate3A_568 = tpu.concatenate %dot_general3A_565, %dot_general3A_567 in 1 : vector<64x64xf32>, vector<64x64xf32> -> vector<64x128xf32>
    %get3A_569 = arith.constant 0 : index
    %get3A_570 = arith.constant 8960 : index
    %get3A_571 = vector.load %arg1[%get3A_569, %get3A_570] : memref<64x16384xf32, #tpu.memory_space<vmem>>, vector<64x128xf32>
    %dot_general3A_572 = arith.constant dense<0.000000e+00> : vector<64x64xf32>
    %dot_general3A_573 = tpu.matmul %convert_element_type3A_3, %get3A_571, %dot_general3A_572 {dimension_numbers = #tpu.dot_dimension_numbers<[1], [1], [0], [0], [0, 0, 1, 0], [], []>, transpose_lhs_hint = false} : vector<64x128xf32>, vector<64x128xf32>, vector<64x64xf32> -> vector<64x64xf32>
    %dot_general3A_574 = arith.constant dense<0.000000e+00> : vector<64x64xf32>
    %dot_general3A_575 = tpu.matmul %convert_element_type3A_11, %get3A_571, %dot_general3A_574 {dimension_numbers = #tpu.dot_dimension_numbers<[1], [1], [0], [0], [0, 0, 1, 0], [], []>, transpose_lhs_hint = false} : vector<64x128xf32>, vector<64x128xf32>, vector<64x64xf32> -> vector<64x64xf32>
    %concatenate3A_576 = tpu.concatenate %dot_general3A_573, %dot_general3A_575 in 1 : vector<64x64xf32>, vector<64x64xf32> -> vector<64x128xf32>
    %get3A_577 = arith.constant 0 : index
    %get3A_578 = arith.constant 9088 : index
    %get3A_579 = vector.load %arg1[%get3A_577, %get3A_578] : memref<64x16384xf32, #tpu.memory_space<vmem>>, vector<64x128xf32>
    %dot_general3A_580 = arith.constant dense<0.000000e+00> : vector<64x64xf32>
    %dot_general3A_581 = tpu.matmul %convert_element_type3A_3, %get3A_579, %dot_general3A_580 {dimension_numbers = #tpu.dot_dimension_numbers<[1], [1], [0], [0], [0, 0, 1, 0], [], []>, transpose_lhs_hint = false} : vector<64x128xf32>, vector<64x128xf32>, vector<64x64xf32> -> vector<64x64xf32>
    %dot_general3A_582 = arith.constant dense<0.000000e+00> : vector<64x64xf32>
    %dot_general3A_583 = tpu.matmul %convert_element_type3A_11, %get3A_579, %dot_general3A_582 {dimension_numbers = #tpu.dot_dimension_numbers<[1], [1], [0], [0], [0, 0, 1, 0], [], []>, transpose_lhs_hint = false} : vector<64x128xf32>, vector<64x128xf32>, vector<64x64xf32> -> vector<64x64xf32>
    %concatenate3A_584 = tpu.concatenate %dot_general3A_581, %dot_general3A_583 in 1 : vector<64x64xf32>, vector<64x64xf32> -> vector<64x128xf32>
    %get3A_585 = arith.constant 0 : index
    %get3A_586 = arith.constant 9216 : index
    %get3A_587 = vector.load %arg1[%get3A_585, %get3A_586] : memref<64x16384xf32, #tpu.memory_space<vmem>>, vector<64x128xf32>
    %dot_general3A_588 = arith.constant dense<0.000000e+00> : vector<64x64xf32>
    %dot_general3A_589 = tpu.matmul %convert_element_type3A_3, %get3A_587, %dot_general3A_588 {dimension_numbers = #tpu.dot_dimension_numbers<[1], [1], [0], [0], [0, 0, 1, 0], [], []>, transpose_lhs_hint = false} : vector<64x128xf32>, vector<64x128xf32>, vector<64x64xf32> -> vector<64x64xf32>
    %dot_general3A_590 = arith.constant dense<0.000000e+00> : vector<64x64xf32>
    %dot_general3A_591 = tpu.matmul %convert_element_type3A_11, %get3A_587, %dot_general3A_590 {dimension_numbers = #tpu.dot_dimension_numbers<[1], [1], [0], [0], [0, 0, 1, 0], [], []>, transpose_lhs_hint = false} : vector<64x128xf32>, vector<64x128xf32>, vector<64x64xf32> -> vector<64x64xf32>
    %concatenate3A_592 = tpu.concatenate %dot_general3A_589, %dot_general3A_591 in 1 : vector<64x64xf32>, vector<64x64xf32> -> vector<64x128xf32>
    %get3A_593 = arith.constant 0 : index
    %get3A_594 = arith.constant 9344 : index
    %get3A_595 = vector.load %arg1[%get3A_593, %get3A_594] : memref<64x16384xf32, #tpu.memory_space<vmem>>, vector<64x128xf32>
    %dot_general3A_596 = arith.constant dense<0.000000e+00> : vector<64x64xf32>
    %dot_general3A_597 = tpu.matmul %convert_element_type3A_3, %get3A_595, %dot_general3A_596 {dimension_numbers = #tpu.dot_dimension_numbers<[1], [1], [0], [0], [0, 0, 1, 0], [], []>, transpose_lhs_hint = false} : vector<64x128xf32>, vector<64x128xf32>, vector<64x64xf32> -> vector<64x64xf32>
    %dot_general3A_598 = arith.constant dense<0.000000e+00> : vector<64x64xf32>
    %dot_general3A_599 = tpu.matmul %convert_element_type3A_11, %get3A_595, %dot_general3A_598 {dimension_numbers = #tpu.dot_dimension_numbers<[1], [1], [0], [0], [0, 0, 1, 0], [], []>, transpose_lhs_hint = false} : vector<64x128xf32>, vector<64x128xf32>, vector<64x64xf32> -> vector<64x64xf32>
    %concatenate3A_600 = tpu.concatenate %dot_general3A_597, %dot_general3A_599 in 1 : vector<64x64xf32>, vector<64x64xf32> -> vector<64x128xf32>
    %get3A_601 = arith.constant 0 : index
    %get3A_602 = arith.constant 9472 : index
    %get3A_603 = vector.load %arg1[%get3A_601, %get3A_602] : memref<64x16384xf32, #tpu.memory_space<vmem>>, vector<64x128xf32>
    %dot_general3A_604 = arith.constant dense<0.000000e+00> : vector<64x64xf32>
    %dot_general3A_605 = tpu.matmul %convert_element_type3A_3, %get3A_603, %dot_general3A_604 {dimension_numbers = #tpu.dot_dimension_numbers<[1], [1], [0], [0], [0, 0, 1, 0], [], []>, transpose_lhs_hint = false} : vector<64x128xf32>, vector<64x128xf32>, vector<64x64xf32> -> vector<64x64xf32>
    %dot_general3A_606 = arith.constant dense<0.000000e+00> : vector<64x64xf32>
    %dot_general3A_607 = tpu.matmul %convert_element_type3A_11, %get3A_603, %dot_general3A_606 {dimension_numbers = #tpu.dot_dimension_numbers<[1], [1], [0], [0], [0, 0, 1, 0], [], []>, transpose_lhs_hint = false} : vector<64x128xf32>, vector<64x128xf32>, vector<64x64xf32> -> vector<64x64xf32>
    %concatenate3A_608 = tpu.concatenate %dot_general3A_605, %dot_general3A_607 in 1 : vector<64x64xf32>, vector<64x64xf32> -> vector<64x128xf32>
    %get3A_609 = arith.constant 0 : index
    %get3A_610 = arith.constant 9600 : index
    %get3A_611 = vector.load %arg1[%get3A_609, %get3A_610] : memref<64x16384xf32, #tpu.memory_space<vmem>>, vector<64x128xf32>
    %dot_general3A_612 = arith.constant dense<0.000000e+00> : vector<64x64xf32>
    %dot_general3A_613 = tpu.matmul %convert_element_type3A_3, %get3A_611, %dot_general3A_612 {dimension_numbers = #tpu.dot_dimension_numbers<[1], [1], [0], [0], [0, 0, 1, 0], [], []>, transpose_lhs_hint = false} : vector<64x128xf32>, vector<64x128xf32>, vector<64x64xf32> -> vector<64x64xf32>
    %dot_general3A_614 = arith.constant dense<0.000000e+00> : vector<64x64xf32>
    %dot_general3A_615 = tpu.matmul %convert_element_type3A_11, %get3A_611, %dot_general3A_614 {dimension_numbers = #tpu.dot_dimension_numbers<[1], [1], [0], [0], [0, 0, 1, 0], [], []>, transpose_lhs_hint = false} : vector<64x128xf32>, vector<64x128xf32>, vector<64x64xf32> -> vector<64x64xf32>
    %concatenate3A_616 = tpu.concatenate %dot_general3A_613, %dot_general3A_615 in 1 : vector<64x64xf32>, vector<64x64xf32> -> vector<64x128xf32>
    %get3A_617 = arith.constant 0 : index
    %get3A_618 = arith.constant 9728 : index
    %get3A_619 = vector.load %arg1[%get3A_617, %get3A_618] : memref<64x16384xf32, #tpu.memory_space<vmem>>, vector<64x128xf32>
    %dot_general3A_620 = arith.constant dense<0.000000e+00> : vector<64x64xf32>
    %dot_general3A_621 = tpu.matmul %convert_element_type3A_3, %get3A_619, %dot_general3A_620 {dimension_numbers = #tpu.dot_dimension_numbers<[1], [1], [0], [0], [0, 0, 1, 0], [], []>, transpose_lhs_hint = false} : vector<64x128xf32>, vector<64x128xf32>, vector<64x64xf32> -> vector<64x64xf32>
    %dot_general3A_622 = arith.constant dense<0.000000e+00> : vector<64x64xf32>
    %dot_general3A_623 = tpu.matmul %convert_element_type3A_11, %get3A_619, %dot_general3A_622 {dimension_numbers = #tpu.dot_dimension_numbers<[1], [1], [0], [0], [0, 0, 1, 0], [], []>, transpose_lhs_hint = false} : vector<64x128xf32>, vector<64x128xf32>, vector<64x64xf32> -> vector<64x64xf32>
    %concatenate3A_624 = tpu.concatenate %dot_general3A_621, %dot_general3A_623 in 1 : vector<64x64xf32>, vector<64x64xf32> -> vector<64x128xf32>
    %get3A_625 = arith.constant 0 : index
    %get3A_626 = arith.constant 9856 : index
    %get3A_627 = vector.load %arg1[%get3A_625, %get3A_626] : memref<64x16384xf32, #tpu.memory_space<vmem>>, vector<64x128xf32>
    %dot_general3A_628 = arith.constant dense<0.000000e+00> : vector<64x64xf32>
    %dot_general3A_629 = tpu.matmul %convert_element_type3A_3, %get3A_627, %dot_general3A_628 {dimension_numbers = #tpu.dot_dimension_numbers<[1], [1], [0], [0], [0, 0, 1, 0], [], []>, transpose_lhs_hint = false} : vector<64x128xf32>, vector<64x128xf32>, vector<64x64xf32> -> vector<64x64xf32>
    %dot_general3A_630 = arith.constant dense<0.000000e+00> : vector<64x64xf32>
    %dot_general3A_631 = tpu.matmul %convert_element_type3A_11, %get3A_627, %dot_general3A_630 {dimension_numbers = #tpu.dot_dimension_numbers<[1], [1], [0], [0], [0, 0, 1, 0], [], []>, transpose_lhs_hint = false} : vector<64x128xf32>, vector<64x128xf32>, vector<64x64xf32> -> vector<64x64xf32>
    %concatenate3A_632 = tpu.concatenate %dot_general3A_629, %dot_general3A_631 in 1 : vector<64x64xf32>, vector<64x64xf32> -> vector<64x128xf32>
    %get3A_633 = arith.constant 0 : index
    %get3A_634 = arith.constant 9984 : index
    %get3A_635 = vector.load %arg1[%get3A_633, %get3A_634] : memref<64x16384xf32, #tpu.memory_space<vmem>>, vector<64x128xf32>
    %dot_general3A_636 = arith.constant dense<0.000000e+00> : vector<64x64xf32>
    %dot_general3A_637 = tpu.matmul %convert_element_type3A_3, %get3A_635, %dot_general3A_636 {dimension_numbers = #tpu.dot_dimension_numbers<[1], [1], [0], [0], [0, 0, 1, 0], [], []>, transpose_lhs_hint = false} : vector<64x128xf32>, vector<64x128xf32>, vector<64x64xf32> -> vector<64x64xf32>
    %dot_general3A_638 = arith.constant dense<0.000000e+00> : vector<64x64xf32>
    %dot_general3A_639 = tpu.matmul %convert_element_type3A_11, %get3A_635, %dot_general3A_638 {dimension_numbers = #tpu.dot_dimension_numbers<[1], [1], [0], [0], [0, 0, 1, 0], [], []>, transpose_lhs_hint = false} : vector<64x128xf32>, vector<64x128xf32>, vector<64x64xf32> -> vector<64x64xf32>
    %concatenate3A_640 = tpu.concatenate %dot_general3A_637, %dot_general3A_639 in 1 : vector<64x64xf32>, vector<64x64xf32> -> vector<64x128xf32>
    %get3A_641 = arith.constant 0 : index
    %get3A_642 = arith.constant 10112 : index
    %get3A_643 = vector.load %arg1[%get3A_641, %get3A_642] : memref<64x16384xf32, #tpu.memory_space<vmem>>, vector<64x128xf32>
    %dot_general3A_644 = arith.constant dense<0.000000e+00> : vector<64x64xf32>
    %dot_general3A_645 = tpu.matmul %convert_element_type3A_3, %get3A_643, %dot_general3A_644 {dimension_numbers = #tpu.dot_dimension_numbers<[1], [1], [0], [0], [0, 0, 1, 0], [], []>, transpose_lhs_hint = false} : vector<64x128xf32>, vector<64x128xf32>, vector<64x64xf32> -> vector<64x64xf32>
    %dot_general3A_646 = arith.constant dense<0.000000e+00> : vector<64x64xf32>
    %dot_general3A_647 = tpu.matmul %convert_element_type3A_11, %get3A_643, %dot_general3A_646 {dimension_numbers = #tpu.dot_dimension_numbers<[1], [1], [0], [0], [0, 0, 1, 0], [], []>, transpose_lhs_hint = false} : vector<64x128xf32>, vector<64x128xf32>, vector<64x64xf32> -> vector<64x64xf32>
    %concatenate3A_648 = tpu.concatenate %dot_general3A_645, %dot_general3A_647 in 1 : vector<64x64xf32>, vector<64x64xf32> -> vector<64x128xf32>
    %get3A_649 = arith.constant 0 : index
    %get3A_650 = arith.constant 10240 : index
    %get3A_651 = vector.load %arg1[%get3A_649, %get3A_650] : memref<64x16384xf32, #tpu.memory_space<vmem>>, vector<64x128xf32>
    %dot_general3A_652 = arith.constant dense<0.000000e+00> : vector<64x64xf32>
    %dot_general3A_653 = tpu.matmul %convert_element_type3A_3, %get3A_651, %dot_general3A_652 {dimension_numbers = #tpu.dot_dimension_numbers<[1], [1], [0], [0], [0, 0, 1, 0], [], []>, transpose_lhs_hint = false} : vector<64x128xf32>, vector<64x128xf32>, vector<64x64xf32> -> vector<64x64xf32>
    %dot_general3A_654 = arith.constant dense<0.000000e+00> : vector<64x64xf32>
    %dot_general3A_655 = tpu.matmul %convert_element_type3A_11, %get3A_651, %dot_general3A_654 {dimension_numbers = #tpu.dot_dimension_numbers<[1], [1], [0], [0], [0, 0, 1, 0], [], []>, transpose_lhs_hint = false} : vector<64x128xf32>, vector<64x128xf32>, vector<64x64xf32> -> vector<64x64xf32>
    %concatenate3A_656 = tpu.concatenate %dot_general3A_653, %dot_general3A_655 in 1 : vector<64x64xf32>, vector<64x64xf32> -> vector<64x128xf32>
    %get3A_657 = arith.constant 0 : index
    %get3A_658 = arith.constant 10368 : index
    %get3A_659 = vector.load %arg1[%get3A_657, %get3A_658] : memref<64x16384xf32, #tpu.memory_space<vmem>>, vector<64x128xf32>
    %dot_general3A_660 = arith.constant dense<0.000000e+00> : vector<64x64xf32>
    %dot_general3A_661 = tpu.matmul %convert_element_type3A_3, %get3A_659, %dot_general3A_660 {dimension_numbers = #tpu.dot_dimension_numbers<[1], [1], [0], [0], [0, 0, 1, 0], [], []>, transpose_lhs_hint = false} : vector<64x128xf32>, vector<64x128xf32>, vector<64x64xf32> -> vector<64x64xf32>
    %dot_general3A_662 = arith.constant dense<0.000000e+00> : vector<64x64xf32>
    %dot_general3A_663 = tpu.matmul %convert_element_type3A_11, %get3A_659, %dot_general3A_662 {dimension_numbers = #tpu.dot_dimension_numbers<[1], [1], [0], [0], [0, 0, 1, 0], [], []>, transpose_lhs_hint = false} : vector<64x128xf32>, vector<64x128xf32>, vector<64x64xf32> -> vector<64x64xf32>
    %concatenate3A_664 = tpu.concatenate %dot_general3A_661, %dot_general3A_663 in 1 : vector<64x64xf32>, vector<64x64xf32> -> vector<64x128xf32>
    %get3A_665 = arith.constant 0 : index
    %get3A_666 = arith.constant 10496 : index
    %get3A_667 = vector.load %arg1[%get3A_665, %get3A_666] : memref<64x16384xf32, #tpu.memory_space<vmem>>, vector<64x128xf32>
    %dot_general3A_668 = arith.constant dense<0.000000e+00> : vector<64x64xf32>
    %dot_general3A_669 = tpu.matmul %convert_element_type3A_3, %get3A_667, %dot_general3A_668 {dimension_numbers = #tpu.dot_dimension_numbers<[1], [1], [0], [0], [0, 0, 1, 0], [], []>, transpose_lhs_hint = false} : vector<64x128xf32>, vector<64x128xf32>, vector<64x64xf32> -> vector<64x64xf32>
    %dot_general3A_670 = arith.constant dense<0.000000e+00> : vector<64x64xf32>
    %dot_general3A_671 = tpu.matmul %convert_element_type3A_11, %get3A_667, %dot_general3A_670 {dimension_numbers = #tpu.dot_dimension_numbers<[1], [1], [0], [0], [0, 0, 1, 0], [], []>, transpose_lhs_hint = false} : vector<64x128xf32>, vector<64x128xf32>, vector<64x64xf32> -> vector<64x64xf32>
    %concatenate3A_672 = tpu.concatenate %dot_general3A_669, %dot_general3A_671 in 1 : vector<64x64xf32>, vector<64x64xf32> -> vector<64x128xf32>
    %get3A_673 = arith.constant 0 : index
    %get3A_674 = arith.constant 10624 : index
    %get3A_675 = vector.load %arg1[%get3A_673, %get3A_674] : memref<64x16384xf32, #tpu.memory_space<vmem>>, vector<64x128xf32>
    %dot_general3A_676 = arith.constant dense<0.000000e+00> : vector<64x64xf32>
    %dot_general3A_677 = tpu.matmul %convert_element_type3A_3, %get3A_675, %dot_general3A_676 {dimension_numbers = #tpu.dot_dimension_numbers<[1], [1], [0], [0], [0, 0, 1, 0], [], []>, transpose_lhs_hint = false} : vector<64x128xf32>, vector<64x128xf32>, vector<64x64xf32> -> vector<64x64xf32>
    %dot_general3A_678 = arith.constant dense<0.000000e+00> : vector<64x64xf32>
    %dot_general3A_679 = tpu.matmul %convert_element_type3A_11, %get3A_675, %dot_general3A_678 {dimension_numbers = #tpu.dot_dimension_numbers<[1], [1], [0], [0], [0, 0, 1, 0], [], []>, transpose_lhs_hint = false} : vector<64x128xf32>, vector<64x128xf32>, vector<64x64xf32> -> vector<64x64xf32>
    %concatenate3A_680 = tpu.concatenate %dot_general3A_677, %dot_general3A_679 in 1 : vector<64x64xf32>, vector<64x64xf32> -> vector<64x128xf32>
    %get3A_681 = arith.constant 0 : index
    %get3A_682 = arith.constant 10752 : index
    %get3A_683 = vector.load %arg1[%get3A_681, %get3A_682] : memref<64x16384xf32, #tpu.memory_space<vmem>>, vector<64x128xf32>
    %dot_general3A_684 = arith.constant dense<0.000000e+00> : vector<64x64xf32>
    %dot_general3A_685 = tpu.matmul %convert_element_type3A_3, %get3A_683, %dot_general3A_684 {dimension_numbers = #tpu.dot_dimension_numbers<[1], [1], [0], [0], [0, 0, 1, 0], [], []>, transpose_lhs_hint = false} : vector<64x128xf32>, vector<64x128xf32>, vector<64x64xf32> -> vector<64x64xf32>
    %dot_general3A_686 = arith.constant dense<0.000000e+00> : vector<64x64xf32>
    %dot_general3A_687 = tpu.matmul %convert_element_type3A_11, %get3A_683, %dot_general3A_686 {dimension_numbers = #tpu.dot_dimension_numbers<[1], [1], [0], [0], [0, 0, 1, 0], [], []>, transpose_lhs_hint = false} : vector<64x128xf32>, vector<64x128xf32>, vector<64x64xf32> -> vector<64x64xf32>
    %concatenate3A_688 = tpu.concatenate %dot_general3A_685, %dot_general3A_687 in 1 : vector<64x64xf32>, vector<64x64xf32> -> vector<64x128xf32>
    %get3A_689 = arith.constant 0 : index
    %get3A_690 = arith.constant 10880 : index
    %get3A_691 = vector.load %arg1[%get3A_689, %get3A_690] : memref<64x16384xf32, #tpu.memory_space<vmem>>, vector<64x128xf32>
    %dot_general3A_692 = arith.constant dense<0.000000e+00> : vector<64x64xf32>
    %dot_general3A_693 = tpu.matmul %convert_element_type3A_3, %get3A_691, %dot_general3A_692 {dimension_numbers = #tpu.dot_dimension_numbers<[1], [1], [0], [0], [0, 0, 1, 0], [], []>, transpose_lhs_hint = false} : vector<64x128xf32>, vector<64x128xf32>, vector<64x64xf32> -> vector<64x64xf32>
    %dot_general3A_694 = arith.constant dense<0.000000e+00> : vector<64x64xf32>
    %dot_general3A_695 = tpu.matmul %convert_element_type3A_11, %get3A_691, %dot_general3A_694 {dimension_numbers = #tpu.dot_dimension_numbers<[1], [1], [0], [0], [0, 0, 1, 0], [], []>, transpose_lhs_hint = false} : vector<64x128xf32>, vector<64x128xf32>, vector<64x64xf32> -> vector<64x64xf32>
    %concatenate3A_696 = tpu.concatenate %dot_general3A_693, %dot_general3A_695 in 1 : vector<64x64xf32>, vector<64x64xf32> -> vector<64x128xf32>
    %get3A_697 = arith.constant 0 : index
    %get3A_698 = arith.constant 11008 : index
    %get3A_699 = vector.load %arg1[%get3A_697, %get3A_698] : memref<64x16384xf32, #tpu.memory_space<vmem>>, vector<64x128xf32>
    %dot_general3A_700 = arith.constant dense<0.000000e+00> : vector<64x64xf32>
    %dot_general3A_701 = tpu.matmul %convert_element_type3A_3, %get3A_699, %dot_general3A_700 {dimension_numbers = #tpu.dot_dimension_numbers<[1], [1], [0], [0], [0, 0, 1, 0], [], []>, transpose_lhs_hint = false} : vector<64x128xf32>, vector<64x128xf32>, vector<64x64xf32> -> vector<64x64xf32>
    %dot_general3A_702 = arith.constant dense<0.000000e+00> : vector<64x64xf32>
    %dot_general3A_703 = tpu.matmul %convert_element_type3A_11, %get3A_699, %dot_general3A_702 {dimension_numbers = #tpu.dot_dimension_numbers<[1], [1], [0], [0], [0, 0, 1, 0], [], []>, transpose_lhs_hint = false} : vector<64x128xf32>, vector<64x128xf32>, vector<64x64xf32> -> vector<64x64xf32>
    %concatenate3A_704 = tpu.concatenate %dot_general3A_701, %dot_general3A_703 in 1 : vector<64x64xf32>, vector<64x64xf32> -> vector<64x128xf32>
    %get3A_705 = arith.constant 0 : index
    %get3A_706 = arith.constant 11136 : index
    %get3A_707 = vector.load %arg1[%get3A_705, %get3A_706] : memref<64x16384xf32, #tpu.memory_space<vmem>>, vector<64x128xf32>
    %dot_general3A_708 = arith.constant dense<0.000000e+00> : vector<64x64xf32>
    %dot_general3A_709 = tpu.matmul %convert_element_type3A_3, %get3A_707, %dot_general3A_708 {dimension_numbers = #tpu.dot_dimension_numbers<[1], [1], [0], [0], [0, 0, 1, 0], [], []>, transpose_lhs_hint = false} : vector<64x128xf32>, vector<64x128xf32>, vector<64x64xf32> -> vector<64x64xf32>
    %dot_general3A_710 = arith.constant dense<0.000000e+00> : vector<64x64xf32>
    %dot_general3A_711 = tpu.matmul %convert_element_type3A_11, %get3A_707, %dot_general3A_710 {dimension_numbers = #tpu.dot_dimension_numbers<[1], [1], [0], [0], [0, 0, 1, 0], [], []>, transpose_lhs_hint = false} : vector<64x128xf32>, vector<64x128xf32>, vector<64x64xf32> -> vector<64x64xf32>
    %concatenate3A_712 = tpu.concatenate %dot_general3A_709, %dot_general3A_711 in 1 : vector<64x64xf32>, vector<64x64xf32> -> vector<64x128xf32>
    %get3A_713 = arith.constant 0 : index
    %get3A_714 = arith.constant 11264 : index
    %get3A_715 = vector.load %arg1[%get3A_713, %get3A_714] : memref<64x16384xf32, #tpu.memory_space<vmem>>, vector<64x128xf32>
    %dot_general3A_716 = arith.constant dense<0.000000e+00> : vector<64x64xf32>
    %dot_general3A_717 = tpu.matmul %convert_element_type3A_3, %get3A_715, %dot_general3A_716 {dimension_numbers = #tpu.dot_dimension_numbers<[1], [1], [0], [0], [0, 0, 1, 0], [], []>, transpose_lhs_hint = false} : vector<64x128xf32>, vector<64x128xf32>, vector<64x64xf32> -> vector<64x64xf32>
    %dot_general3A_718 = arith.constant dense<0.000000e+00> : vector<64x64xf32>
    %dot_general3A_719 = tpu.matmul %convert_element_type3A_11, %get3A_715, %dot_general3A_718 {dimension_numbers = #tpu.dot_dimension_numbers<[1], [1], [0], [0], [0, 0, 1, 0], [], []>, transpose_lhs_hint = false} : vector<64x128xf32>, vector<64x128xf32>, vector<64x64xf32> -> vector<64x64xf32>
    %concatenate3A_720 = tpu.concatenate %dot_general3A_717, %dot_general3A_719 in 1 : vector<64x64xf32>, vector<64x64xf32> -> vector<64x128xf32>
    %get3A_721 = arith.constant 0 : index
    %get3A_722 = arith.constant 11392 : index
    %get3A_723 = vector.load %arg1[%get3A_721, %get3A_722] : memref<64x16384xf32, #tpu.memory_space<vmem>>, vector<64x128xf32>
    %dot_general3A_724 = arith.constant dense<0.000000e+00> : vector<64x64xf32>
    %dot_general3A_725 = tpu.matmul %convert_element_type3A_3, %get3A_723, %dot_general3A_724 {dimension_numbers = #tpu.dot_dimension_numbers<[1], [1], [0], [0], [0, 0, 1, 0], [], []>, transpose_lhs_hint = false} : vector<64x128xf32>, vector<64x128xf32>, vector<64x64xf32> -> vector<64x64xf32>
    %dot_general3A_726 = arith.constant dense<0.000000e+00> : vector<64x64xf32>
    %dot_general3A_727 = tpu.matmul %convert_element_type3A_11, %get3A_723, %dot_general3A_726 {dimension_numbers = #tpu.dot_dimension_numbers<[1], [1], [0], [0], [0, 0, 1, 0], [], []>, transpose_lhs_hint = false} : vector<64x128xf32>, vector<64x128xf32>, vector<64x64xf32> -> vector<64x64xf32>
    %concatenate3A_728 = tpu.concatenate %dot_general3A_725, %dot_general3A_727 in 1 : vector<64x64xf32>, vector<64x64xf32> -> vector<64x128xf32>
    %get3A_729 = arith.constant 0 : index
    %get3A_730 = arith.constant 11520 : index
    %get3A_731 = vector.load %arg1[%get3A_729, %get3A_730] : memref<64x16384xf32, #tpu.memory_space<vmem>>, vector<64x128xf32>
    %dot_general3A_732 = arith.constant dense<0.000000e+00> : vector<64x64xf32>
    %dot_general3A_733 = tpu.matmul %convert_element_type3A_3, %get3A_731, %dot_general3A_732 {dimension_numbers = #tpu.dot_dimension_numbers<[1], [1], [0], [0], [0, 0, 1, 0], [], []>, transpose_lhs_hint = false} : vector<64x128xf32>, vector<64x128xf32>, vector<64x64xf32> -> vector<64x64xf32>
    %dot_general3A_734 = arith.constant dense<0.000000e+00> : vector<64x64xf32>
    %dot_general3A_735 = tpu.matmul %convert_element_type3A_11, %get3A_731, %dot_general3A_734 {dimension_numbers = #tpu.dot_dimension_numbers<[1], [1], [0], [0], [0, 0, 1, 0], [], []>, transpose_lhs_hint = false} : vector<64x128xf32>, vector<64x128xf32>, vector<64x64xf32> -> vector<64x64xf32>
    %concatenate3A_736 = tpu.concatenate %dot_general3A_733, %dot_general3A_735 in 1 : vector<64x64xf32>, vector<64x64xf32> -> vector<64x128xf32>
    %get3A_737 = arith.constant 0 : index
    %get3A_738 = arith.constant 11648 : index
    %get3A_739 = vector.load %arg1[%get3A_737, %get3A_738] : memref<64x16384xf32, #tpu.memory_space<vmem>>, vector<64x128xf32>
    %dot_general3A_740 = arith.constant dense<0.000000e+00> : vector<64x64xf32>
    %dot_general3A_741 = tpu.matmul %convert_element_type3A_3, %get3A_739, %dot_general3A_740 {dimension_numbers = #tpu.dot_dimension_numbers<[1], [1], [0], [0], [0, 0, 1, 0], [], []>, transpose_lhs_hint = false} : vector<64x128xf32>, vector<64x128xf32>, vector<64x64xf32> -> vector<64x64xf32>
    %dot_general3A_742 = arith.constant dense<0.000000e+00> : vector<64x64xf32>
    %dot_general3A_743 = tpu.matmul %convert_element_type3A_11, %get3A_739, %dot_general3A_742 {dimension_numbers = #tpu.dot_dimension_numbers<[1], [1], [0], [0], [0, 0, 1, 0], [], []>, transpose_lhs_hint = false} : vector<64x128xf32>, vector<64x128xf32>, vector<64x64xf32> -> vector<64x64xf32>
    %concatenate3A_744 = tpu.concatenate %dot_general3A_741, %dot_general3A_743 in 1 : vector<64x64xf32>, vector<64x64xf32> -> vector<64x128xf32>
    %get3A_745 = arith.constant 0 : index
    %get3A_746 = arith.constant 11776 : index
    %get3A_747 = vector.load %arg1[%get3A_745, %get3A_746] : memref<64x16384xf32, #tpu.memory_space<vmem>>, vector<64x128xf32>
    %dot_general3A_748 = arith.constant dense<0.000000e+00> : vector<64x64xf32>
    %dot_general3A_749 = tpu.matmul %convert_element_type3A_3, %get3A_747, %dot_general3A_748 {dimension_numbers = #tpu.dot_dimension_numbers<[1], [1], [0], [0], [0, 0, 1, 0], [], []>, transpose_lhs_hint = false} : vector<64x128xf32>, vector<64x128xf32>, vector<64x64xf32> -> vector<64x64xf32>
    %dot_general3A_750 = arith.constant dense<0.000000e+00> : vector<64x64xf32>
    %dot_general3A_751 = tpu.matmul %convert_element_type3A_11, %get3A_747, %dot_general3A_750 {dimension_numbers = #tpu.dot_dimension_numbers<[1], [1], [0], [0], [0, 0, 1, 0], [], []>, transpose_lhs_hint = false} : vector<64x128xf32>, vector<64x128xf32>, vector<64x64xf32> -> vector<64x64xf32>
    %concatenate3A_752 = tpu.concatenate %dot_general3A_749, %dot_general3A_751 in 1 : vector<64x64xf32>, vector<64x64xf32> -> vector<64x128xf32>
    %get3A_753 = arith.constant 0 : index
    %get3A_754 = arith.constant 11904 : index
    %get3A_755 = vector.load %arg1[%get3A_753, %get3A_754] : memref<64x16384xf32, #tpu.memory_space<vmem>>, vector<64x128xf32>
    %dot_general3A_756 = arith.constant dense<0.000000e+00> : vector<64x64xf32>
    %dot_general3A_757 = tpu.matmul %convert_element_type3A_3, %get3A_755, %dot_general3A_756 {dimension_numbers = #tpu.dot_dimension_numbers<[1], [1], [0], [0], [0, 0, 1, 0], [], []>, transpose_lhs_hint = false} : vector<64x128xf32>, vector<64x128xf32>, vector<64x64xf32> -> vector<64x64xf32>
    %dot_general3A_758 = arith.constant dense<0.000000e+00> : vector<64x64xf32>
    %dot_general3A_759 = tpu.matmul %convert_element_type3A_11, %get3A_755, %dot_general3A_758 {dimension_numbers = #tpu.dot_dimension_numbers<[1], [1], [0], [0], [0, 0, 1, 0], [], []>, transpose_lhs_hint = false} : vector<64x128xf32>, vector<64x128xf32>, vector<64x64xf32> -> vector<64x64xf32>
    %concatenate3A_760 = tpu.concatenate %dot_general3A_757, %dot_general3A_759 in 1 : vector<64x64xf32>, vector<64x64xf32> -> vector<64x128xf32>
    %get3A_761 = arith.constant 0 : index
    %get3A_762 = arith.constant 12032 : index
    %get3A_763 = vector.load %arg1[%get3A_761, %get3A_762] : memref<64x16384xf32, #tpu.memory_space<vmem>>, vector<64x128xf32>
    %dot_general3A_764 = arith.constant dense<0.000000e+00> : vector<64x64xf32>
    %dot_general3A_765 = tpu.matmul %convert_element_type3A_3, %get3A_763, %dot_general3A_764 {dimension_numbers = #tpu.dot_dimension_numbers<[1], [1], [0], [0], [0, 0, 1, 0], [], []>, transpose_lhs_hint = false} : vector<64x128xf32>, vector<64x128xf32>, vector<64x64xf32> -> vector<64x64xf32>
    %dot_general3A_766 = arith.constant dense<0.000000e+00> : vector<64x64xf32>
    %dot_general3A_767 = tpu.matmul %convert_element_type3A_11, %get3A_763, %dot_general3A_766 {dimension_numbers = #tpu.dot_dimension_numbers<[1], [1], [0], [0], [0, 0, 1, 0], [], []>, transpose_lhs_hint = false} : vector<64x128xf32>, vector<64x128xf32>, vector<64x64xf32> -> vector<64x64xf32>
    %concatenate3A_768 = tpu.concatenate %dot_general3A_765, %dot_general3A_767 in 1 : vector<64x64xf32>, vector<64x64xf32> -> vector<64x128xf32>
    %get3A_769 = arith.constant 0 : index
    %get3A_770 = arith.constant 12160 : index
    %get3A_771 = vector.load %arg1[%get3A_769, %get3A_770] : memref<64x16384xf32, #tpu.memory_space<vmem>>, vector<64x128xf32>
    %dot_general3A_772 = arith.constant dense<0.000000e+00> : vector<64x64xf32>
    %dot_general3A_773 = tpu.matmul %convert_element_type3A_3, %get3A_771, %dot_general3A_772 {dimension_numbers = #tpu.dot_dimension_numbers<[1], [1], [0], [0], [0, 0, 1, 0], [], []>, transpose_lhs_hint = false} : vector<64x128xf32>, vector<64x128xf32>, vector<64x64xf32> -> vector<64x64xf32>
    %dot_general3A_774 = arith.constant dense<0.000000e+00> : vector<64x64xf32>
    %dot_general3A_775 = tpu.matmul %convert_element_type3A_11, %get3A_771, %dot_general3A_774 {dimension_numbers = #tpu.dot_dimension_numbers<[1], [1], [0], [0], [0, 0, 1, 0], [], []>, transpose_lhs_hint = false} : vector<64x128xf32>, vector<64x128xf32>, vector<64x64xf32> -> vector<64x64xf32>
    %concatenate3A_776 = tpu.concatenate %dot_general3A_773, %dot_general3A_775 in 1 : vector<64x64xf32>, vector<64x64xf32> -> vector<64x128xf32>
    %get3A_777 = arith.constant 0 : index
    %get3A_778 = arith.constant 12288 : index
    %get3A_779 = vector.load %arg1[%get3A_777, %get3A_778] : memref<64x16384xf32, #tpu.memory_space<vmem>>, vector<64x128xf32>
    %dot_general3A_780 = arith.constant dense<0.000000e+00> : vector<64x64xf32>
    %dot_general3A_781 = tpu.matmul %convert_element_type3A_3, %get3A_779, %dot_general3A_780 {dimension_numbers = #tpu.dot_dimension_numbers<[1], [1], [0], [0], [0, 0, 1, 0], [], []>, transpose_lhs_hint = false} : vector<64x128xf32>, vector<64x128xf32>, vector<64x64xf32> -> vector<64x64xf32>
    %dot_general3A_782 = arith.constant dense<0.000000e+00> : vector<64x64xf32>
    %dot_general3A_783 = tpu.matmul %convert_element_type3A_11, %get3A_779, %dot_general3A_782 {dimension_numbers = #tpu.dot_dimension_numbers<[1], [1], [0], [0], [0, 0, 1, 0], [], []>, transpose_lhs_hint = false} : vector<64x128xf32>, vector<64x128xf32>, vector<64x64xf32> -> vector<64x64xf32>
    %concatenate3A_784 = tpu.concatenate %dot_general3A_781, %dot_general3A_783 in 1 : vector<64x64xf32>, vector<64x64xf32> -> vector<64x128xf32>
    %get3A_785 = arith.constant 0 : index
    %get3A_786 = arith.constant 12416 : index
    %get3A_787 = vector.load %arg1[%get3A_785, %get3A_786] : memref<64x16384xf32, #tpu.memory_space<vmem>>, vector<64x128xf32>
    %dot_general3A_788 = arith.constant dense<0.000000e+00> : vector<64x64xf32>
    %dot_general3A_789 = tpu.matmul %convert_element_type3A_3, %get3A_787, %dot_general3A_788 {dimension_numbers = #tpu.dot_dimension_numbers<[1], [1], [0], [0], [0, 0, 1, 0], [], []>, transpose_lhs_hint = false} : vector<64x128xf32>, vector<64x128xf32>, vector<64x64xf32> -> vector<64x64xf32>
    %dot_general3A_790 = arith.constant dense<0.000000e+00> : vector<64x64xf32>
    %dot_general3A_791 = tpu.matmul %convert_element_type3A_11, %get3A_787, %dot_general3A_790 {dimension_numbers = #tpu.dot_dimension_numbers<[1], [1], [0], [0], [0, 0, 1, 0], [], []>, transpose_lhs_hint = false} : vector<64x128xf32>, vector<64x128xf32>, vector<64x64xf32> -> vector<64x64xf32>
    %concatenate3A_792 = tpu.concatenate %dot_general3A_789, %dot_general3A_791 in 1 : vector<64x64xf32>, vector<64x64xf32> -> vector<64x128xf32>
    %get3A_793 = arith.constant 0 : index
    %get3A_794 = arith.constant 12544 : index
    %get3A_795 = vector.load %arg1[%get3A_793, %get3A_794] : memref<64x16384xf32, #tpu.memory_space<vmem>>, vector<64x128xf32>
    %dot_general3A_796 = arith.constant dense<0.000000e+00> : vector<64x64xf32>
    %dot_general3A_797 = tpu.matmul %convert_element_type3A_3, %get3A_795, %dot_general3A_796 {dimension_numbers = #tpu.dot_dimension_numbers<[1], [1], [0], [0], [0, 0, 1, 0], [], []>, transpose_lhs_hint = false} : vector<64x128xf32>, vector<64x128xf32>, vector<64x64xf32> -> vector<64x64xf32>
    %dot_general3A_798 = arith.constant dense<0.000000e+00> : vector<64x64xf32>
    %dot_general3A_799 = tpu.matmul %convert_element_type3A_11, %get3A_795, %dot_general3A_798 {dimension_numbers = #tpu.dot_dimension_numbers<[1], [1], [0], [0], [0, 0, 1, 0], [], []>, transpose_lhs_hint = false} : vector<64x128xf32>, vector<64x128xf32>, vector<64x64xf32> -> vector<64x64xf32>
    %concatenate3A_800 = tpu.concatenate %dot_general3A_797, %dot_general3A_799 in 1 : vector<64x64xf32>, vector<64x64xf32> -> vector<64x128xf32>
    %get3A_801 = arith.constant 0 : index
    %get3A_802 = arith.constant 12672 : index
    %get3A_803 = vector.load %arg1[%get3A_801, %get3A_802] : memref<64x16384xf32, #tpu.memory_space<vmem>>, vector<64x128xf32>
    %dot_general3A_804 = arith.constant dense<0.000000e+00> : vector<64x64xf32>
    %dot_general3A_805 = tpu.matmul %convert_element_type3A_3, %get3A_803, %dot_general3A_804 {dimension_numbers = #tpu.dot_dimension_numbers<[1], [1], [0], [0], [0, 0, 1, 0], [], []>, transpose_lhs_hint = false} : vector<64x128xf32>, vector<64x128xf32>, vector<64x64xf32> -> vector<64x64xf32>
    %dot_general3A_806 = arith.constant dense<0.000000e+00> : vector<64x64xf32>
    %dot_general3A_807 = tpu.matmul %convert_element_type3A_11, %get3A_803, %dot_general3A_806 {dimension_numbers = #tpu.dot_dimension_numbers<[1], [1], [0], [0], [0, 0, 1, 0], [], []>, transpose_lhs_hint = false} : vector<64x128xf32>, vector<64x128xf32>, vector<64x64xf32> -> vector<64x64xf32>
    %concatenate3A_808 = tpu.concatenate %dot_general3A_805, %dot_general3A_807 in 1 : vector<64x64xf32>, vector<64x64xf32> -> vector<64x128xf32>
    %get3A_809 = arith.constant 0 : index
    %get3A_810 = arith.constant 12800 : index
    %get3A_811 = vector.load %arg1[%get3A_809, %get3A_810] : memref<64x16384xf32, #tpu.memory_space<vmem>>, vector<64x128xf32>
    %dot_general3A_812 = arith.constant dense<0.000000e+00> : vector<64x64xf32>
    %dot_general3A_813 = tpu.matmul %convert_element_type3A_3, %get3A_811, %dot_general3A_812 {dimension_numbers = #tpu.dot_dimension_numbers<[1], [1], [0], [0], [0, 0, 1, 0], [], []>, transpose_lhs_hint = false} : vector<64x128xf32>, vector<64x128xf32>, vector<64x64xf32> -> vector<64x64xf32>
    %dot_general3A_814 = arith.constant dense<0.000000e+00> : vector<64x64xf32>
    %dot_general3A_815 = tpu.matmul %convert_element_type3A_11, %get3A_811, %dot_general3A_814 {dimension_numbers = #tpu.dot_dimension_numbers<[1], [1], [0], [0], [0, 0, 1, 0], [], []>, transpose_lhs_hint = false} : vector<64x128xf32>, vector<64x128xf32>, vector<64x64xf32> -> vector<64x64xf32>
    %concatenate3A_816 = tpu.concatenate %dot_general3A_813, %dot_general3A_815 in 1 : vector<64x64xf32>, vector<64x64xf32> -> vector<64x128xf32>
    %get3A_817 = arith.constant 0 : index
    %get3A_818 = arith.constant 12928 : index
    %get3A_819 = vector.load %arg1[%get3A_817, %get3A_818] : memref<64x16384xf32, #tpu.memory_space<vmem>>, vector<64x128xf32>
    %dot_general3A_820 = arith.constant dense<0.000000e+00> : vector<64x64xf32>
    %dot_general3A_821 = tpu.matmul %convert_element_type3A_3, %get3A_819, %dot_general3A_820 {dimension_numbers = #tpu.dot_dimension_numbers<[1], [1], [0], [0], [0, 0, 1, 0], [], []>, transpose_lhs_hint = false} : vector<64x128xf32>, vector<64x128xf32>, vector<64x64xf32> -> vector<64x64xf32>
    %dot_general3A_822 = arith.constant dense<0.000000e+00> : vector<64x64xf32>
    %dot_general3A_823 = tpu.matmul %convert_element_type3A_11, %get3A_819, %dot_general3A_822 {dimension_numbers = #tpu.dot_dimension_numbers<[1], [1], [0], [0], [0, 0, 1, 0], [], []>, transpose_lhs_hint = false} : vector<64x128xf32>, vector<64x128xf32>, vector<64x64xf32> -> vector<64x64xf32>
    %concatenate3A_824 = tpu.concatenate %dot_general3A_821, %dot_general3A_823 in 1 : vector<64x64xf32>, vector<64x64xf32> -> vector<64x128xf32>
    %get3A_825 = arith.constant 0 : index
    %get3A_826 = arith.constant 13056 : index
    %get3A_827 = vector.load %arg1[%get3A_825, %get3A_826] : memref<64x16384xf32, #tpu.memory_space<vmem>>, vector<64x128xf32>
    %dot_general3A_828 = arith.constant dense<0.000000e+00> : vector<64x64xf32>
    %dot_general3A_829 = tpu.matmul %convert_element_type3A_3, %get3A_827, %dot_general3A_828 {dimension_numbers = #tpu.dot_dimension_numbers<[1], [1], [0], [0], [0, 0, 1, 0], [], []>, transpose_lhs_hint = false} : vector<64x128xf32>, vector<64x128xf32>, vector<64x64xf32> -> vector<64x64xf32>
    %dot_general3A_830 = arith.constant dense<0.000000e+00> : vector<64x64xf32>
    %dot_general3A_831 = tpu.matmul %convert_element_type3A_11, %get3A_827, %dot_general3A_830 {dimension_numbers = #tpu.dot_dimension_numbers<[1], [1], [0], [0], [0, 0, 1, 0], [], []>, transpose_lhs_hint = false} : vector<64x128xf32>, vector<64x128xf32>, vector<64x64xf32> -> vector<64x64xf32>
    %concatenate3A_832 = tpu.concatenate %dot_general3A_829, %dot_general3A_831 in 1 : vector<64x64xf32>, vector<64x64xf32> -> vector<64x128xf32>
    %get3A_833 = arith.constant 0 : index
    %get3A_834 = arith.constant 13184 : index
    %get3A_835 = vector.load %arg1[%get3A_833, %get3A_834] : memref<64x16384xf32, #tpu.memory_space<vmem>>, vector<64x128xf32>
    %dot_general3A_836 = arith.constant dense<0.000000e+00> : vector<64x64xf32>
    %dot_general3A_837 = tpu.matmul %convert_element_type3A_3, %get3A_835, %dot_general3A_836 {dimension_numbers = #tpu.dot_dimension_numbers<[1], [1], [0], [0], [0, 0, 1, 0], [], []>, transpose_lhs_hint = false} : vector<64x128xf32>, vector<64x128xf32>, vector<64x64xf32> -> vector<64x64xf32>
    %dot_general3A_838 = arith.constant dense<0.000000e+00> : vector<64x64xf32>
    %dot_general3A_839 = tpu.matmul %convert_element_type3A_11, %get3A_835, %dot_general3A_838 {dimension_numbers = #tpu.dot_dimension_numbers<[1], [1], [0], [0], [0, 0, 1, 0], [], []>, transpose_lhs_hint = false} : vector<64x128xf32>, vector<64x128xf32>, vector<64x64xf32> -> vector<64x64xf32>
    %concatenate3A_840 = tpu.concatenate %dot_general3A_837, %dot_general3A_839 in 1 : vector<64x64xf32>, vector<64x64xf32> -> vector<64x128xf32>
    %get3A_841 = arith.constant 0 : index
    %get3A_842 = arith.constant 13312 : index
    %get3A_843 = vector.load %arg1[%get3A_841, %get3A_842] : memref<64x16384xf32, #tpu.memory_space<vmem>>, vector<64x128xf32>
    %dot_general3A_844 = arith.constant dense<0.000000e+00> : vector<64x64xf32>
    %dot_general3A_845 = tpu.matmul %convert_element_type3A_3, %get3A_843, %dot_general3A_844 {dimension_numbers = #tpu.dot_dimension_numbers<[1], [1], [0], [0], [0, 0, 1, 0], [], []>, transpose_lhs_hint = false} : vector<64x128xf32>, vector<64x128xf32>, vector<64x64xf32> -> vector<64x64xf32>
    %dot_general3A_846 = arith.constant dense<0.000000e+00> : vector<64x64xf32>
    %dot_general3A_847 = tpu.matmul %convert_element_type3A_11, %get3A_843, %dot_general3A_846 {dimension_numbers = #tpu.dot_dimension_numbers<[1], [1], [0], [0], [0, 0, 1, 0], [], []>, transpose_lhs_hint = false} : vector<64x128xf32>, vector<64x128xf32>, vector<64x64xf32> -> vector<64x64xf32>
    %concatenate3A_848 = tpu.concatenate %dot_general3A_845, %dot_general3A_847 in 1 : vector<64x64xf32>, vector<64x64xf32> -> vector<64x128xf32>
    %get3A_849 = arith.constant 0 : index
    %get3A_850 = arith.constant 13440 : index
    %get3A_851 = vector.load %arg1[%get3A_849, %get3A_850] : memref<64x16384xf32, #tpu.memory_space<vmem>>, vector<64x128xf32>
    %dot_general3A_852 = arith.constant dense<0.000000e+00> : vector<64x64xf32>
    %dot_general3A_853 = tpu.matmul %convert_element_type3A_3, %get3A_851, %dot_general3A_852 {dimension_numbers = #tpu.dot_dimension_numbers<[1], [1], [0], [0], [0, 0, 1, 0], [], []>, transpose_lhs_hint = false} : vector<64x128xf32>, vector<64x128xf32>, vector<64x64xf32> -> vector<64x64xf32>
    %dot_general3A_854 = arith.constant dense<0.000000e+00> : vector<64x64xf32>
    %dot_general3A_855 = tpu.matmul %convert_element_type3A_11, %get3A_851, %dot_general3A_854 {dimension_numbers = #tpu.dot_dimension_numbers<[1], [1], [0], [0], [0, 0, 1, 0], [], []>, transpose_lhs_hint = false} : vector<64x128xf32>, vector<64x128xf32>, vector<64x64xf32> -> vector<64x64xf32>
    %concatenate3A_856 = tpu.concatenate %dot_general3A_853, %dot_general3A_855 in 1 : vector<64x64xf32>, vector<64x64xf32> -> vector<64x128xf32>
    %get3A_857 = arith.constant 0 : index
    %get3A_858 = arith.constant 13568 : index
    %get3A_859 = vector.load %arg1[%get3A_857, %get3A_858] : memref<64x16384xf32, #tpu.memory_space<vmem>>, vector<64x128xf32>
    %dot_general3A_860 = arith.constant dense<0.000000e+00> : vector<64x64xf32>
    %dot_general3A_861 = tpu.matmul %convert_element_type3A_3, %get3A_859, %dot_general3A_860 {dimension_numbers = #tpu.dot_dimension_numbers<[1], [1], [0], [0], [0, 0, 1, 0], [], []>, transpose_lhs_hint = false} : vector<64x128xf32>, vector<64x128xf32>, vector<64x64xf32> -> vector<64x64xf32>
    %dot_general3A_862 = arith.constant dense<0.000000e+00> : vector<64x64xf32>
    %dot_general3A_863 = tpu.matmul %convert_element_type3A_11, %get3A_859, %dot_general3A_862 {dimension_numbers = #tpu.dot_dimension_numbers<[1], [1], [0], [0], [0, 0, 1, 0], [], []>, transpose_lhs_hint = false} : vector<64x128xf32>, vector<64x128xf32>, vector<64x64xf32> -> vector<64x64xf32>
    %concatenate3A_864 = tpu.concatenate %dot_general3A_861, %dot_general3A_863 in 1 : vector<64x64xf32>, vector<64x64xf32> -> vector<64x128xf32>
    %get3A_865 = arith.constant 0 : index
    %get3A_866 = arith.constant 13696 : index
    %get3A_867 = vector.load %arg1[%get3A_865, %get3A_866] : memref<64x16384xf32, #tpu.memory_space<vmem>>, vector<64x128xf32>
    %dot_general3A_868 = arith.constant dense<0.000000e+00> : vector<64x64xf32>
    %dot_general3A_869 = tpu.matmul %convert_element_type3A_3, %get3A_867, %dot_general3A_868 {dimension_numbers = #tpu.dot_dimension_numbers<[1], [1], [0], [0], [0, 0, 1, 0], [], []>, transpose_lhs_hint = false} : vector<64x128xf32>, vector<64x128xf32>, vector<64x64xf32> -> vector<64x64xf32>
    %dot_general3A_870 = arith.constant dense<0.000000e+00> : vector<64x64xf32>
    %dot_general3A_871 = tpu.matmul %convert_element_type3A_11, %get3A_867, %dot_general3A_870 {dimension_numbers = #tpu.dot_dimension_numbers<[1], [1], [0], [0], [0, 0, 1, 0], [], []>, transpose_lhs_hint = false} : vector<64x128xf32>, vector<64x128xf32>, vector<64x64xf32> -> vector<64x64xf32>
    %concatenate3A_872 = tpu.concatenate %dot_general3A_869, %dot_general3A_871 in 1 : vector<64x64xf32>, vector<64x64xf32> -> vector<64x128xf32>
    %get3A_873 = arith.constant 0 : index
    %get3A_874 = arith.constant 13824 : index
    %get3A_875 = vector.load %arg1[%get3A_873, %get3A_874] : memref<64x16384xf32, #tpu.memory_space<vmem>>, vector<64x128xf32>
    %dot_general3A_876 = arith.constant dense<0.000000e+00> : vector<64x64xf32>
    %dot_general3A_877 = tpu.matmul %convert_element_type3A_3, %get3A_875, %dot_general3A_876 {dimension_numbers = #tpu.dot_dimension_numbers<[1], [1], [0], [0], [0, 0, 1, 0], [], []>, transpose_lhs_hint = false} : vector<64x128xf32>, vector<64x128xf32>, vector<64x64xf32> -> vector<64x64xf32>
    %dot_general3A_878 = arith.constant dense<0.000000e+00> : vector<64x64xf32>
    %dot_general3A_879 = tpu.matmul %convert_element_type3A_11, %get3A_875, %dot_general3A_878 {dimension_numbers = #tpu.dot_dimension_numbers<[1], [1], [0], [0], [0, 0, 1, 0], [], []>, transpose_lhs_hint = false} : vector<64x128xf32>, vector<64x128xf32>, vector<64x64xf32> -> vector<64x64xf32>
    %concatenate3A_880 = tpu.concatenate %dot_general3A_877, %dot_general3A_879 in 1 : vector<64x64xf32>, vector<64x64xf32> -> vector<64x128xf32>
    %get3A_881 = arith.constant 0 : index
    %get3A_882 = arith.constant 13952 : index
    %get3A_883 = vector.load %arg1[%get3A_881, %get3A_882] : memref<64x16384xf32, #tpu.memory_space<vmem>>, vector<64x128xf32>
    %dot_general3A_884 = arith.constant dense<0.000000e+00> : vector<64x64xf32>
    %dot_general3A_885 = tpu.matmul %convert_element_type3A_3, %get3A_883, %dot_general3A_884 {dimension_numbers = #tpu.dot_dimension_numbers<[1], [1], [0], [0], [0, 0, 1, 0], [], []>, transpose_lhs_hint = false} : vector<64x128xf32>, vector<64x128xf32>, vector<64x64xf32> -> vector<64x64xf32>
    %dot_general3A_886 = arith.constant dense<0.000000e+00> : vector<64x64xf32>
    %dot_general3A_887 = tpu.matmul %convert_element_type3A_11, %get3A_883, %dot_general3A_886 {dimension_numbers = #tpu.dot_dimension_numbers<[1], [1], [0], [0], [0, 0, 1, 0], [], []>, transpose_lhs_hint = false} : vector<64x128xf32>, vector<64x128xf32>, vector<64x64xf32> -> vector<64x64xf32>
    %concatenate3A_888 = tpu.concatenate %dot_general3A_885, %dot_general3A_887 in 1 : vector<64x64xf32>, vector<64x64xf32> -> vector<64x128xf32>
    %get3A_889 = arith.constant 0 : index
    %get3A_890 = arith.constant 14080 : index
    %get3A_891 = vector.load %arg1[%get3A_889, %get3A_890] : memref<64x16384xf32, #tpu.memory_space<vmem>>, vector<64x128xf32>
    %dot_general3A_892 = arith.constant dense<0.000000e+00> : vector<64x64xf32>
    %dot_general3A_893 = tpu.matmul %convert_element_type3A_3, %get3A_891, %dot_general3A_892 {dimension_numbers = #tpu.dot_dimension_numbers<[1], [1], [0], [0], [0, 0, 1, 0], [], []>, transpose_lhs_hint = false} : vector<64x128xf32>, vector<64x128xf32>, vector<64x64xf32> -> vector<64x64xf32>
    %dot_general3A_894 = arith.constant dense<0.000000e+00> : vector<64x64xf32>
    %dot_general3A_895 = tpu.matmul %convert_element_type3A_11, %get3A_891, %dot_general3A_894 {dimension_numbers = #tpu.dot_dimension_numbers<[1], [1], [0], [0], [0, 0, 1, 0], [], []>, transpose_lhs_hint = false} : vector<64x128xf32>, vector<64x128xf32>, vector<64x64xf32> -> vector<64x64xf32>
    %concatenate3A_896 = tpu.concatenate %dot_general3A_893, %dot_general3A_895 in 1 : vector<64x64xf32>, vector<64x64xf32> -> vector<64x128xf32>
    %get3A_897 = arith.constant 0 : index
    %get3A_898 = arith.constant 14208 : index
    %get3A_899 = vector.load %arg1[%get3A_897, %get3A_898] : memref<64x16384xf32, #tpu.memory_space<vmem>>, vector<64x128xf32>
    %dot_general3A_900 = arith.constant dense<0.000000e+00> : vector<64x64xf32>
    %dot_general3A_901 = tpu.matmul %convert_element_type3A_3, %get3A_899, %dot_general3A_900 {dimension_numbers = #tpu.dot_dimension_numbers<[1], [1], [0], [0], [0, 0, 1, 0], [], []>, transpose_lhs_hint = false} : vector<64x128xf32>, vector<64x128xf32>, vector<64x64xf32> -> vector<64x64xf32>
    %dot_general3A_902 = arith.constant dense<0.000000e+00> : vector<64x64xf32>
    %dot_general3A_903 = tpu.matmul %convert_element_type3A_11, %get3A_899, %dot_general3A_902 {dimension_numbers = #tpu.dot_dimension_numbers<[1], [1], [0], [0], [0, 0, 1, 0], [], []>, transpose_lhs_hint = false} : vector<64x128xf32>, vector<64x128xf32>, vector<64x64xf32> -> vector<64x64xf32>
    %concatenate3A_904 = tpu.concatenate %dot_general3A_901, %dot_general3A_903 in 1 : vector<64x64xf32>, vector<64x64xf32> -> vector<64x128xf32>
    %get3A_905 = arith.constant 0 : index
    %get3A_906 = arith.constant 14336 : index
    %get3A_907 = vector.load %arg1[%get3A_905, %get3A_906] : memref<64x16384xf32, #tpu.memory_space<vmem>>, vector<64x128xf32>
    %dot_general3A_908 = arith.constant dense<0.000000e+00> : vector<64x64xf32>
    %dot_general3A_909 = tpu.matmul %convert_element_type3A_3, %get3A_907, %dot_general3A_908 {dimension_numbers = #tpu.dot_dimension_numbers<[1], [1], [0], [0], [0, 0, 1, 0], [], []>, transpose_lhs_hint = false} : vector<64x128xf32>, vector<64x128xf32>, vector<64x64xf32> -> vector<64x64xf32>
    %dot_general3A_910 = arith.constant dense<0.000000e+00> : vector<64x64xf32>
    %dot_general3A_911 = tpu.matmul %convert_element_type3A_11, %get3A_907, %dot_general3A_910 {dimension_numbers = #tpu.dot_dimension_numbers<[1], [1], [0], [0], [0, 0, 1, 0], [], []>, transpose_lhs_hint = false} : vector<64x128xf32>, vector<64x128xf32>, vector<64x64xf32> -> vector<64x64xf32>
    %concatenate3A_912 = tpu.concatenate %dot_general3A_909, %dot_general3A_911 in 1 : vector<64x64xf32>, vector<64x64xf32> -> vector<64x128xf32>
    %get3A_913 = arith.constant 0 : index
    %get3A_914 = arith.constant 14464 : index
    %get3A_915 = vector.load %arg1[%get3A_913, %get3A_914] : memref<64x16384xf32, #tpu.memory_space<vmem>>, vector<64x128xf32>
    %dot_general3A_916 = arith.constant dense<0.000000e+00> : vector<64x64xf32>
    %dot_general3A_917 = tpu.matmul %convert_element_type3A_3, %get3A_915, %dot_general3A_916 {dimension_numbers = #tpu.dot_dimension_numbers<[1], [1], [0], [0], [0, 0, 1, 0], [], []>, transpose_lhs_hint = false} : vector<64x128xf32>, vector<64x128xf32>, vector<64x64xf32> -> vector<64x64xf32>
    %dot_general3A_918 = arith.constant dense<0.000000e+00> : vector<64x64xf32>
    %dot_general3A_919 = tpu.matmul %convert_element_type3A_11, %get3A_915, %dot_general3A_918 {dimension_numbers = #tpu.dot_dimension_numbers<[1], [1], [0], [0], [0, 0, 1, 0], [], []>, transpose_lhs_hint = false} : vector<64x128xf32>, vector<64x128xf32>, vector<64x64xf32> -> vector<64x64xf32>
    %concatenate3A_920 = tpu.concatenate %dot_general3A_917, %dot_general3A_919 in 1 : vector<64x64xf32>, vector<64x64xf32> -> vector<64x128xf32>
    %get3A_921 = arith.constant 0 : index
    %get3A_922 = arith.constant 14592 : index
    %get3A_923 = vector.load %arg1[%get3A_921, %get3A_922] : memref<64x16384xf32, #tpu.memory_space<vmem>>, vector<64x128xf32>
    %dot_general3A_924 = arith.constant dense<0.000000e+00> : vector<64x64xf32>
    %dot_general3A_925 = tpu.matmul %convert_element_type3A_3, %get3A_923, %dot_general3A_924 {dimension_numbers = #tpu.dot_dimension_numbers<[1], [1], [0], [0], [0, 0, 1, 0], [], []>, transpose_lhs_hint = false} : vector<64x128xf32>, vector<64x128xf32>, vector<64x64xf32> -> vector<64x64xf32>
    %dot_general3A_926 = arith.constant dense<0.000000e+00> : vector<64x64xf32>
    %dot_general3A_927 = tpu.matmul %convert_element_type3A_11, %get3A_923, %dot_general3A_926 {dimension_numbers = #tpu.dot_dimension_numbers<[1], [1], [0], [0], [0, 0, 1, 0], [], []>, transpose_lhs_hint = false} : vector<64x128xf32>, vector<64x128xf32>, vector<64x64xf32> -> vector<64x64xf32>
    %concatenate3A_928 = tpu.concatenate %dot_general3A_925, %dot_general3A_927 in 1 : vector<64x64xf32>, vector<64x64xf32> -> vector<64x128xf32>
    %get3A_929 = arith.constant 0 : index
    %get3A_930 = arith.constant 14720 : index
    %get3A_931 = vector.load %arg1[%get3A_929, %get3A_930] : memref<64x16384xf32, #tpu.memory_space<vmem>>, vector<64x128xf32>
    %dot_general3A_932 = arith.constant dense<0.000000e+00> : vector<64x64xf32>
    %dot_general3A_933 = tpu.matmul %convert_element_type3A_3, %get3A_931, %dot_general3A_932 {dimension_numbers = #tpu.dot_dimension_numbers<[1], [1], [0], [0], [0, 0, 1, 0], [], []>, transpose_lhs_hint = false} : vector<64x128xf32>, vector<64x128xf32>, vector<64x64xf32> -> vector<64x64xf32>
    %dot_general3A_934 = arith.constant dense<0.000000e+00> : vector<64x64xf32>
    %dot_general3A_935 = tpu.matmul %convert_element_type3A_11, %get3A_931, %dot_general3A_934 {dimension_numbers = #tpu.dot_dimension_numbers<[1], [1], [0], [0], [0, 0, 1, 0], [], []>, transpose_lhs_hint = false} : vector<64x128xf32>, vector<64x128xf32>, vector<64x64xf32> -> vector<64x64xf32>
    %concatenate3A_936 = tpu.concatenate %dot_general3A_933, %dot_general3A_935 in 1 : vector<64x64xf32>, vector<64x64xf32> -> vector<64x128xf32>
    %get3A_937 = arith.constant 0 : index
    %get3A_938 = arith.constant 14848 : index
    %get3A_939 = vector.load %arg1[%get3A_937, %get3A_938] : memref<64x16384xf32, #tpu.memory_space<vmem>>, vector<64x128xf32>
    %dot_general3A_940 = arith.constant dense<0.000000e+00> : vector<64x64xf32>
    %dot_general3A_941 = tpu.matmul %convert_element_type3A_3, %get3A_939, %dot_general3A_940 {dimension_numbers = #tpu.dot_dimension_numbers<[1], [1], [0], [0], [0, 0, 1, 0], [], []>, transpose_lhs_hint = false} : vector<64x128xf32>, vector<64x128xf32>, vector<64x64xf32> -> vector<64x64xf32>
    %dot_general3A_942 = arith.constant dense<0.000000e+00> : vector<64x64xf32>
    %dot_general3A_943 = tpu.matmul %convert_element_type3A_11, %get3A_939, %dot_general3A_942 {dimension_numbers = #tpu.dot_dimension_numbers<[1], [1], [0], [0], [0, 0, 1, 0], [], []>, transpose_lhs_hint = false} : vector<64x128xf32>, vector<64x128xf32>, vector<64x64xf32> -> vector<64x64xf32>
    %concatenate3A_944 = tpu.concatenate %dot_general3A_941, %dot_general3A_943 in 1 : vector<64x64xf32>, vector<64x64xf32> -> vector<64x128xf32>
    %get3A_945 = arith.constant 0 : index
    %get3A_946 = arith.constant 14976 : index
    %get3A_947 = vector.load %arg1[%get3A_945, %get3A_946] : memref<64x16384xf32, #tpu.memory_space<vmem>>, vector<64x128xf32>
    %dot_general3A_948 = arith.constant dense<0.000000e+00> : vector<64x64xf32>
    %dot_general3A_949 = tpu.matmul %convert_element_type3A_3, %get3A_947, %dot_general3A_948 {dimension_numbers = #tpu.dot_dimension_numbers<[1], [1], [0], [0], [0, 0, 1, 0], [], []>, transpose_lhs_hint = false} : vector<64x128xf32>, vector<64x128xf32>, vector<64x64xf32> -> vector<64x64xf32>
    %dot_general3A_950 = arith.constant dense<0.000000e+00> : vector<64x64xf32>
    %dot_general3A_951 = tpu.matmul %convert_element_type3A_11, %get3A_947, %dot_general3A_950 {dimension_numbers = #tpu.dot_dimension_numbers<[1], [1], [0], [0], [0, 0, 1, 0], [], []>, transpose_lhs_hint = false} : vector<64x128xf32>, vector<64x128xf32>, vector<64x64xf32> -> vector<64x64xf32>
    %concatenate3A_952 = tpu.concatenate %dot_general3A_949, %dot_general3A_951 in 1 : vector<64x64xf32>, vector<64x64xf32> -> vector<64x128xf32>
    %get3A_953 = arith.constant 0 : index
    %get3A_954 = arith.constant 15104 : index
    %get3A_955 = vector.load %arg1[%get3A_953, %get3A_954] : memref<64x16384xf32, #tpu.memory_space<vmem>>, vector<64x128xf32>
    %dot_general3A_956 = arith.constant dense<0.000000e+00> : vector<64x64xf32>
    %dot_general3A_957 = tpu.matmul %convert_element_type3A_3, %get3A_955, %dot_general3A_956 {dimension_numbers = #tpu.dot_dimension_numbers<[1], [1], [0], [0], [0, 0, 1, 0], [], []>, transpose_lhs_hint = false} : vector<64x128xf32>, vector<64x128xf32>, vector<64x64xf32> -> vector<64x64xf32>
    %dot_general3A_958 = arith.constant dense<0.000000e+00> : vector<64x64xf32>
    %dot_general3A_959 = tpu.matmul %convert_element_type3A_11, %get3A_955, %dot_general3A_958 {dimension_numbers = #tpu.dot_dimension_numbers<[1], [1], [0], [0], [0, 0, 1, 0], [], []>, transpose_lhs_hint = false} : vector<64x128xf32>, vector<64x128xf32>, vector<64x64xf32> -> vector<64x64xf32>
    %concatenate3A_960 = tpu.concatenate %dot_general3A_957, %dot_general3A_959 in 1 : vector<64x64xf32>, vector<64x64xf32> -> vector<64x128xf32>
    %get3A_961 = arith.constant 0 : index
    %get3A_962 = arith.constant 15232 : index
    %get3A_963 = vector.load %arg1[%get3A_961, %get3A_962] : memref<64x16384xf32, #tpu.memory_space<vmem>>, vector<64x128xf32>
    %dot_general3A_964 = arith.constant dense<0.000000e+00> : vector<64x64xf32>
    %dot_general3A_965 = tpu.matmul %convert_element_type3A_3, %get3A_963, %dot_general3A_964 {dimension_numbers = #tpu.dot_dimension_numbers<[1], [1], [0], [0], [0, 0, 1, 0], [], []>, transpose_lhs_hint = false} : vector<64x128xf32>, vector<64x128xf32>, vector<64x64xf32> -> vector<64x64xf32>
    %dot_general3A_966 = arith.constant dense<0.000000e+00> : vector<64x64xf32>
    %dot_general3A_967 = tpu.matmul %convert_element_type3A_11, %get3A_963, %dot_general3A_966 {dimension_numbers = #tpu.dot_dimension_numbers<[1], [1], [0], [0], [0, 0, 1, 0], [], []>, transpose_lhs_hint = false} : vector<64x128xf32>, vector<64x128xf32>, vector<64x64xf32> -> vector<64x64xf32>
    %concatenate3A_968 = tpu.concatenate %dot_general3A_965, %dot_general3A_967 in 1 : vector<64x64xf32>, vector<64x64xf32> -> vector<64x128xf32>
    %get3A_969 = arith.constant 0 : index
    %get3A_970 = arith.constant 15360 : index
    %get3A_971 = vector.load %arg1[%get3A_969, %get3A_970] : memref<64x16384xf32, #tpu.memory_space<vmem>>, vector<64x128xf32>
    %dot_general3A_972 = arith.constant dense<0.000000e+00> : vector<64x64xf32>
    %dot_general3A_973 = tpu.matmul %convert_element_type3A_3, %get3A_971, %dot_general3A_972 {dimension_numbers = #tpu.dot_dimension_numbers<[1], [1], [0], [0], [0, 0, 1, 0], [], []>, transpose_lhs_hint = false} : vector<64x128xf32>, vector<64x128xf32>, vector<64x64xf32> -> vector<64x64xf32>
    %dot_general3A_974 = arith.constant dense<0.000000e+00> : vector<64x64xf32>
    %dot_general3A_975 = tpu.matmul %convert_element_type3A_11, %get3A_971, %dot_general3A_974 {dimension_numbers = #tpu.dot_dimension_numbers<[1], [1], [0], [0], [0, 0, 1, 0], [], []>, transpose_lhs_hint = false} : vector<64x128xf32>, vector<64x128xf32>, vector<64x64xf32> -> vector<64x64xf32>
    %concatenate3A_976 = tpu.concatenate %dot_general3A_973, %dot_general3A_975 in 1 : vector<64x64xf32>, vector<64x64xf32> -> vector<64x128xf32>
    %get3A_977 = arith.constant 0 : index
    %get3A_978 = arith.constant 15488 : index
    %get3A_979 = vector.load %arg1[%get3A_977, %get3A_978] : memref<64x16384xf32, #tpu.memory_space<vmem>>, vector<64x128xf32>
    %dot_general3A_980 = arith.constant dense<0.000000e+00> : vector<64x64xf32>
    %dot_general3A_981 = tpu.matmul %convert_element_type3A_3, %get3A_979, %dot_general3A_980 {dimension_numbers = #tpu.dot_dimension_numbers<[1], [1], [0], [0], [0, 0, 1, 0], [], []>, transpose_lhs_hint = false} : vector<64x128xf32>, vector<64x128xf32>, vector<64x64xf32> -> vector<64x64xf32>
    %dot_general3A_982 = arith.constant dense<0.000000e+00> : vector<64x64xf32>
    %dot_general3A_983 = tpu.matmul %convert_element_type3A_11, %get3A_979, %dot_general3A_982 {dimension_numbers = #tpu.dot_dimension_numbers<[1], [1], [0], [0], [0, 0, 1, 0], [], []>, transpose_lhs_hint = false} : vector<64x128xf32>, vector<64x128xf32>, vector<64x64xf32> -> vector<64x64xf32>
    %concatenate3A_984 = tpu.concatenate %dot_general3A_981, %dot_general3A_983 in 1 : vector<64x64xf32>, vector<64x64xf32> -> vector<64x128xf32>
    %get3A_985 = arith.constant 0 : index
    %get3A_986 = arith.constant 15616 : index
    %get3A_987 = vector.load %arg1[%get3A_985, %get3A_986] : memref<64x16384xf32, #tpu.memory_space<vmem>>, vector<64x128xf32>
    %dot_general3A_988 = arith.constant dense<0.000000e+00> : vector<64x64xf32>
    %dot_general3A_989 = tpu.matmul %convert_element_type3A_3, %get3A_987, %dot_general3A_988 {dimension_numbers = #tpu.dot_dimension_numbers<[1], [1], [0], [0], [0, 0, 1, 0], [], []>, transpose_lhs_hint = false} : vector<64x128xf32>, vector<64x128xf32>, vector<64x64xf32> -> vector<64x64xf32>
    %dot_general3A_990 = arith.constant dense<0.000000e+00> : vector<64x64xf32>
    %dot_general3A_991 = tpu.matmul %convert_element_type3A_11, %get3A_987, %dot_general3A_990 {dimension_numbers = #tpu.dot_dimension_numbers<[1], [1], [0], [0], [0, 0, 1, 0], [], []>, transpose_lhs_hint = false} : vector<64x128xf32>, vector<64x128xf32>, vector<64x64xf32> -> vector<64x64xf32>
    %concatenate3A_992 = tpu.concatenate %dot_general3A_989, %dot_general3A_991 in 1 : vector<64x64xf32>, vector<64x64xf32> -> vector<64x128xf32>
    %get3A_993 = arith.constant 0 : index
    %get3A_994 = arith.constant 15744 : index
    %get3A_995 = vector.load %arg1[%get3A_993, %get3A_994] : memref<64x16384xf32, #tpu.memory_space<vmem>>, vector<64x128xf32>
    %dot_general3A_996 = arith.constant dense<0.000000e+00> : vector<64x64xf32>
    %dot_general3A_997 = tpu.matmul %convert_element_type3A_3, %get3A_995, %dot_general3A_996 {dimension_numbers = #tpu.dot_dimension_numbers<[1], [1], [0], [0], [0, 0, 1, 0], [], []>, transpose_lhs_hint = false} : vector<64x128xf32>, vector<64x128xf32>, vector<64x64xf32> -> vector<64x64xf32>
    %dot_general3A_998 = arith.constant dense<0.000000e+00> : vector<64x64xf32>
    %dot_general3A_999 = tpu.matmul %convert_element_type3A_11, %get3A_995, %dot_general3A_998 {dimension_numbers = #tpu.dot_dimension_numbers<[1], [1], [0], [0], [0, 0, 1, 0], [], []>, transpose_lhs_hint = false} : vector<64x128xf32>, vector<64x128xf32>, vector<64x64xf32> -> vector<64x64xf32>
    %concatenate3A_1000 = tpu.concatenate %dot_general3A_997, %dot_general3A_999 in 1 : vector<64x64xf32>, vector<64x64xf32> -> vector<64x128xf32>
    %get3A_1001 = arith.constant 0 : index
    %get3A_1002 = arith.constant 15872 : index
    %get3A_1003 = vector.load %arg1[%get3A_1001, %get3A_1002] : memref<64x16384xf32, #tpu.memory_space<vmem>>, vector<64x128xf32>
    %dot_general3A_1004 = arith.constant dense<0.000000e+00> : vector<64x64xf32>
    %dot_general3A_1005 = tpu.matmul %convert_element_type3A_3, %get3A_1003, %dot_general3A_1004 {dimension_numbers = #tpu.dot_dimension_numbers<[1], [1], [0], [0], [0, 0, 1, 0], [], []>, transpose_lhs_hint = false} : vector<64x128xf32>, vector<64x128xf32>, vector<64x64xf32> -> vector<64x64xf32>
    %dot_general3A_1006 = arith.constant dense<0.000000e+00> : vector<64x64xf32>
    %dot_general3A_1007 = tpu.matmul %convert_element_type3A_11, %get3A_1003, %dot_general3A_1006 {dimension_numbers = #tpu.dot_dimension_numbers<[1], [1], [0], [0], [0, 0, 1, 0], [], []>, transpose_lhs_hint = false} : vector<64x128xf32>, vector<64x128xf32>, vector<64x64xf32> -> vector<64x64xf32>
    %concatenate3A_1008 = tpu.concatenate %dot_general3A_1005, %dot_general3A_1007 in 1 : vector<64x64xf32>, vector<64x64xf32> -> vector<64x128xf32>
    %get3A_1009 = arith.constant 0 : index
    %get3A_1010 = arith.constant 16000 : index
    %get3A_1011 = vector.load %arg1[%get3A_1009, %get3A_1010] : memref<64x16384xf32, #tpu.memory_space<vmem>>, vector<64x128xf32>
    %dot_general3A_1012 = arith.constant dense<0.000000e+00> : vector<64x64xf32>
    %dot_general3A_1013 = tpu.matmul %convert_element_type3A_3, %get3A_1011, %dot_general3A_1012 {dimension_numbers = #tpu.dot_dimension_numbers<[1], [1], [0], [0], [0, 0, 1, 0], [], []>, transpose_lhs_hint = false} : vector<64x128xf32>, vector<64x128xf32>, vector<64x64xf32> -> vector<64x64xf32>
    %dot_general3A_1014 = arith.constant dense<0.000000e+00> : vector<64x64xf32>
    %dot_general3A_1015 = tpu.matmul %convert_element_type3A_11, %get3A_1011, %dot_general3A_1014 {dimension_numbers = #tpu.dot_dimension_numbers<[1], [1], [0], [0], [0, 0, 1, 0], [], []>, transpose_lhs_hint = false} : vector<64x128xf32>, vector<64x128xf32>, vector<64x64xf32> -> vector<64x64xf32>
    %concatenate3A_1016 = tpu.concatenate %dot_general3A_1013, %dot_general3A_1015 in 1 : vector<64x64xf32>, vector<64x64xf32> -> vector<64x128xf32>
    %get3A_1017 = arith.constant 0 : index
    %get3A_1018 = arith.constant 16128 : index
    %get3A_1019 = vector.load %arg1[%get3A_1017, %get3A_1018] : memref<64x16384xf32, #tpu.memory_space<vmem>>, vector<64x128xf32>
    %dot_general3A_1020 = arith.constant dense<0.000000e+00> : vector<64x64xf32>
    %dot_general3A_1021 = tpu.matmul %convert_element_type3A_3, %get3A_1019, %dot_general3A_1020 {dimension_numbers = #tpu.dot_dimension_numbers<[1], [1], [0], [0], [0, 0, 1, 0], [], []>, transpose_lhs_hint = false} : vector<64x128xf32>, vector<64x128xf32>, vector<64x64xf32> -> vector<64x64xf32>
    %dot_general3A_1022 = arith.constant dense<0.000000e+00> : vector<64x64xf32>
    %dot_general3A_1023 = tpu.matmul %convert_element_type3A_11, %get3A_1019, %dot_general3A_1022 {dimension_numbers = #tpu.dot_dimension_numbers<[1], [1], [0], [0], [0, 0, 1, 0], [], []>, transpose_lhs_hint = false} : vector<64x128xf32>, vector<64x128xf32>, vector<64x64xf32> -> vector<64x64xf32>
    %concatenate3A_1024 = tpu.concatenate %dot_general3A_1021, %dot_general3A_1023 in 1 : vector<64x64xf32>, vector<64x64xf32> -> vector<64x128xf32>
    %get3A_1025 = arith.constant 0 : index
    %get3A_1026 = arith.constant 16256 : index
    %get3A_1027 = vector.load %arg1[%get3A_1025, %get3A_1026] : memref<64x16384xf32, #tpu.memory_space<vmem>>, vector<64x128xf32>
    %dot_general3A_1028 = arith.constant dense<0.000000e+00> : vector<64x64xf32>
    %dot_general3A_1029 = tpu.matmul %convert_element_type3A_3, %get3A_1027, %dot_general3A_1028 {dimension_numbers = #tpu.dot_dimension_numbers<[1], [1], [0], [0], [0, 0, 1, 0], [], []>, transpose_lhs_hint = false} : vector<64x128xf32>, vector<64x128xf32>, vector<64x64xf32> -> vector<64x64xf32>
    %dot_general3A_1030 = arith.constant dense<0.000000e+00> : vector<64x64xf32>
    %dot_general3A_1031 = tpu.matmul %convert_element_type3A_11, %get3A_1027, %dot_general3A_1030 {dimension_numbers = #tpu.dot_dimension_numbers<[1], [1], [0], [0], [0, 0, 1, 0], [], []>, transpose_lhs_hint = false} : vector<64x128xf32>, vector<64x128xf32>, vector<64x64xf32> -> vector<64x64xf32>
    %concatenate3A_1032 = tpu.concatenate %dot_general3A_1029, %dot_general3A_1031 in 1 : vector<64x64xf32>, vector<64x64xf32> -> vector<64x128xf32>
    %concatenate3A_1033 = tpu.concatenate %concatenate3A, %concatenate3A_24, %concatenate3A_32, %concatenate3A_40, %concatenate3A_48, %concatenate3A_56, %concatenate3A_64, %concatenate3A_72, %concatenate3A_80, %concatenate3A_88, %concatenate3A_96, %concatenate3A_104, %concatenate3A_112, %concatenate3A_120, %concatenate3A_128, %concatenate3A_136, %concatenate3A_144, %concatenate3A_152, %concatenate3A_160, %concatenate3A_168, %concatenate3A_176, %concatenate3A_184, %concatenate3A_192, %concatenate3A_200, %concatenate3A_208, %concatenate3A_216, %concatenate3A_224, %concatenate3A_232, %concatenate3A_240, %concatenate3A_248, %concatenate3A_256, %concatenate3A_264, %concatenate3A_272, %concatenate3A_280, %concatenate3A_288, %concatenate3A_296, %concatenate3A_304, %concatenate3A_312, %concatenate3A_320, %concatenate3A_328, %concatenate3A_336, %concatenate3A_344, %concatenate3A_352, %concatenate3A_360, %concatenate3A_368, %concatenate3A_376, %concatenate3A_384, %concatenate3A_392, %concatenate3A_400, %concatenate3A_408, %concatenate3A_416, %concatenate3A_424, %concatenate3A_432, %concatenate3A_440, %concatenate3A_448, %concatenate3A_456, %concatenate3A_464, %concatenate3A_472, %concatenate3A_480, %concatenate3A_488, %concatenate3A_496, %concatenate3A_504, %concatenate3A_512, %concatenate3A_520, %concatenate3A_528, %concatenate3A_536, %concatenate3A_544, %concatenate3A_552, %concatenate3A_560, %concatenate3A_568, %concatenate3A_576, %concatenate3A_584, %concatenate3A_592, %concatenate3A_600, %concatenate3A_608, %concatenate3A_616, %concatenate3A_624, %concatenate3A_632, %concatenate3A_640, %concatenate3A_648, %concatenate3A_656, %concatenate3A_664, %concatenate3A_672, %concatenate3A_680, %concatenate3A_688, %concatenate3A_696, %concatenate3A_704, %concatenate3A_712, %concatenate3A_720, %concatenate3A_728, %concatenate3A_736, %concatenate3A_744, %concatenate3A_752, %concatenate3A_760, %concatenate3A_768, %concatenate3A_776, %concatenate3A_784, %concatenate3A_792, %concatenate3A_800, %concatenate3A_808, %concatenate3A_816, %concatenate3A_824, %concatenate3A_832, %concatenate3A_840, %concatenate3A_848, %concatenate3A_856, %concatenate3A_864, %concatenate3A_872, %concatenate3A_880, %concatenate3A_888, %concatenate3A_896, %concatenate3A_904, %concatenate3A_912, %concatenate3A_920, %concatenate3A_928, %concatenate3A_936, %concatenate3A_944, %concatenate3A_952, %concatenate3A_960, %concatenate3A_968, %concatenate3A_976, %concatenate3A_984, %concatenate3A_992, %concatenate3A_1000, %concatenate3A_1008, %concatenate3A_1016, %concatenate3A_1024, %concatenate3A_1032 in 0 : vector<64x128xf32>, vector<64x128xf32>, vector<64x128xf32>, vector<64x128xf32>, vector<64x128xf32>, vector<64x128xf32>, vector<64x128xf32>, vector<64x128xf32>, vector<64x128xf32>, vector<64x128xf32>, vector<64x128xf32>, vector<64x128xf32>, vector<64x128xf32>, vector<64x128xf32>, vector<64x128xf32>, vector<64x128xf32>, vector<64x128xf32>, vector<64x128xf32>, vector<64x128xf32>, vector<64x128xf32>, vector<64x128xf32>, vector<64x128xf32>, vector<64x128xf32>, vector<64x128xf32>, vector<64x128xf32>, vector<64x128xf32>, vector<64x128xf32>, vector<64x128xf32>, vector<64x128xf32>, vector<64x128xf32>, vector<64x128xf32>, vector<64x128xf32>, vector<64x128xf32>, vector<64x128xf32>, vector<64x128xf32>, vector<64x128xf32>, vector<64x128xf32>, vector<64x128xf32>, vector<64x128xf32>, vector<64x128xf32>, vector<64x128xf32>, vector<64x128xf32>, vector<64x128xf32>, vector<64x128xf32>, vector<64x128xf32>, vector<64x128xf32>, vector<64x128xf32>, vector<64x128xf32>, vector<64x128xf32>, vector<64x128xf32>, vector<64x128xf32>, vector<64x128xf32>, vector<64x128xf32>, vector<64x128xf32>, vector<64x128xf32>, vector<64x128xf32>, vector<64x128xf32>, vector<64x128xf32>, vector<64x128xf32>, vector<64x128xf32>, vector<64x128xf32>, vector<64x128xf32>, vector<64x128xf32>, vector<64x128xf32>, vector<64x128xf32>, vector<64x128xf32>, vector<64x128xf32>, vector<64x128xf32>, vector<64x128xf32>, vector<64x128xf32>, vector<64x128xf32>, vector<64x128xf32>, vector<64x128xf32>, vector<64x128xf32>, vector<64x128xf32>, vector<64x128xf32>, vector<64x128xf32>, vector<64x128xf32>, vector<64x128xf32>, vector<64x128xf32>, vector<64x128xf32>, vector<64x128xf32>, vector<64x128xf32>, vector<64x128xf32>, vector<64x128xf32>, vector<64x128xf32>, vector<64x128xf32>, vector<64x128xf32>, vector<64x128xf32>, vector<64x128xf32>, vector<64x128xf32>, vector<64x128xf32>, vector<64x128xf32>, vector<64x128xf32>, vector<64x128xf32>, vector<64x128xf32>, vector<64x128xf32>, vector<64x128xf32>, vector<64x128xf32>, vector<64x128xf32>, vector<64x128xf32>, vector<64x128xf32>, vector<64x128xf32>, vector<64x128xf32>, vector<64x128xf32>, vector<64x128xf32>, vector<64x128xf32>, vector<64x128xf32>, vector<64x128xf32>, vector<64x128xf32>, vector<64x128xf32>, vector<64x128xf32>, vector<64x128xf32>, vector<64x128xf32>, vector<64x128xf32>, vector<64x128xf32>, vector<64x128xf32>, vector<64x128xf32>, vector<64x128xf32>, vector<64x128xf32>, vector<64x128xf32>, vector<64x128xf32>, vector<64x128xf32>, vector<64x128xf32>, vector<64x128xf32>, vector<64x128xf32>, vector<64x128xf32>, vector<64x128xf32> -> vector<8192x128xf32>
    %swap3A = arith.constant 0 : index
    %swap3A_1034 = arith.constant 0 : index
    %swap3A_1035 = vector.load %arg2[%swap3A, %swap3A_1034] : memref<8192x128xf32, #tpu.memory_space<vmem>>, vector<8192x128xf32>
    tpu.vector_store %arg2[%swap3A, %swap3A_1034], %concatenate3A_1033 {strides = array<i32>} : memref<8192x128xf32, #tpu.memory_space<vmem>>, vector<8192x128xf32>,
    return
  }
  func.func @transform_0(%arg0: i32) -> (i32, i32) {
    %c0_i32 = arith.constant 0 : i32
    %c0_i32_0 = arith.constant 0 : i32
    return %c0_i32, %arg0 : i32, i32
  }
  func.func @transform_1(%arg0: i32) -> (i32, i32) {
    %c0_i32 = arith.constant 0 : i32
    %c0_i32_0 = arith.constant 0 : i32
    return %arg0, %c0_i32 : i32, i32
  }
}

module attributes {stable_mosaic.version = 14 : i64} {
  func.func @_tc_body(%arg0: i32, %arg1: memref<2048x128xf32, #tpu.memory_space<vmem>>, %arg2: memref<2048x128xf32, #tpu.memory_space<vmem>>, %arg3: memref<1x2048xi32, #tpu.memory_space<vmem>>, %arg4: memref<1x2048xf32, #tpu.memory_space<vmem>>, %arg5: memref<8x64x64xf32, #tpu.memory_space<vmem>>, %arg6: memref<1x1xf32, #tpu.memory_space<smem>>) attributes {dimension_semantics = [#tpu.dimension_semantics<arbitrary>], iteration_bounds = array<i64: 8>, scalar_prefetch = 0 : i64, scratch_operands = 0 : i64, tpu.core_type = #tpu.core_type<tc>, window_params = [{transform_indices = @transform_0, window_bounds = array<i64: 2048, 128>}, {transform_indices = @transform_1, window_bounds = array<i64: 2048, 128>}, {transform_indices = @transform_2, window_bounds = array<i64: 1, 2048>}, {transform_indices = @transform_3, window_bounds = array<i64: 1, 2048>}, {pipeline_mode = #tpu.pipeline_mode<synchronous>, transform_indices = @transform_4, window_bounds = array<i64: 8, 64, 64>}, {transform_indices = @transform_5, window_bounds = array<i64: 1, 1>}]} {
    %iota3A = tpu.iota {dimensions = array<i32: 0>} : vector<128x128xi32>
    %iota3A_0 = tpu.iota {dimensions = array<i32: 1>} : vector<128x128xi32>
    %eq3A = arith.cmpi eq, %iota3A, %iota3A_0 : vector<128x128xi32>
    %convert_element_type3A = arith.extui %eq3A : vector<128x128xi1> to vector<128x128xi32>
    %convert_element_type3A_1 = arith.sitofp %convert_element_type3A : vector<128x128xi32> to vector<128x128xf32>
    %slice3A = vector.extract_strided_slice %convert_element_type3A_1 {offsets = [0, 0], sizes = [64, 64], strides = [1, 1]} : vector<128x128xf32> to vector<64x64xf32>
    %slice3A_2 = vector.extract_strided_slice %convert_element_type3A_1 {offsets = [0, 0], sizes = [64, 128], strides = [1, 1]} : vector<128x128xf32> to vector<64x128xf32>
    %get3A = arith.constant 0 : index
    %get3A_3 = arith.constant 0 : index
    %get3A_4 = vector.load %arg1[%get3A, %get3A_3] : memref<2048x128xf32, #tpu.memory_space<vmem>>, vector<2048x128xf32>
    %dot_general3A = arith.constant dense<0.000000e+00> : vector<64x2048xf32>
    %dot_general3A_5 = tpu.matmul %slice3A_2, %get3A_4, %dot_general3A {dimension_numbers = #tpu.dot_dimension_numbers<[1], [1], [0], [0], [0, 0, 1, 0], [], []>, transpose_lhs_hint = false} : vector<64x128xf32>, vector<2048x128xf32>, vector<64x2048xf32> -> vector<64x2048xf32>
    %slice3A_6 = vector.extract_strided_slice %convert_element_type3A_1 {offsets = [0, 0], sizes = [72, 128], strides = [1, 1]} : vector<128x128xf32> to vector<72x128xf32>
    %get3A_7 = arith.constant 0 : index
    %get3A_8 = arith.constant 0 : index
    %get3A_9 = vector.load %arg2[%get3A_7, %get3A_8] : memref<2048x128xf32, #tpu.memory_space<vmem>>, vector<2048x128xf32>
    %dot_general3A_10 = arith.constant dense<0.000000e+00> : vector<72x2048xf32>
    %dot_general3A_11 = tpu.matmul %slice3A_6, %get3A_9, %dot_general3A_10 {dimension_numbers = #tpu.dot_dimension_numbers<[1], [1], [0], [0], [0, 0, 1, 0], [], []>, transpose_lhs_hint = false} : vector<72x128xf32>, vector<2048x128xf32>, vector<72x2048xf32> -> vector<72x2048xf32>
    %slice3A_12 = vector.extract_strided_slice %dot_general3A_11 {offsets = [0, 0], sizes = [64, 2048], strides = [1, 1]} : vector<72x2048xf32> to vector<64x2048xf32>
    %slice3A_13 = vector.extract_strided_slice %dot_general3A_11 {offsets = [64, 0], sizes = [1, 2048], strides = [1, 1]} : vector<72x2048xf32> to vector<1x2048xf32>
    %get3A_14 = arith.constant 0 : index
    %get3A_15 = arith.constant 0 : index
    %get3A_16 = vector.load %arg3[%get3A_14, %get3A_15] : memref<1x2048xi32, #tpu.memory_space<vmem>>, vector<1x2048xi32>
    %get3A_17 = arith.constant 0 : index
    %get3A_18 = arith.constant 0 : index
    %get3A_19 = vector.load %arg4[%get3A_17, %get3A_18] : memref<1x2048xf32, #tpu.memory_space<vmem>>, vector<1x2048xf32>
    %get3A_20 = arith.constant 0 : index
    %get3A_21 = arith.constant 0 : index
    %get3A_22 = arith.constant 0 : index
    %get3A_23 = vector.load %arg5[%get3A_20, %get3A_21, %get3A_22] : memref<8x64x64xf32, #tpu.memory_space<vmem>>, vector<1x64x64xf32>
    %get3A_24 = vector.shape_cast %get3A_23 : vector<1x64x64xf32> to vector<64x64xf32>
    %mul3A = arith.mulf %get3A_24, %get3A_24 : vector<64x64xf32>
    %reduce_sum3A = arith.constant dense<0.000000e+00> : vector<64xf32>
    %reduce_sum3A_25 = vector.multi_reduction <add>, %mul3A, %reduce_sum3A [0] : vector<64x64xf32> to vector<64xf32>
    %broadcast_in_dim3A = vector.shape_cast %reduce_sum3A_25 : vector<64xf32> to vector<1x64xf32>
    %sqrt3A = math.sqrt %broadcast_in_dim3A : vector<1x64xf32>
    %max3A = arith.constant 9.99999996E-13 : f32
    %max3A_26 = vector.broadcast %max3A : f32 to vector<1x64xf32>
    %max3A_27 = arith.maximumf %sqrt3A, %max3A_26 : vector<1x64xf32>
    %div3A = vector.broadcast %max3A_27 : vector<1x64xf32> to vector<64x64xf32>
    %div3A_28 = arith.divf %get3A_24, %div3A : vector<64x64xf32>
    %dot_general3A_29 = arith.constant dense<0.000000e+00> : vector<64x64xf32>
    %dot_general3A_30 = tpu.matmul %slice3A, %div3A_28, %dot_general3A_29 {dimension_numbers = #tpu.dot_dimension_numbers<[1], [1], [0], [0], [0, 0, 1, 0], [], []>, transpose_lhs_hint = false} : vector<64x64xf32>, vector<64x64xf32>, vector<64x64xf32> -> vector<64x64xf32>
    %eq3A_31 = arith.constant 0 : i32
    %eq3A_32 = vector.broadcast %eq3A_31 : i32 to vector<1x2048xi32>
    %eq3A_33 = arith.cmpi eq, %get3A_16, %eq3A_32 : vector<1x2048xi32>
    %jit3A = arith.constant 0.000000e+00 : f32
    %broadcast_in_dim3A_34 = vector.shape_cast %eq3A_33 : vector<1x2048xi1> to vector<1x2048xi1>
    %broadcast_in_dim3A_35 = vector.broadcast %broadcast_in_dim3A_34 : vector<1x2048xi1> to vector<64x2048xi1>
    %broadcast_in_dim3A_36 = vector.broadcast %jit3A : f32 to vector<64x2048xf32>
    %select_n3A = arith.select %broadcast_in_dim3A_35, %dot_general3A_5, %broadcast_in_dim3A_36 : vector<64x2048xi1>, vector<64x2048xf32>
    %get3A_37 = arith.constant 1 : index
    %get3A_38 = arith.constant 0 : index
    %get3A_39 = arith.constant 0 : index
    %get3A_40 = vector.load %arg5[%get3A_37, %get3A_38, %get3A_39] : memref<8x64x64xf32, #tpu.memory_space<vmem>>, vector<1x64x64xf32>
    %get3A_41 = vector.shape_cast %get3A_40 : vector<1x64x64xf32> to vector<64x64xf32>
    %mul3A_42 = arith.mulf %get3A_41, %get3A_41 : vector<64x64xf32>
    %reduce_sum3A_43 = arith.constant dense<0.000000e+00> : vector<64xf32>
    %reduce_sum3A_44 = vector.multi_reduction <add>, %mul3A_42, %reduce_sum3A_43 [0] : vector<64x64xf32> to vector<64xf32>
    %broadcast_in_dim3A_45 = vector.shape_cast %reduce_sum3A_44 : vector<64xf32> to vector<1x64xf32>
    %sqrt3A_46 = math.sqrt %broadcast_in_dim3A_45 : vector<1x64xf32>
    %max3A_47 = arith.constant 9.99999996E-13 : f32
    %max3A_48 = vector.broadcast %max3A_47 : f32 to vector<1x64xf32>
    %max3A_49 = arith.maximumf %sqrt3A_46, %max3A_48 : vector<1x64xf32>
    %div3A_50 = vector.broadcast %max3A_49 : vector<1x64xf32> to vector<64x64xf32>
    %div3A_51 = arith.divf %get3A_41, %div3A_50 : vector<64x64xf32>
    %dot_general3A_52 = arith.constant dense<0.000000e+00> : vector<64x64xf32>
    %dot_general3A_53 = tpu.matmul %slice3A, %div3A_51, %dot_general3A_52 {dimension_numbers = #tpu.dot_dimension_numbers<[1], [1], [0], [0], [0, 0, 1, 0], [], []>, transpose_lhs_hint = false} : vector<64x64xf32>, vector<64x64xf32>, vector<64x64xf32> -> vector<64x64xf32>
    %eq3A_54 = arith.constant 1 : i32
    %eq3A_55 = vector.broadcast %eq3A_54 : i32 to vector<1x2048xi32>
    %eq3A_56 = arith.cmpi eq, %get3A_16, %eq3A_55 : vector<1x2048xi32>
    %jit3A_57 = arith.constant 0.000000e+00 : f32
    %broadcast_in_dim3A_58 = vector.shape_cast %eq3A_56 : vector<1x2048xi1> to vector<1x2048xi1>
    %broadcast_in_dim3A_59 = vector.broadcast %broadcast_in_dim3A_58 : vector<1x2048xi1> to vector<64x2048xi1>
    %broadcast_in_dim3A_60 = vector.broadcast %jit3A_57 : f32 to vector<64x2048xf32>
    %select_n3A_61 = arith.select %broadcast_in_dim3A_59, %dot_general3A_5, %broadcast_in_dim3A_60 : vector<64x2048xi1>, vector<64x2048xf32>
    %get3A_62 = arith.constant 2 : index
    %get3A_63 = arith.constant 0 : index
    %get3A_64 = arith.constant 0 : index
    %get3A_65 = vector.load %arg5[%get3A_62, %get3A_63, %get3A_64] : memref<8x64x64xf32, #tpu.memory_space<vmem>>, vector<1x64x64xf32>
    %get3A_66 = vector.shape_cast %get3A_65 : vector<1x64x64xf32> to vector<64x64xf32>
    %mul3A_67 = arith.mulf %get3A_66, %get3A_66 : vector<64x64xf32>
    %reduce_sum3A_68 = arith.constant dense<0.000000e+00> : vector<64xf32>
    %reduce_sum3A_69 = vector.multi_reduction <add>, %mul3A_67, %reduce_sum3A_68 [0] : vector<64x64xf32> to vector<64xf32>
    %broadcast_in_dim3A_70 = vector.shape_cast %reduce_sum3A_69 : vector<64xf32> to vector<1x64xf32>
    %sqrt3A_71 = math.sqrt %broadcast_in_dim3A_70 : vector<1x64xf32>
    %max3A_72 = arith.constant 9.99999996E-13 : f32
    %max3A_73 = vector.broadcast %max3A_72 : f32 to vector<1x64xf32>
    %max3A_74 = arith.maximumf %sqrt3A_71, %max3A_73 : vector<1x64xf32>
    %div3A_75 = vector.broadcast %max3A_74 : vector<1x64xf32> to vector<64x64xf32>
    %div3A_76 = arith.divf %get3A_66, %div3A_75 : vector<64x64xf32>
    %dot_general3A_77 = arith.constant dense<0.000000e+00> : vector<64x64xf32>
    %dot_general3A_78 = tpu.matmul %slice3A, %div3A_76, %dot_general3A_77 {dimension_numbers = #tpu.dot_dimension_numbers<[1], [1], [0], [0], [0, 0, 1, 0], [], []>, transpose_lhs_hint = false} : vector<64x64xf32>, vector<64x64xf32>, vector<64x64xf32> -> vector<64x64xf32>
    %eq3A_79 = arith.constant 2 : i32
    %eq3A_80 = vector.broadcast %eq3A_79 : i32 to vector<1x2048xi32>
    %eq3A_81 = arith.cmpi eq, %get3A_16, %eq3A_80 : vector<1x2048xi32>
    %jit3A_82 = arith.constant 0.000000e+00 : f32
    %broadcast_in_dim3A_83 = vector.shape_cast %eq3A_81 : vector<1x2048xi1> to vector<1x2048xi1>
    %broadcast_in_dim3A_84 = vector.broadcast %broadcast_in_dim3A_83 : vector<1x2048xi1> to vector<64x2048xi1>
    %broadcast_in_dim3A_85 = vector.broadcast %jit3A_82 : f32 to vector<64x2048xf32>
    %select_n3A_86 = arith.select %broadcast_in_dim3A_84, %dot_general3A_5, %broadcast_in_dim3A_85 : vector<64x2048xi1>, vector<64x2048xf32>
    %get3A_87 = arith.constant 3 : index
    %get3A_88 = arith.constant 0 : index
    %get3A_89 = arith.constant 0 : index
    %get3A_90 = vector.load %arg5[%get3A_87, %get3A_88, %get3A_89] : memref<8x64x64xf32, #tpu.memory_space<vmem>>, vector<1x64x64xf32>
    %get3A_91 = vector.shape_cast %get3A_90 : vector<1x64x64xf32> to vector<64x64xf32>
    %mul3A_92 = arith.mulf %get3A_91, %get3A_91 : vector<64x64xf32>
    %reduce_sum3A_93 = arith.constant dense<0.000000e+00> : vector<64xf32>
    %reduce_sum3A_94 = vector.multi_reduction <add>, %mul3A_92, %reduce_sum3A_93 [0] : vector<64x64xf32> to vector<64xf32>
    %broadcast_in_dim3A_95 = vector.shape_cast %reduce_sum3A_94 : vector<64xf32> to vector<1x64xf32>
    %sqrt3A_96 = math.sqrt %broadcast_in_dim3A_95 : vector<1x64xf32>
    %max3A_97 = arith.constant 9.99999996E-13 : f32
    %max3A_98 = vector.broadcast %max3A_97 : f32 to vector<1x64xf32>
    %max3A_99 = arith.maximumf %sqrt3A_96, %max3A_98 : vector<1x64xf32>
    %div3A_100 = vector.broadcast %max3A_99 : vector<1x64xf32> to vector<64x64xf32>
    %div3A_101 = arith.divf %get3A_91, %div3A_100 : vector<64x64xf32>
    %dot_general3A_102 = arith.constant dense<0.000000e+00> : vector<64x64xf32>
    %dot_general3A_103 = tpu.matmul %slice3A, %div3A_101, %dot_general3A_102 {dimension_numbers = #tpu.dot_dimension_numbers<[1], [1], [0], [0], [0, 0, 1, 0], [], []>, transpose_lhs_hint = false} : vector<64x64xf32>, vector<64x64xf32>, vector<64x64xf32> -> vector<64x64xf32>
    %eq3A_104 = arith.constant 3 : i32
    %eq3A_105 = vector.broadcast %eq3A_104 : i32 to vector<1x2048xi32>
    %eq3A_106 = arith.cmpi eq, %get3A_16, %eq3A_105 : vector<1x2048xi32>
    %jit3A_107 = arith.constant 0.000000e+00 : f32
    %broadcast_in_dim3A_108 = vector.shape_cast %eq3A_106 : vector<1x2048xi1> to vector<1x2048xi1>
    %broadcast_in_dim3A_109 = vector.broadcast %broadcast_in_dim3A_108 : vector<1x2048xi1> to vector<64x2048xi1>
    %broadcast_in_dim3A_110 = vector.broadcast %jit3A_107 : f32 to vector<64x2048xf32>
    %select_n3A_111 = arith.select %broadcast_in_dim3A_109, %dot_general3A_5, %broadcast_in_dim3A_110 : vector<64x2048xi1>, vector<64x2048xf32>
    %get3A_112 = arith.constant 4 : index
    %get3A_113 = arith.constant 0 : index
    %get3A_114 = arith.constant 0 : index
    %get3A_115 = vector.load %arg5[%get3A_112, %get3A_113, %get3A_114] : memref<8x64x64xf32, #tpu.memory_space<vmem>>, vector<1x64x64xf32>
    %get3A_116 = vector.shape_cast %get3A_115 : vector<1x64x64xf32> to vector<64x64xf32>
    %mul3A_117 = arith.mulf %get3A_116, %get3A_116 : vector<64x64xf32>
    %reduce_sum3A_118 = arith.constant dense<0.000000e+00> : vector<64xf32>
    %reduce_sum3A_119 = vector.multi_reduction <add>, %mul3A_117, %reduce_sum3A_118 [0] : vector<64x64xf32> to vector<64xf32>
    %broadcast_in_dim3A_120 = vector.shape_cast %reduce_sum3A_119 : vector<64xf32> to vector<1x64xf32>
    %sqrt3A_121 = math.sqrt %broadcast_in_dim3A_120 : vector<1x64xf32>
    %max3A_122 = arith.constant 9.99999996E-13 : f32
    %max3A_123 = vector.broadcast %max3A_122 : f32 to vector<1x64xf32>
    %max3A_124 = arith.maximumf %sqrt3A_121, %max3A_123 : vector<1x64xf32>
    %div3A_125 = vector.broadcast %max3A_124 : vector<1x64xf32> to vector<64x64xf32>
    %div3A_126 = arith.divf %get3A_116, %div3A_125 : vector<64x64xf32>
    %dot_general3A_127 = arith.constant dense<0.000000e+00> : vector<64x64xf32>
    %dot_general3A_128 = tpu.matmul %slice3A, %div3A_126, %dot_general3A_127 {dimension_numbers = #tpu.dot_dimension_numbers<[1], [1], [0], [0], [0, 0, 1, 0], [], []>, transpose_lhs_hint = false} : vector<64x64xf32>, vector<64x64xf32>, vector<64x64xf32> -> vector<64x64xf32>
    %eq3A_129 = arith.constant 4 : i32
    %eq3A_130 = vector.broadcast %eq3A_129 : i32 to vector<1x2048xi32>
    %eq3A_131 = arith.cmpi eq, %get3A_16, %eq3A_130 : vector<1x2048xi32>
    %jit3A_132 = arith.constant 0.000000e+00 : f32
    %broadcast_in_dim3A_133 = vector.shape_cast %eq3A_131 : vector<1x2048xi1> to vector<1x2048xi1>
    %broadcast_in_dim3A_134 = vector.broadcast %broadcast_in_dim3A_133 : vector<1x2048xi1> to vector<64x2048xi1>
    %broadcast_in_dim3A_135 = vector.broadcast %jit3A_132 : f32 to vector<64x2048xf32>
    %select_n3A_136 = arith.select %broadcast_in_dim3A_134, %dot_general3A_5, %broadcast_in_dim3A_135 : vector<64x2048xi1>, vector<64x2048xf32>
    %get3A_137 = arith.constant 5 : index
    %get3A_138 = arith.constant 0 : index
    %get3A_139 = arith.constant 0 : index
    %get3A_140 = vector.load %arg5[%get3A_137, %get3A_138, %get3A_139] : memref<8x64x64xf32, #tpu.memory_space<vmem>>, vector<1x64x64xf32>
    %get3A_141 = vector.shape_cast %get3A_140 : vector<1x64x64xf32> to vector<64x64xf32>
    %mul3A_142 = arith.mulf %get3A_141, %get3A_141 : vector<64x64xf32>
    %reduce_sum3A_143 = arith.constant dense<0.000000e+00> : vector<64xf32>
    %reduce_sum3A_144 = vector.multi_reduction <add>, %mul3A_142, %reduce_sum3A_143 [0] : vector<64x64xf32> to vector<64xf32>
    %broadcast_in_dim3A_145 = vector.shape_cast %reduce_sum3A_144 : vector<64xf32> to vector<1x64xf32>
    %sqrt3A_146 = math.sqrt %broadcast_in_dim3A_145 : vector<1x64xf32>
    %max3A_147 = arith.constant 9.99999996E-13 : f32
    %max3A_148 = vector.broadcast %max3A_147 : f32 to vector<1x64xf32>
    %max3A_149 = arith.maximumf %sqrt3A_146, %max3A_148 : vector<1x64xf32>
    %div3A_150 = vector.broadcast %max3A_149 : vector<1x64xf32> to vector<64x64xf32>
    %div3A_151 = arith.divf %get3A_141, %div3A_150 : vector<64x64xf32>
    %dot_general3A_152 = arith.constant dense<0.000000e+00> : vector<64x64xf32>
    %dot_general3A_153 = tpu.matmul %slice3A, %div3A_151, %dot_general3A_152 {dimension_numbers = #tpu.dot_dimension_numbers<[1], [1], [0], [0], [0, 0, 1, 0], [], []>, transpose_lhs_hint = false} : vector<64x64xf32>, vector<64x64xf32>, vector<64x64xf32> -> vector<64x64xf32>
    %eq3A_154 = arith.constant 5 : i32
    %eq3A_155 = vector.broadcast %eq3A_154 : i32 to vector<1x2048xi32>
    %eq3A_156 = arith.cmpi eq, %get3A_16, %eq3A_155 : vector<1x2048xi32>
    %jit3A_157 = arith.constant 0.000000e+00 : f32
    %broadcast_in_dim3A_158 = vector.shape_cast %eq3A_156 : vector<1x2048xi1> to vector<1x2048xi1>
    %broadcast_in_dim3A_159 = vector.broadcast %broadcast_in_dim3A_158 : vector<1x2048xi1> to vector<64x2048xi1>
    %broadcast_in_dim3A_160 = vector.broadcast %jit3A_157 : f32 to vector<64x2048xf32>
    %select_n3A_161 = arith.select %broadcast_in_dim3A_159, %dot_general3A_5, %broadcast_in_dim3A_160 : vector<64x2048xi1>, vector<64x2048xf32>
    %get3A_162 = arith.constant 6 : index
    %get3A_163 = arith.constant 0 : index
    %get3A_164 = arith.constant 0 : index
    %get3A_165 = vector.load %arg5[%get3A_162, %get3A_163, %get3A_164] : memref<8x64x64xf32, #tpu.memory_space<vmem>>, vector<1x64x64xf32>
    %get3A_166 = vector.shape_cast %get3A_165 : vector<1x64x64xf32> to vector<64x64xf32>
    %mul3A_167 = arith.mulf %get3A_166, %get3A_166 : vector<64x64xf32>
    %reduce_sum3A_168 = arith.constant dense<0.000000e+00> : vector<64xf32>
    %reduce_sum3A_169 = vector.multi_reduction <add>, %mul3A_167, %reduce_sum3A_168 [0] : vector<64x64xf32> to vector<64xf32>
    %broadcast_in_dim3A_170 = vector.shape_cast %reduce_sum3A_169 : vector<64xf32> to vector<1x64xf32>
    %sqrt3A_171 = math.sqrt %broadcast_in_dim3A_170 : vector<1x64xf32>
    %max3A_172 = arith.constant 9.99999996E-13 : f32
    %max3A_173 = vector.broadcast %max3A_172 : f32 to vector<1x64xf32>
    %max3A_174 = arith.maximumf %sqrt3A_171, %max3A_173 : vector<1x64xf32>
    %div3A_175 = vector.broadcast %max3A_174 : vector<1x64xf32> to vector<64x64xf32>
    %div3A_176 = arith.divf %get3A_166, %div3A_175 : vector<64x64xf32>
    %dot_general3A_177 = arith.constant dense<0.000000e+00> : vector<64x64xf32>
    %dot_general3A_178 = tpu.matmul %slice3A, %div3A_176, %dot_general3A_177 {dimension_numbers = #tpu.dot_dimension_numbers<[1], [1], [0], [0], [0, 0, 1, 0], [], []>, transpose_lhs_hint = false} : vector<64x64xf32>, vector<64x64xf32>, vector<64x64xf32> -> vector<64x64xf32>
    %eq3A_179 = arith.constant 6 : i32
    %eq3A_180 = vector.broadcast %eq3A_179 : i32 to vector<1x2048xi32>
    %eq3A_181 = arith.cmpi eq, %get3A_16, %eq3A_180 : vector<1x2048xi32>
    %jit3A_182 = arith.constant 0.000000e+00 : f32
    %broadcast_in_dim3A_183 = vector.shape_cast %eq3A_181 : vector<1x2048xi1> to vector<1x2048xi1>
    %broadcast_in_dim3A_184 = vector.broadcast %broadcast_in_dim3A_183 : vector<1x2048xi1> to vector<64x2048xi1>
    %broadcast_in_dim3A_185 = vector.broadcast %jit3A_182 : f32 to vector<64x2048xf32>
    %select_n3A_186 = arith.select %broadcast_in_dim3A_184, %dot_general3A_5, %broadcast_in_dim3A_185 : vector<64x2048xi1>, vector<64x2048xf32>
    %get3A_187 = arith.constant 7 : index
    %get3A_188 = arith.constant 0 : index
    %get3A_189 = arith.constant 0 : index
    %get3A_190 = vector.load %arg5[%get3A_187, %get3A_188, %get3A_189] : memref<8x64x64xf32, #tpu.memory_space<vmem>>, vector<1x64x64xf32>
    %get3A_191 = vector.shape_cast %get3A_190 : vector<1x64x64xf32> to vector<64x64xf32>
    %mul3A_192 = arith.mulf %get3A_191, %get3A_191 : vector<64x64xf32>
    %reduce_sum3A_193 = arith.constant dense<0.000000e+00> : vector<64xf32>
    %reduce_sum3A_194 = vector.multi_reduction <add>, %mul3A_192, %reduce_sum3A_193 [0] : vector<64x64xf32> to vector<64xf32>
    %broadcast_in_dim3A_195 = vector.shape_cast %reduce_sum3A_194 : vector<64xf32> to vector<1x64xf32>
    %sqrt3A_196 = math.sqrt %broadcast_in_dim3A_195 : vector<1x64xf32>
    %max3A_197 = arith.constant 9.99999996E-13 : f32
    %max3A_198 = vector.broadcast %max3A_197 : f32 to vector<1x64xf32>
    %max3A_199 = arith.maximumf %sqrt3A_196, %max3A_198 : vector<1x64xf32>
    %div3A_200 = vector.broadcast %max3A_199 : vector<1x64xf32> to vector<64x64xf32>
    %div3A_201 = arith.divf %get3A_191, %div3A_200 : vector<64x64xf32>
    %dot_general3A_202 = arith.constant dense<0.000000e+00> : vector<64x64xf32>
    %dot_general3A_203 = tpu.matmul %slice3A, %div3A_201, %dot_general3A_202 {dimension_numbers = #tpu.dot_dimension_numbers<[1], [1], [0], [0], [0, 0, 1, 0], [], []>, transpose_lhs_hint = false} : vector<64x64xf32>, vector<64x64xf32>, vector<64x64xf32> -> vector<64x64xf32>
    %eq3A_204 = arith.constant 7 : i32
    %eq3A_205 = vector.broadcast %eq3A_204 : i32 to vector<1x2048xi32>
    %eq3A_206 = arith.cmpi eq, %get3A_16, %eq3A_205 : vector<1x2048xi32>
    %jit3A_207 = arith.constant 0.000000e+00 : f32
    %broadcast_in_dim3A_208 = vector.shape_cast %eq3A_206 : vector<1x2048xi1> to vector<1x2048xi1>
    %broadcast_in_dim3A_209 = vector.broadcast %broadcast_in_dim3A_208 : vector<1x2048xi1> to vector<64x2048xi1>
    %broadcast_in_dim3A_210 = vector.broadcast %jit3A_207 : f32 to vector<64x2048xf32>
    %select_n3A_211 = arith.select %broadcast_in_dim3A_209, %dot_general3A_5, %broadcast_in_dim3A_210 : vector<64x2048xi1>, vector<64x2048xf32>
    %concatenate3A = tpu.concatenate %dot_general3A_30, %dot_general3A_53, %dot_general3A_78, %dot_general3A_103, %dot_general3A_128, %dot_general3A_153, %dot_general3A_178, %dot_general3A_203 in 1 : vector<64x64xf32>, vector<64x64xf32>, vector<64x64xf32>, vector<64x64xf32>, vector<64x64xf32>, vector<64x64xf32>, vector<64x64xf32>, vector<64x64xf32> -> vector<64x512xf32>
    %concatenate3A_212 = tpu.concatenate %select_n3A, %select_n3A_61, %select_n3A_86, %select_n3A_111, %select_n3A_136, %select_n3A_161, %select_n3A_186, %select_n3A_211 in 0 : vector<64x2048xf32>, vector<64x2048xf32>, vector<64x2048xf32>, vector<64x2048xf32>, vector<64x2048xf32>, vector<64x2048xf32>, vector<64x2048xf32>, vector<64x2048xf32> -> vector<512x2048xf32>
    %dot_general3A_213 = arith.constant dense<0.000000e+00> : vector<64x2048xf32>
    %dot_general3A_214 = tpu.matmul %concatenate3A, %concatenate3A_212, %dot_general3A_213 {dimension_numbers = #tpu.dot_dimension_numbers<[1], [0], [0], [1], [0, 0, 1, 1], [], []>, transpose_lhs_hint = false} : vector<64x512xf32>, vector<512x2048xf32>, vector<64x2048xf32> -> vector<64x2048xf32>
    %mul3A_215 = arith.mulf %dot_general3A_214, %slice3A_12 : vector<64x2048xf32>
    %reduce_sum3A_216 = arith.constant dense<0.000000e+00> : vector<2048xf32>
    %reduce_sum3A_217 = vector.multi_reduction <add>, %mul3A_215, %reduce_sum3A_216 [0] : vector<64x2048xf32> to vector<2048xf32>
    %broadcast_in_dim3A_218 = vector.shape_cast %reduce_sum3A_217 : vector<2048xf32> to vector<1x2048xf32>
    %add3A = arith.addf %broadcast_in_dim3A_218, %slice3A_13 : vector<1x2048xf32>
    %max3A_219 = arith.constant 0.000000e+00 : f32
    %max3A_220 = vector.broadcast %max3A_219 : f32 to vector<1x2048xf32>
    %max3A_221 = arith.maximumf %add3A, %max3A_220 : vector<1x2048xf32>
    %mul3A_222 = arith.mulf %add3A, %get3A_19 : vector<1x2048xf32>
    %sub3A = arith.subf %max3A_221, %mul3A_222 : vector<1x2048xf32>
    %abs3A = math.absf %add3A : vector<1x2048xf32>
    %neg3A = arith.constant 0.000000e+00 : f32
    %neg3A_223 = vector.broadcast %neg3A : f32 to vector<1x2048xf32>
    %neg3A_224 = arith.subf %neg3A_223, %abs3A : vector<1x2048xf32>
    %exp3A = math.exp %neg3A_224 : vector<1x2048xf32>
    %log1p3A = math.log1p %exp3A : vector<1x2048xf32>
    %add3A_225 = arith.addf %sub3A, %log1p3A : vector<1x2048xf32>
    %reduce_sum3A_226 = vector.shape_cast %add3A_225 : vector<1x2048xf32> to vector<1x1x2048xf32>
    %reduce_sum3A_227 = arith.constant dense<0.000000e+00> : vector<1xf32>
    %reduce_sum3A_228 = vector.multi_reduction <add>, %reduce_sum3A_226, %reduce_sum3A_227 [1, 2] : vector<1x1x2048xf32> to vector<1xf32>
    %reduce_sum3A_229 = vector.shape_cast %reduce_sum3A_228 : vector<1xf32> to vector<1x1x1xf32>
    %reduce_sum3A_230 = vector.extract %reduce_sum3A_229[0, 0, 0] : f32 from vector<1x1x1xf32>
    %eq3A_231 = arith.constant 0 : i32
    %eq3A_232 = arith.cmpi eq, %arg0, %eq3A_231 : i32
    %convert_element_type3A_233 = arith.extui %eq3A_232 : i1 to i32
    %cond3A = arith.constant 0 : i32
    %cond3A_234 = arith.cmpi ne, %convert_element_type3A_233, %cond3A : i32
    scf.if %cond3A_234 {
      %swap3A_246 = arith.constant 0.000000e+00 : f32
      %swap3A_247 = arith.constant 0 : index
      %swap3A_248 = arith.constant 0 : index
      %swap3A_249 = memref.load %arg6[%swap3A_247, %swap3A_248] : memref<1x1xf32, #tpu.memory_space<smem>>
      memref.store %swap3A_246, %arg6[%swap3A_247, %swap3A_248] : memref<1x1xf32, #tpu.memory_space<smem>>
    } else {
    }
    %get3A_235 = arith.constant 0 : index
    %get3A_236 = arith.constant 0 : index
    %get3A_237 = memref.load %arg6[%get3A_235, %get3A_236] : memref<1x1xf32, #tpu.memory_space<smem>>
    %add3A_238 = arith.addf %get3A_237, %reduce_sum3A_230 : f32
    %swap3A = arith.constant 0 : index
    %swap3A_239 = arith.constant 0 : index
    %swap3A_240 = memref.load %arg6[%swap3A, %swap3A_239] : memref<1x1xf32, #tpu.memory_space<smem>>
    memref.store %add3A_238, %arg6[%swap3A, %swap3A_239] : memref<1x1xf32, #tpu.memory_space<smem>>
    %eq3A_241 = arith.constant 7 : i32
    %eq3A_242 = arith.cmpi eq, %arg0, %eq3A_241 : i32
    %convert_element_type3A_243 = arith.extui %eq3A_242 : i1 to i32
    %cond3A_244 = arith.constant 0 : i32
    %cond3A_245 = arith.cmpi ne, %convert_element_type3A_243, %cond3A_244 : i32
    scf.if %cond3A_245 {
      %get3A_246 = arith.constant 0 : index
      %get3A_247 = arith.constant 0 : index
      %get3A_248 = memref.load %arg6[%get3A_246, %get3A_247] : memref<1x1xf32, #tpu.memory_space<smem>>
      %mul3A_249 = arith.constant 6.10351563E-5 : f32
      %mul3A_250 = arith.mulf %get3A_248, %mul3A_249 : f32
      %swap3A_251 = arith.constant 0 : index
      %swap3A_252 = arith.constant 0 : index
      %swap3A_253 = memref.load %arg6[%swap3A_251, %swap3A_252] : memref<1x1xf32, #tpu.memory_space<smem>>
      memref.store %mul3A_250, %arg6[%swap3A_251, %swap3A_252] : memref<1x1xf32, #tpu.memory_space<smem>>
    } else {
    }
    return
  }
  func.func @transform_0(%arg0: i32) -> (i32, i32) {
    %c0_i32 = arith.constant 0 : i32
    %c0_i32_0 = arith.constant 0 : i32
    return %arg0, %c0_i32 : i32, i32
  }
  func.func @transform_1(%arg0: i32) -> (i32, i32) {
    %c0_i32 = arith.constant 0 : i32
    %c0_i32_0 = arith.constant 0 : i32
    return %arg0, %c0_i32 : i32, i32
  }
  func.func @transform_2(%arg0: i32) -> (i32, i32) {
    %c0_i32 = arith.constant 0 : i32
    %c0_i32_0 = arith.constant 0 : i32
    return %c0_i32, %arg0 : i32, i32
  }
  func.func @transform_3(%arg0: i32) -> (i32, i32) {
    %c0_i32 = arith.constant 0 : i32
    %c0_i32_0 = arith.constant 0 : i32
    return %c0_i32, %arg0 : i32, i32
  }
  func.func @transform_4(%arg0: i32) -> (i32, i32, i32) {
    %c0_i32 = arith.constant 0 : i32
    %c0_i32_0 = arith.constant 0 : i32
    %c0_i32_1 = arith.constant 0 : i32
    %c0_i32_2 = arith.constant 0 : i32
    return %c0_i32, %c0_i32_0, %c0_i32_1 : i32, i32, i32
  }
  func.func @transform_5(%arg0: i32) -> (i32, i32) {
    %c0_i32 = arith.constant 0 : i32
    %c0_i32_0 = arith.constant 0 : i32
    %c0_i32_1 = arith.constant 0 : i32
    return %c0_i32, %c0_i32_0 : i32, i32
  }
}

</mosaic_0001>

<sc_bundles>
// kernel: kernel.6.cloned.1.call-start
scs
__scs_entry_jumppad:
0x0: {  	(pc) =	sbr.rel $0x88, $3  }
0x1: {  	(tag) =	ssettag $0x0;
	lr =	simm.s32 $0x1  }
0x2: {  	[smem:$0x3F9A] =	sst lr;
	_ =	strace $0xD0000000  }
0x3: {  	_ = 	snop  }
0x4: {  	_ = 	snop  }
0x5: {  	_ = 	snop  }
0x6: {  	_ = 	snop  }
0x7: {  	_ = 	snop  }
__scs_overlays_trampoline_lowered:
0x8: {  	[smem:$0x3FA9] =	sst s0  }
0x9: {  	[smem:$0x3FAA] =	sst s1  }
0xa: {  	[smem:$0x3FAB] =	sst s2  }
0xb: {  	[smem:$0x3FAC] =	sst s3  }
0xc: {  	[smem:$0x3FAD] =	sst s4  }
0xd: {  	[smem:$0x3FAE] =	sst s5  }
0xe: {  	[smem:$0x3FAF] =	sst s6  }
0xf: {  	[smem:$0x3FB0] =	sst s7  }
0x10: {  	[smem:$0x3FB1] =	sst s8  }
0x11: {  	[smem:$0x3FB2] =	sst s9;
	s0 =	simm.s32 @!p0 $0x0  }
0x12: {  	s1 =	sld [smem:$0x3F98];
	s0 =	simm.s32 @p0 $0x1  }
0x13: {  	[smem:$0x3FB3] =	sst s0;
	s0 =	simm.s32 @!p1 $0x0  }
0x14: {  	s2 =	sld [smem:$0x3F97];
	s0 =	simm.s32 @p1 $0x1  }
0x15: {  	[smem:$0x3FB4] =	sst s0;
	s0 =	simm.s32 @!p2 $0x0  }
0x16: {  	s3 =	sld [smem:$0x3FDB];
	s0 =	simm.s32 @p2 $0x1  }
0x17: {  	s4 =	simm.s32 $0x1BF5;
	[smem:$0x3FB6] =	sst s0  }
0x18: {  	s0 =	sld [smem:$0x3F99];
	_ =	swait.ge [sflag:s4], $0x0  }
0x19: {  	s7 =	sld [smem:$0x3F9A]  }
0x1a: {  	s8 =	sadd.s32 $0xFFFFE003, lr  }
0x1b: {  	s9 =	sadd.s32 $0xFFFFFEF7, lr;
	s5 =	simm.s32 $0xFFFFFFFF;
	p2 =	slt.u32 s8, $0xFFFFF086  }
0x1c: {  	p1 =	slt.u32 s9, $0xF7A;
	s5 =	simm.s32 @!p2 $0x0  }
0x1d: {  	s5 =	simm.s32 @p1 $0x1;
	p0 =	seq.s32 s7, s2  }
0x1e: {  	s7 =	smul.u32 @!p0 $0xF7A, s2;
	p2 =	seq.s32 @!p0 s5, $0x0  }
0x1f: {  	s9 =	smul.u32 $0xF7A, s1;
	s8 =	simm.s32 @!p0 $0x1BF5;
	p2 =	por !p2, p0  }
0x20: {  	[sflag:s8] =	ssyncset.s32 @!p0 $0xFFFFF086;
	s6 =	sadd.s32 @!p0 s3, s7;
	s7 =	simm.s32 @!p0 $0x108  }
0x21: {  	s3 =	sadd.s32 s3, s9;
	s6 =	sadd.s32 @!p0 $0x88, s6;
	s7 =	simm.s32 @p2 $0x1082  }
0x22: {  	[simem:s7], [sflag:s8] =	dma.local @!p0 [hbm:s6], $0xF7A  }
0x23: {  	s9 =	sor.u32 $0xD0000000, s2;
	s6 =	simm.s32 $0x108;
	_ =	swait.ge @!p0 [sflag:s8], $0x0  }
0x24: {  	s3 =	sadd.s32 $0x88, s3;
	s6 =	simm.s32 @!p1 $0x1082;
	[sflag:s4] =	ssyncset.s32 $0xFFFFF086  }
0x25: {  	[simem:s6], [sflag:s4] =	dma.local [hbm:s3], $0xF7A  }
0x26: {  	[smem:$0x3F9A] =	sst s1;
	(tag) =	ssettag s2;
	_ =	strace s9  }
0x27: {  	s1 =	sld [smem:$0x3FAA]  }
0x28: {  	s2 =	sld [smem:$0x3FAB]  }
0x29: {  	s4 =	sld [smem:$0x3FAD]  }
0x2a: {  	p0 =	seq.s32 s5, $0x0;
	s5 =	sld [smem:$0x3FAE]  }
0x2b: {  	s6 =	sld [smem:$0x3FAF]  }
0x2c: {  	s7 =	sld [smem:$0x3FB0]  }
0x2d: {  	s3 =	simm.s32 $0x108;
	s8 =	sld [smem:$0x3FB1]  }
0x2e: {  	s3 =	simm.s32 @!p0 $0x1082;
	s9 =	sld [smem:$0x3FB2]  }
0x2f: {  	lr =	sadd.s32 s0, s3;
	s0 =	sld [smem:$0x3FA9]  }
0x30: {  	s3 =	sld [smem:$0x3FAC]  }
0x31: {  	[smem:$0x3FB5] =	sst s10  }
0x32: {  	s10 =	sld [smem:$0x3FB3];
	_ =	sdelay $0x3  }
0x33: {  	p0 =	seq.s32 s10, $0x1;
	s10 =	sld [smem:$0x3FB5];
	_ =	sdelay $0x3  }
0x34: {  	[smem:$0x3FB5] =	sst s10  }
0x35: {  	s10 =	sld [smem:$0x3FB4];
	_ =	sdelay $0x3  }
0x36: {  	p1 =	seq.s32 s10, $0x1;
	s10 =	sld [smem:$0x3FB5];
	_ =	sdelay $0x3  }
0x37: {  	[smem:$0x3FB5] =	sst s10  }
0x38: {  	s10 =	sld [smem:$0x3FB6]  }
0x39: {  	_ = 	snop;
	(pc) =	sbr.ind lr, $3  }
0x3a: {  	_ = 	snop  }
0x3b: {  	_ = 	snop  }
0x3c: {  	p2 =	seq.s32 s10, $0x1;
	s10 =	sld [smem:$0x3FB5]  }
0x3d: {  	_ =	shalt  }
0x3e: {  	_ =	shalt  }
0x3f: {  	_ =	shalt  }
0x40: {  	_ =	shalt  }
0x41: {  	_ =	shalt  }
0x42: {  	_ =	shalt  }
0x43: {  	_ =	shalt  }
0x44: {  	_ =	shalt  }
0x45: {  	_ =	shalt  }
0x46: {  	_ =	shalt  }
0x47: {  	_ =	shalt  }
0x48: {  	_ =	shalt  }
0x49: {  	_ =	shalt  }
0x4a: {  	_ =	shalt  }
0x4b: {  	_ =	shalt  }
0x4c: {  	_ =	shalt  }
0x4d: {  	_ =	shalt  }
0x4e: {  	_ =	shalt  }
0x4f: {  	_ =	shalt  }
0x50: {  	_ =	shalt  }
0x51: {  	_ =	shalt  }
0x52: {  	_ =	shalt  }
0x53: {  	_ =	shalt  }
0x54: {  	_ =	shalt  }
0x55: {  	_ =	shalt  }
0x56: {  	_ =	shalt  }
0x57: {  	_ =	shalt  }
0x58: {  	_ =	shalt  }
0x59: {  	_ =	shalt  }
0x5a: {  	_ =	shalt  }
0x5b: {  	_ =	shalt  }
0x5c: {  	_ =	shalt  }
0x5d: {  	_ =	shalt  }
0x5e: {  	_ =	shalt  }
0x5f: {  	_ =	shalt  }
0x60: {  	_ =	shalt  }
0x61: {  	_ =	shalt  }
0x62: {  	_ =	shalt  }
0x63: {  	_ =	shalt  }
0x64: {  	_ =	shalt  }
0x65: {  	_ =	shalt  }
0x66: {  	_ =	shalt  }
0x67: {  	_ =	shalt  }
0x68: {  	_ =	shalt  }
0x69: {  	_ =	shalt  }
0x6a: {  	_ =	shalt  }
0x6b: {  	_ =	shalt  }
0x6c: {  	_ =	shalt  }
0x6d: {  	_ =	shalt  }
0x6e: {  	_ =	shalt  }
0x6f: {  	_ =	shalt  }
0x70: {  	_ =	shalt  }
0x71: {  	_ =	shalt  }
0x72: {  	_ =	shalt  }
0x73: {  	_ =	shalt  }
0x74: {  	_ =	shalt  }
0x75: {  	_ =	shalt  }
0x76: {  	_ =	shalt  }
0x77: {  	_ =	shalt  }
0x78: {  	_ =	shalt  }
0x79: {  	_ =	shalt  }
0x7a: {  	_ =	shalt  }
0x7b: {  	_ =	shalt  }
0x7c: {  	_ =	shalt  }
0x7d: {  	_ =	shalt  }
0x7e: {  	_ =	shalt  }
0x7f: {  	_ =	shalt  }
0x80: {  	_ =	shalt  }
0x81: {  	_ =	shalt  }
0x82: {  	_ =	shalt  }
0x83: {  	_ =	shalt  }
0x84: {  	_ =	shalt  }
0x85: {  	_ =	shalt  }
0x86: {  	_ =	shalt  }
0x87: {  	_ =	shalt  }
.Lfunc_end0:
.L_simem_size_0:
called_computation_lowered:
.L_overlay_start_0:
0x88: {  	s2 =	sld [smem:$0x3FD9]  }
0x89: {  	s3 =	sld [smem:$0x3FFE];
	_ =	sdelay $0x1  }
0x8a: {  	s1 =	srdreg.scid  }
0x8b: {  	s0 =	sand.u32 $0x1, s1  }
0x8c: {  	s17 =	sshll.u32 s0, $0xA;
	s2 =	sadd.s32 s3, s2  }
0x8d: {  	s2 =	sadd.s32 s2, s17  }
0x8e: {  	[smem:$0x3FC1] =	sst s2  }
0x8f: {  	_ = 	snop  }
0x90: {  	(tm) =	ssettm $0x1  }
0x91: {  	s18 =	sld [smem:$0x3FFB];
	_ =	sdelay $0x3  }
0x92: {  	_ =	strace s18  }
0x93: {  	s2 =	sld [smem:$0x3FFC];
	_ =	sdelay $0x3  }
0x94: {  	_ =	strace s2  }
0x95: {  	s2 =	sld [smem:$0x3FFD];
	_ =	sdelay $0x3  }
0x96: {  	_ =	strace s2  }
0x97: {  	_ =	strace $0x8FFFFFFF  }
0x98: {  	s19 =	sld [smem:$0x3FDB];
	_ =	sdelay $0x1  }
0x99: {  	s20 =	simm.s32 $_scs_section_size  }
0x9a: {  	s4 =	simm.s32 $_size__tile_overlayer_lowered;
	s5 =	simm.s32 $_tile_overlayer_lowered  }
0x9b: {  	s6 =	simm.s32 $0x1BFF;
	s21 =	sshll.u32 s5, $0x1;
	s3 =	sadd.s32 s20, s19  }
0x9c: {  	s22 =	simm.s32 $0x0;
	s4 =	sshll.u32 s4, $0x1;
	s5 =	sadd.s32 s21, s3  }
0x9d: {  	[timem:s22], [sflag:s6] =	dma.local [hbm:s5], s4  }
0x9e: {  	_ =	swait.ge [sflag:s6], s4  }
0x9f: {  	s4 =	ssub.s32 $0x0, s4;
	[sflag:s6] =	ssyncset.done $0x0  }
0xa0: {  	[sflag:s6] =	ssyncadd.s32 s4;
	_ =	sdelay $0x1  }
0xa1: {  	s23 =	simm.s32 $0x1B8B  }
0xa2: {  	_ =	swait.ge [sflag:s23], $0x1  }
0xa3: {  	[sflag:s23] =	ssyncset.done $0x0  }
0xa4: {  	[sflag:s23] =	ssyncadd.s32 $0xFFFFFFFF  }
0xa5: {  	s4 =	sld [smem:$0x0]  }
0xa6: {  	s5 =	sand.u32 $0xFFFFFFFE, s1  }
0xa7: {  	p0 =	sne.s32 s1, s5  }
0xa8: {  	s5 =	sshll.u32 @p0 s5, $0xE  }
0xa9: {  	s5 =	sadd.s32 @p0 $0x11B8D, s5;
	s6 =	sshll.u32 @p0 s4, $0x11  }
0xaa: {  	s5 =	sor.u32 @p0 s6, s5  }
0xab: {  	[sflag:s5] =	ssyncadd.remote.s32 @p0 $0x1;
	_ =	sdelay $0x1  }
0xac: {  	s5 =	simm.s32 @p0 $0x1B8D  }
0xad: {  	_ =	swait.eq @p0 [sflag:s5], $0x1  }
0xae: {  	[sflag:s5] =	ssyncadd.s32 @p0 $0xFFFFFFFF  }
0xaf: {  	s6 =	sshll.u32 @!p0 s1, $0xE  }
0xb0: {  	s6 =	sor.u32 @!p0 $0x4000, s6;
	s5 =	simm.s32 @!p0 $0x1B8D  }
0xb1: {  	s4 =	sshll.u32 @!p0 s4, $0x11;
	s6 =	sadd.s32 @!p0 $0x11B8D, s6;
	_ =	swait.eq @!p0 [sflag:s5], $0x1  }
0xb2: {  	s4 =	sor.u32 @!p0 s4, s6;
	[sflag:s5] =	ssyncadd.s32 @!p0 $0xFFFFFFFF  }
0xb3: {  	s25 =	simm.s32 $0x1B8E;
	s24 =	sld [smem:$0x3FFE];
	[sflag:s4] =	ssyncadd.remote.s32 @!p0 $0x1  }
0xb4: {  	s26 =	simm.s32 $execute0_lowered;
	[smem:$0x3FD2] =	sst s25  }
0xb5: {  	s5 =	sshll.u32 s26, $0x1;
	_ =	strace $0x80000049;
	[dreg:$0x1] =	wrdreg $0xFFFFFFFF  }
0xb6: {  	s28 =	simm.s32 $_size_execute0_lowered;
	s3 =	sadd.s32 s3, s5;
	[dreg:$0x0] =	wrdreg $0x0  }
0xb7: {  	s5 =	sshll.u32 s28, $0x1;
	[dreg:$0x2] =	wrdreg s3  }
0xb8: {  	[dreg:$0x3] =	wrdreg s5  }
0xb9: {  	[dreg:$0x4] =	wrdreg $0xC0  }
0xba: {  	_ =	task [dreg:s22], $0x5FFFF  }
0xbb: {  	[dreg:$0x1] =	wrdreg $0xFFFFFFFF  }
0xbc: {  	[dreg:$0x0] =	wrdreg $0x60  }
0xbd: {  	[dreg:$0x2] =	wrdreg s24  }
0xbe: {  	[dreg:$0x3] =	wrdreg $0x9  }
0xbf: {  	_ =	task.clear_ibuf [dreg:s22], $0x4FFFF;
	_ =	strace $0x90000049  }
0xc0: {  	s29 =	simm.s32 $0x9;
	_ =	strace $0x8000004B  }
0xc1: {  	_ =	swait.ge [sflag:s29], $0x1  }
0xc2: {  	[sflag:s29] =	ssyncadd.s32 $0xFFFFFFFF  }
0xc3: {  	_ =	strace $0x9000004B  }
0xc4: {  	_ =	sfence  }
0xc5: {  	s30 =	sld [smem:$0x0];
	_ =	sdelay $0x2  }
0xc6: {  	s31 =	sshll.u32 s1, $0xD;
	s1 =	sshrl.u32 s1, $0x2  }
0xc7: {  	s4 =	sand.u32 $0x4000, s31;
	s1 =	sadd.s32 s1, s30  }
0xc8: {  	s0 =	sor.u32 s4, s0;
	s1 =	sshll.u32 s1, $0x11  }
0xc9: {  	s0 =	sor.u32 s1, s0  }
0xca: {  	s0 =	sadd.s32 $0x8F2B, s0  }
0xcb: {  	[sflag:s0] =	ssyncadd.remote.s32 $0x1  }
0xcc: {  	_ =	sfence.sel $0xFFFF  }
0xcd: {  	[dreg:$0x0] =	wrdreg $0xFFFFFFFF;
	(pc) =	sbr.abs _section_cstart, $3  }
0xce: {  	[dreg:$0x1] =	wrdreg $0xFFFFFFFF  }
0xcf: {  	_ =	task.clear_ibuf [dreg:s22], $0x2FFFF;
	_ =	strace $0x9FFFFFFF  }
0xd0: {  	(tm) =	ssettm $0x7FFFFFFF  }
0xd1: {  	_ =	shalt  }
tec
execute0_lowered:
.L_overlay_start_1:
0x0: {  	(tag) =	ssettag $0x1  }
0x1: {  	s1 =	srdreg.scid  }
0x2: {  	s0 =	stileid.u32;
	s17 =	sand.u32 $0x1, s1  }
0x3: {  	s29 =	sshll.u32 s0, $0xA;
	s2 =	sshll.u32 s17, $0x9  }
0x4: {  	s18 =	rddreg [dreg:$0x0];
	s4 =	simm.s32 $0x200;
	s19 =	sor.u32 s2, s29  }
0x5: {  	s6 =	simm.s32 $0x4000;
	s2 =	simm.s32 $0x0;
	s3 =	sshrl.u32 s19, $0x3  }
0x6: {  	s5 =	simm.s32 $0x2;
	[smem:$0x7FF] =	sst s2;
	s3 =	sadd.s32 s3, s18  }
0x7: {  	s1 =	rddreg [dreg:$0x1];
	_ =	strace $0x8000004A;
	s3 =	sadd.s32 $0x1600, s3  }
0x8: {  	[tilespmem:s2], [sflag:$0x2] =	stream.strided.gather [hbm4b:s3+s4], $0x400, s6, s4, $0x38;
	[tilespmem:$0x10400] =	vst v63  }
0x9: {  	_ =	swait.ge [sflag:s5], $0x400  }
0xa: {  	s8 =	simm.s32 $0x80;
	[sflag:s5] =	ssyncset.done $0x0  }
0xb: {  	s9 =	simm.s32 $0x400;
	s7 =	sadd.s32 $0x105C00, s18;
	[sflag:s5] =	ssyncadd.s32 $0xFFFFFC00  }
0xc: {  	[tilespmem:s9], [sflag:$0x1] =	stream.indirect.gather [hbm4b:s7+s8], $0x80, s4, s8, $0xb8;
	[tilespmem:$0x10400] =	vst v63  }
0xd: {  	s10 =	simm.s32 $0x280;
	s11 =	simm.s32 $0x4400  }
0xe: {  	[tilespmem:s11], [sflag:$0x1] =	stream.indirect.gather [hbm4b:s7+s8], $0x80, s10, s8, $0xb8;
	[tilespmem:$0x10400] =	vst v63  }
0xf: {  	s12 =	simm.s32 $0x300;
	s13 =	simm.s32 $0x8400  }
0x10: {  	[tilespmem:s13], [sflag:$0x1] =	stream.indirect.gather [hbm4b:s7+s8], $0x80, s12, s8, $0xb8;
	[tilespmem:$0x10400] =	vst v63  }
0x11: {  	s14 =	simm.s32 $0x380;
	s15 =	simm.s32 $0xC400;
	s16 =	simm.s32 $0x1  }
0x12: {  	[tilespmem:s15], [sflag:$0x1] =	stream.indirect.gather [hbm4b:s7+s8], $0x80, s14, s8, $0xb8;
	[tilespmem:$0x10400] =	vst v63  }
0x13: {  	_ =	swait.ge [sflag:s16], $0x4000  }
0x14: {  	[sflag:s16] =	ssyncset.done $0x0  }
0x15: {  	[sflag:s16] =	ssyncadd.s32 $0xFFFFC000  }
0x16: {  	_ =	swait.ge [sflag:s16], $0x4000  }
0x17: {  	[sflag:s16] =	ssyncset.done $0x0  }
0x18: {  	s17 =	ssub.s32 $0x2, s17;
	[sflag:s16] =	ssyncadd.s32 $0xFFFFC000  }
0x19: {  	s20 =	sshrl.u32 s17, $0x1;
	_ =	swait.ge [sflag:s16], $0x4000  }
0x1a: {  	s30 =	ssub.s32 s17, s20;
	[sflag:s16] =	ssyncset.done $0x0  }
0x1b: {  	s31 =	smax.u32 s30, $0x1;
	[sflag:s16] =	ssyncadd.s32 $0xFFFFC000  }
0x1c: {  	s19 =	sshll.u32 s19, $0x4;
	p0 =	sne.s32 s31, $0x1;
	_ =	swait.ge [sflag:s16], $0x4000  }
.Ltmp0:
0x1d: {  	s18 =	sadd.s32 s19, s18;
	[sflag:s16] =	ssyncset.done $0x0;
	(pc) =	sbr.rel @!p0 .LBB2_2-.Ltmp0, $4  }
0x1e: {  	s17 =	sadd.s32 $0x109C00, s18;
	[sflag:s16] =	ssyncadd.s32 $0xFFFFC000  }
0x1f: {  	[hbm4b:s17+s2] =	stream.linear.scatter [tilespmem:s9], [sflag:$0x2], $0x10000, $0x38;
	[tilespmem:$0x10400] =	vst v63  }
0x20: {  	_ =	swait.ge [sflag:s5], $0x10000  }
0x21: {  	s18 =	sadd.s32 $0xFFFFFFFF, s31;
	[sflag:s5] =	ssyncset.done $0x0  }
.LBB2_1:
0x22: {  	p0 =	sne.s32 s18, $0x1;
	s18 =	sadd.s32 $0xFFFFFFFF, s18;
	[sflag:s5] =	ssyncadd.s32 $0xFFFF0000  }
0x23: {  	[tilespmem:s2], [sflag:$0x2] =	stream.strided.gather [hbm4b:s3+s4], $0x400, s6, s4, $0x38;
	[tilespmem:$0x10400] =	vst v63  }
0x24: {  	_ =	swait.ge [sflag:s5], $0x400  }
0x25: {  	[sflag:s5] =	ssyncset.done $0x0  }
0x26: {  	[sflag:s5] =	ssyncadd.s32 $0xFFFFFC00  }
0x27: {  	[tilespmem:s9], [sflag:$0x1] =	stream.indirect.gather [hbm4b:s7+s8], $0x80, s4, s8, $0xb8;
	[tilespmem:$0x10400] =	vst v63  }
0x28: {  	_ = 	snop  }
0x29: {  	[tilespmem:s11], [sflag:$0x1] =	stream.indirect.gather [hbm4b:s7+s8], $0x80, s10, s8, $0xb8;
	[tilespmem:$0x10400] =	vst v63  }
0x2a: {  	_ = 	snop  }
0x2b: {  	[tilespmem:s13], [sflag:$0x1] =	stream.indirect.gather [hbm4b:s7+s8], $0x80, s12, s8, $0xb8;
	[tilespmem:$0x10400] =	vst v63  }
0x2c: {  	_ = 	snop  }
0x2d: {  	[tilespmem:s15], [sflag:$0x1] =	stream.indirect.gather [hbm4b:s7+s8], $0x80, s14, s8, $0xb8;
	[tilespmem:$0x10400] =	vst v63  }
0x2e: {  	_ =	swait.ge [sflag:s16], $0x4000  }
0x2f: {  	[sflag:s16] =	ssyncset.done $0x0  }
0x30: {  	[sflag:s16] =	ssyncadd.s32 $0xFFFFC000  }
0x31: {  	_ =	swait.ge [sflag:s16], $0x4000  }
0x32: {  	[sflag:s16] =	ssyncset.done $0x0  }
0x33: {  	[sflag:s16] =	ssyncadd.s32 $0xFFFFC000  }
0x34: {  	_ =	swait.ge [sflag:s16], $0x4000  }
0x35: {  	[sflag:s16] =	ssyncset.done $0x0  }
0x36: {  	[sflag:s16] =	ssyncadd.s32 $0xFFFFC000  }
0x37: {  	_ =	swait.ge [sflag:s16], $0x4000  }
.Ltmp1:
0x38: {  	[sflag:s16] =	ssyncset.done $0x0;
	(pc) =	sbr.rel @p0 .LBB2_1-.Ltmp1, $4  }
0x39: {  	[sflag:s16] =	ssyncadd.s32 $0xFFFFC000  }
0x3a: {  	[hbm4b:s17+s2] =	stream.linear.scatter [tilespmem:s9], [sflag:$0x2], $0x10000, $0x38;
	[tilespmem:$0x10400] =	vst v63  }
0x3b: {  	_ =	swait.ge [sflag:s5], $0x10000  }
0x3c: {  	[sflag:s5] =	ssyncset.done $0x0  }
.LBB2_2:
0x3d: {  	[sflag:s5] =	ssyncadd.s32 $0xFFFF0000  }
0x3e: {  	_ =	sfence.sel $0x180000  }
0x3f: {  	[bflag:$0x0] =	sbarrier.arrive $0xFFFF  }
0x40: {  	p0 =	sne.s32 s0, $0x0;
	_ =	strace $0x9000004A  }
0x41: {  	s0 =	sadd.s32 @!p0 $0x100000, s1;
	[bflag:$0x2] =	sbarrier.arrive $0xFFFF  }
0x42: {  	[sflag:s0] =	ssyncadd.tile.s32 @!p0 $0x1;
	_ =	shalt  }
.Lfunc_end2:
_tile_overlayer_lowered:
.L_overlay_start_2:
0x43: {  	(tag) =	ssettag $0x2  }
0x44: {  	s0 =	rddreg [dreg:$0x0];
	s2 =	stileid.u32  }
0x45: {  	s1 =	rddreg [dreg:$0x1];
	p0 =	sne.s32 s2, $0x0  }
0x46: {  	s3 =	rddreg [dreg:$0x2];
	[bflag:$0x3] =	sbarrier.arrive $0xFFFF;
	s2 =	simm.s32 @!p0 $0x1C02  }
0x47: {  	[timem:s3], [sflag:s2] =	dma.local @!p0 [hbm:s0], s1  }
0x48: {  	s0 =	simm.s32 @!p0 $0x2  }
0x49: {  	_ =	swait.ge @!p0 [sflag:s0], s1  }
0x4a: {  	s1 =	ssub.s32 @!p0 $0x0, s1;
	[sflag:s0] =	ssyncset.done @!p0 $0x0  }
0x4b: {  	[sflag:s0] =	ssyncadd.s32 @!p0 s1  }
0x4c: {  	[bflag:$0x3] =	sbarrier.arrive $0xFFFF  }
0x4d: {  	_ =	shalt  }

// kernel: kernel.9.cloned.1.call-start
scs
__scs_entry_jumppad:
0x0: {  	(pc) =	sbr.rel $0x88, $3  }
0x1: {  	(tag) =	ssettag $0x0;
	lr =	simm.s32 $0x1  }
0x2: {  	[smem:$0x3F9A] =	sst lr;
	_ =	strace $0xD0000000  }
0x3: {  	_ = 	snop  }
0x4: {  	_ = 	snop  }
0x5: {  	_ = 	snop  }
0x6: {  	_ = 	snop  }
0x7: {  	_ = 	snop  }
__scs_overlays_trampoline_lowered:
0x8: {  	[smem:$0x3FA9] =	sst s0  }
0x9: {  	[smem:$0x3FAA] =	sst s1  }
0xa: {  	[smem:$0x3FAB] =	sst s2  }
0xb: {  	[smem:$0x3FAC] =	sst s3  }
0xc: {  	[smem:$0x3FAD] =	sst s4  }
0xd: {  	[smem:$0x3FAE] =	sst s5  }
0xe: {  	[smem:$0x3FAF] =	sst s6  }
0xf: {  	[smem:$0x3FB0] =	sst s7  }
0x10: {  	[smem:$0x3FB1] =	sst s8  }
0x11: {  	[smem:$0x3FB2] =	sst s9;
	s0 =	simm.s32 @!p0 $0x0  }
0x12: {  	s1 =	sld [smem:$0x3F98];
	s0 =	simm.s32 @p0 $0x1  }
0x13: {  	[smem:$0x3FB3] =	sst s0;
	s0 =	simm.s32 @!p1 $0x0  }
0x14: {  	s2 =	sld [smem:$0x3F97];
	s0 =	simm.s32 @p1 $0x1  }
0x15: {  	[smem:$0x3FB4] =	sst s0;
	s0 =	simm.s32 @!p2 $0x0  }
0x16: {  	s3 =	sld [smem:$0x3FDB];
	s0 =	simm.s32 @p2 $0x1  }
0x17: {  	s4 =	simm.s32 $0x1BF5;
	[smem:$0x3FB6] =	sst s0  }
0x18: {  	s0 =	sld [smem:$0x3F99];
	_ =	swait.ge [sflag:s4], $0x0  }
0x19: {  	s7 =	sld [smem:$0x3F9A]  }
0x1a: {  	s8 =	sadd.s32 $0xFFFFE003, lr  }
0x1b: {  	s9 =	sadd.s32 $0xFFFFFEF7, lr;
	s5 =	simm.s32 $0xFFFFFFFF;
	p2 =	slt.u32 s8, $0xFFFFF086  }
0x1c: {  	p1 =	slt.u32 s9, $0xF7A;
	s5 =	simm.s32 @!p2 $0x0  }
0x1d: {  	s5 =	simm.s32 @p1 $0x1;
	p0 =	seq.s32 s7, s2  }
0x1e: {  	s7 =	smul.u32 @!p0 $0xF7A, s2;
	p2 =	seq.s32 @!p0 s5, $0x0  }
0x1f: {  	s9 =	smul.u32 $0xF7A, s1;
	s8 =	simm.s32 @!p0 $0x1BF5;
	p2 =	por !p2, p0  }
0x20: {  	[sflag:s8] =	ssyncset.s32 @!p0 $0xFFFFF086;
	s6 =	sadd.s32 @!p0 s3, s7;
	s7 =	simm.s32 @!p0 $0x108  }
0x21: {  	s3 =	sadd.s32 s3, s9;
	s6 =	sadd.s32 @!p0 $0x88, s6;
	s7 =	simm.s32 @p2 $0x1082  }
0x22: {  	[simem:s7], [sflag:s8] =	dma.local @!p0 [hbm:s6], $0xF7A  }
0x23: {  	s9 =	sor.u32 $0xD0000000, s2;
	s6 =	simm.s32 $0x108;
	_ =	swait.ge @!p0 [sflag:s8], $0x0  }
0x24: {  	s3 =	sadd.s32 $0x88, s3;
	s6 =	simm.s32 @!p1 $0x1082;
	[sflag:s4] =	ssyncset.s32 $0xFFFFF086  }
0x25: {  	[simem:s6], [sflag:s4] =	dma.local [hbm:s3], $0xF7A  }
0x26: {  	[smem:$0x3F9A] =	sst s1;
	(tag) =	ssettag s2;
	_ =	strace s9  }
0x27: {  	s1 =	sld [smem:$0x3FAA]  }
0x28: {  	s2 =	sld [smem:$0x3FAB]  }
0x29: {  	s4 =	sld [smem:$0x3FAD]  }
0x2a: {  	p0 =	seq.s32 s5, $0x0;
	s5 =	sld [smem:$0x3FAE]  }
0x2b: {  	s6 =	sld [smem:$0x3FAF]  }
0x2c: {  	s7 =	sld [smem:$0x3FB0]  }
0x2d: {  	s3 =	simm.s32 $0x108;
	s8 =	sld [smem:$0x3FB1]  }
0x2e: {  	s3 =	simm.s32 @!p0 $0x1082;
	s9 =	sld [smem:$0x3FB2]  }
0x2f: {  	lr =	sadd.s32 s0, s3;
	s0 =	sld [smem:$0x3FA9]  }
0x30: {  	s3 =	sld [smem:$0x3FAC]  }
0x31: {  	[smem:$0x3FB5] =	sst s10  }
0x32: {  	s10 =	sld [smem:$0x3FB3];
	_ =	sdelay $0x3  }
0x33: {  	p0 =	seq.s32 s10, $0x1;
	s10 =	sld [smem:$0x3FB5];
	_ =	sdelay $0x3  }
0x34: {  	[smem:$0x3FB5] =	sst s10  }
0x35: {  	s10 =	sld [smem:$0x3FB4];
	_ =	sdelay $0x3  }
0x36: {  	p1 =	seq.s32 s10, $0x1;
	s10 =	sld [smem:$0x3FB5];
	_ =	sdelay $0x3  }
0x37: {  	[smem:$0x3FB5] =	sst s10  }
0x38: {  	s10 =	sld [smem:$0x3FB6]  }
0x39: {  	_ = 	snop;
	(pc) =	sbr.ind lr, $3  }
0x3a: {  	_ = 	snop  }
0x3b: {  	_ = 	snop  }
0x3c: {  	p2 =	seq.s32 s10, $0x1;
	s10 =	sld [smem:$0x3FB5]  }
0x3d: {  	_ =	shalt  }
0x3e: {  	_ =	shalt  }
0x3f: {  	_ =	shalt  }
0x40: {  	_ =	shalt  }
0x41: {  	_ =	shalt  }
0x42: {  	_ =	shalt  }
0x43: {  	_ =	shalt  }
0x44: {  	_ =	shalt  }
0x45: {  	_ =	shalt  }
0x46: {  	_ =	shalt  }
0x47: {  	_ =	shalt  }
0x48: {  	_ =	shalt  }
0x49: {  	_ =	shalt  }
0x4a: {  	_ =	shalt  }
0x4b: {  	_ =	shalt  }
0x4c: {  	_ =	shalt  }
0x4d: {  	_ =	shalt  }
0x4e: {  	_ =	shalt  }
0x4f: {  	_ =	shalt  }
0x50: {  	_ =	shalt  }
0x51: {  	_ =	shalt  }
0x52: {  	_ =	shalt  }
0x53: {  	_ =	shalt  }
0x54: {  	_ =	shalt  }
0x55: {  	_ =	shalt  }
0x56: {  	_ =	shalt  }
0x57: {  	_ =	shalt  }
0x58: {  	_ =	shalt  }
0x59: {  	_ =	shalt  }
0x5a: {  	_ =	shalt  }
0x5b: {  	_ =	shalt  }
0x5c: {  	_ =	shalt  }
0x5d: {  	_ =	shalt  }
0x5e: {  	_ =	shalt  }
0x5f: {  	_ =	shalt  }
0x60: {  	_ =	shalt  }
0x61: {  	_ =	shalt  }
0x62: {  	_ =	shalt  }
0x63: {  	_ =	shalt  }
0x64: {  	_ =	shalt  }
0x65: {  	_ =	shalt  }
0x66: {  	_ =	shalt  }
0x67: {  	_ =	shalt  }
0x68: {  	_ =	shalt  }
0x69: {  	_ =	shalt  }
0x6a: {  	_ =	shalt  }
0x6b: {  	_ =	shalt  }
0x6c: {  	_ =	shalt  }
0x6d: {  	_ =	shalt  }
0x6e: {  	_ =	shalt  }
0x6f: {  	_ =	shalt  }
0x70: {  	_ =	shalt  }
0x71: {  	_ =	shalt  }
0x72: {  	_ =	shalt  }
0x73: {  	_ =	shalt  }
0x74: {  	_ =	shalt  }
0x75: {  	_ =	shalt  }
0x76: {  	_ =	shalt  }
0x77: {  	_ =	shalt  }
0x78: {  	_ =	shalt  }
0x79: {  	_ =	shalt  }
0x7a: {  	_ =	shalt  }
0x7b: {  	_ =	shalt  }
0x7c: {  	_ =	shalt  }
0x7d: {  	_ =	shalt  }
0x7e: {  	_ =	shalt  }
0x7f: {  	_ =	shalt  }
0x80: {  	_ =	shalt  }
0x81: {  	_ =	shalt  }
0x82: {  	_ =	shalt  }
0x83: {  	_ =	shalt  }
0x84: {  	_ =	shalt  }
0x85: {  	_ =	shalt  }
0x86: {  	_ =	shalt  }
0x87: {  	_ =	shalt  }
.Lfunc_end0:
.L_simem_size_0:
called_computation.1_lowered:
.L_overlay_start_0:
0x88: {  	s2 =	sld [smem:$0x3FD9]  }
0x89: {  	s3 =	sld [smem:$0x3FFE];
	_ =	sdelay $0x1  }
0x8a: {  	s1 =	srdreg.scid  }
0x8b: {  	s0 =	sand.u32 $0x1, s1  }
0x8c: {  	s16 =	sshll.u32 s0, $0xA;
	s2 =	sadd.s32 s3, s2  }
0x8d: {  	s2 =	sadd.s32 s2, s16  }
0x8e: {  	[smem:$0x3FC1] =	sst s2  }
0x8f: {  	_ = 	snop  }
0x90: {  	(tm) =	ssettm $0x1  }
0x91: {  	s17 =	sld [smem:$0x3FFB];
	_ =	sdelay $0x3  }
0x92: {  	_ =	strace s17  }
0x93: {  	s2 =	sld [smem:$0x3FFC];
	_ =	sdelay $0x3  }
0x94: {  	_ =	strace s2  }
0x95: {  	s2 =	sld [smem:$0x3FFD];
	_ =	sdelay $0x3  }
0x96: {  	_ =	strace s2  }
0x97: {  	_ =	strace $0x8FFFFFFF  }
0x98: {  	s18 =	sld [smem:$0x3FDB];
	_ =	sdelay $0x1  }
0x99: {  	s19 =	simm.s32 $_scs_section_size  }
0x9a: {  	s4 =	simm.s32 $_size__tile_overlayer_lowered;
	s5 =	simm.s32 $_tile_overlayer_lowered  }
0x9b: {  	s22 =	simm.s32 $0x1BFF;
	s21 =	sshll.u32 s5, $0x1;
	s2 =	sadd.s32 s19, s18  }
0x9c: {  	s6 =	simm.s32 $0x0;
	s20 =	sshll.u32 s4, $0x1;
	s4 =	sadd.s32 s21, s2  }
0x9d: {  	[timem:s6], [sflag:s22] =	dma.local [hbm:s4], s20  }
0x9e: {  	_ =	swait.ge [sflag:s22], s20  }
0x9f: {  	s3 =	ssub.s32 $0x0, s20;
	[sflag:s22] =	ssyncset.done $0x0  }
0xa0: {  	[sflag:s22] =	ssyncadd.s32 s3;
	_ =	sdelay $0x1  }
0xa1: {  	s23 =	simm.s32 $0x1B8B  }
0xa2: {  	_ =	swait.ge [sflag:s23], $0x1  }
0xa3: {  	[sflag:s23] =	ssyncset.done $0x0  }
0xa4: {  	s25 =	simm.s32 $0x1B8E;
	s24 =	sld [smem:$0x3FFE];
	[sflag:s23] =	ssyncadd.s32 $0xFFFFFFFF  }
0xa5: {  	s26 =	simm.s32 $execute0_lowered;
	[smem:$0x3FD2] =	sst s25  }
0xa6: {  	s4 =	sshll.u32 s26, $0x1;
	_ =	strace $0x80000046;
	[dreg:$0x1] =	wrdreg $0xFFFFFFFF  }
0xa7: {  	s28 =	simm.s32 $_size_execute0_lowered;
	s2 =	sadd.s32 s2, s4;
	[dreg:$0x0] =	wrdreg $0x0  }
0xa8: {  	s4 =	sshll.u32 s28, $0x1;
	[dreg:$0x2] =	wrdreg s2  }
0xa9: {  	[dreg:$0x3] =	wrdreg s4  }
0xaa: {  	[dreg:$0x4] =	wrdreg $0xC0  }
0xab: {  	_ =	task [dreg:s6], $0x5FFFF  }
0xac: {  	[dreg:$0x1] =	wrdreg $0xFFFFFFFF  }
0xad: {  	[dreg:$0x0] =	wrdreg $0x60  }
0xae: {  	[dreg:$0x2] =	wrdreg s24  }
0xaf: {  	[dreg:$0x3] =	wrdreg $0xA  }
0xb0: {  	_ =	task.clear_ibuf [dreg:s6], $0x4FFFF;
	_ =	strace $0x90000046  }
0xb1: {  	s29 =	simm.s32 $0xA;
	_ =	strace $0x80000048  }
0xb2: {  	_ =	swait.ge [sflag:s29], $0x1  }
0xb3: {  	[sflag:s29] =	ssyncadd.s32 $0xFFFFFFFF  }
0xb4: {  	_ =	strace $0x90000048  }
0xb5: {  	_ =	sfence  }
0xb6: {  	s30 =	sld [smem:$0x0];
	_ =	sdelay $0x2  }
0xb7: {  	s31 =	sshll.u32 s1, $0xD;
	s1 =	sshrl.u32 s1, $0x2  }
0xb8: {  	s3 =	sand.u32 $0x4000, s31;
	s1 =	sadd.s32 s1, s30  }
0xb9: {  	s0 =	sor.u32 s3, s0;
	s1 =	sshll.u32 s1, $0x11  }
0xba: {  	s0 =	sor.u32 s1, s0  }
0xbb: {  	s0 =	sadd.s32 $0x8F2B, s0  }
0xbc: {  	[sflag:s0] =	ssyncadd.remote.s32 $0x1  }
0xbd: {  	_ =	sfence.sel $0xFFFF  }
0xbe: {  	[dreg:$0x0] =	wrdreg $0xFFFFFFFF;
	(pc) =	sbr.abs _section_cstart, $3  }
0xbf: {  	[dreg:$0x1] =	wrdreg $0xFFFFFFFF  }
0xc0: {  	_ =	task.clear_ibuf [dreg:s6], $0x2FFFF;
	_ =	strace $0x9FFFFFFF  }
0xc1: {  	(tm) =	ssettm $0x7FFFFFFF  }
tec
execute0_lowered:
.L_overlay_start_1:
0x0: {  	(tag) =	ssettag $0x1  }
0x1: {  	s1 =	srdreg.scid  }
0x2: {  	s0 =	stileid.u32;
	s16 =	sand.u32 $0x1, s1  }
0x3: {  	s30 =	sshll.u32 s0, $0xA;
	s2 =	sshll.u32 s16, $0x9  }
0x4: {  	s17 =	rddreg [dreg:$0x0];
	s4 =	simm.s32 $0x200;
	s18 =	sor.u32 s2, s30  }
0x5: {  	s6 =	simm.s32 $0x4000;
	s2 =	simm.s32 $0x0;
	s3 =	sshrl.u32 s18, $0x3  }
0x6: {  	s5 =	simm.s32 $0x2;
	[smem:$0x7FF] =	sst s2;
	s3 =	sadd.s32 s3, s17  }
0x7: {  	s1 =	rddreg [dreg:$0x1];
	_ =	strace $0x80000047;
	s3 =	sadd.s32 $0x1600, s3  }
0x8: {  	[tilespmem:s2], [sflag:$0x2] =	stream.strided.gather [hbm4b:s3+s4], $0x400, s6, s4, $0x38;
	[tilespmem:$0x8400] =	vst v63  }
0x9: {  	_ =	swait.ge [sflag:s5], $0x400  }
0xa: {  	s8 =	simm.s32 $0x80;
	[sflag:s5] =	ssyncset.done $0x0  }
0xb: {  	s9 =	simm.s32 $0x400;
	s7 =	sadd.s32 $0x2600, s17;
	[sflag:s5] =	ssyncadd.s32 $0xFFFFFC00  }
0xc: {  	[tilespmem:s9], [sflag:$0x1] =	stream.indirect.gather [hbm4b:s7+s8], $0x40, s2, s8, $0xb8;
	[tilespmem:$0x8400] =	vst v63  }
0xd: {  	s10 =	simm.s32 $0x2400  }
0xe: {  	[tilespmem:s10], [sflag:$0x1] =	stream.indirect.gather [hbm4b:s7+s8], $0x40, s8, s8, $0xb8;
	[tilespmem:$0x8400] =	vst v63  }
0xf: {  	s11 =	simm.s32 $0x100;
	s12 =	simm.s32 $0x4400  }
0x10: {  	[tilespmem:s12], [sflag:$0x1] =	stream.indirect.gather [hbm4b:s7+s8], $0x40, s11, s8, $0xb8;
	[tilespmem:$0x8400] =	vst v63  }
0x11: {  	s13 =	simm.s32 $0x180;
	s14 =	simm.s32 $0x6400;
	s15 =	simm.s32 $0x1  }
0x12: {  	[tilespmem:s14], [sflag:$0x1] =	stream.indirect.gather [hbm4b:s7+s8], $0x40, s13, s8, $0xb8;
	[tilespmem:$0x8400] =	vst v63  }
0x13: {  	_ =	swait.ge [sflag:s15], $0x2000  }
0x14: {  	[sflag:s15] =	ssyncset.done $0x0  }
0x15: {  	[sflag:s15] =	ssyncadd.s32 $0xFFFFE000  }
0x16: {  	_ =	swait.ge [sflag:s15], $0x2000  }
0x17: {  	[sflag:s15] =	ssyncset.done $0x0  }
0x18: {  	s16 =	ssub.s32 $0x2, s16;
	[sflag:s15] =	ssyncadd.s32 $0xFFFFE000  }
0x19: {  	s31 =	sshrl.u32 s16, $0x1;
	s18 =	sshll.u32 s18, $0x4;
	_ =	swait.ge [sflag:s15], $0x2000  }
0x1a: {  	s17 =	sadd.s32 s18, s17;
	s18 =	ssub.s32 s16, s31;
	[sflag:s15] =	ssyncset.done $0x0  }
0x1b: {  	s18 =	smax.u32 s18, $0x1;
	[sflag:s15] =	ssyncadd.s32 $0xFFFFE000  }
0x1c: {  	p0 =	sne.s32 s18, $0x1;
	_ =	swait.ge [sflag:s15], $0x2000  }
.Ltmp0:
0x1d: {  	[sflag:s15] =	ssyncset.done $0x0;
	(pc) =	sbr.rel @!p0 .LBB2_2-.Ltmp0, $4  }
0x1e: {  	s16 =	sadd.s32 $0xC5C00, s17;
	s17 =	simm.s32 $0x40;
	[sflag:s15] =	ssyncadd.s32 $0xFFFFE000  }
0x1f: {  	[hbm4b:s16+s17] =	stream.strided.scatter [tilespmem:s9], [sflag:$0x2], $0x8000, s8, s17, $0x38;
	[tilespmem:$0x8400] =	vst v63  }
0x20: {  	_ =	swait.ge [sflag:s5], $0x8000  }
0x21: {  	s18 =	sadd.s32 $0xFFFFFFFF, s18;
	[sflag:s5] =	ssyncset.done $0x0  }
.LBB2_1:
0x22: {  	p0 =	sne.s32 s18, $0x1;
	s18 =	sadd.s32 $0xFFFFFFFF, s18;
	[sflag:s5] =	ssyncadd.s32 $0xFFFF8000  }
0x23: {  	[tilespmem:s2], [sflag:$0x2] =	stream.strided.gather [hbm4b:s3+s4], $0x400, s6, s4, $0x38;
	[tilespmem:$0x8400] =	vst v63  }
0x24: {  	_ =	swait.ge [sflag:s5], $0x400  }
0x25: {  	[sflag:s5] =	ssyncset.done $0x0  }
0x26: {  	[sflag:s5] =	ssyncadd.s32 $0xFFFFFC00  }
0x27: {  	[tilespmem:s9], [sflag:$0x1] =	stream.indirect.gather [hbm4b:s7+s8], $0x40, s2, s8, $0xb8;
	[tilespmem:$0x8400] =	vst v63  }
0x28: {  	_ = 	snop  }
0x29: {  	[tilespmem:s10], [sflag:$0x1] =	stream.indirect.gather [hbm4b:s7+s8], $0x40, s8, s8, $0xb8;
	[tilespmem:$0x8400] =	vst v63  }
0x2a: {  	_ = 	snop  }
0x2b: {  	[tilespmem:s12], [sflag:$0x1] =	stream.indirect.gather [hbm4b:s7+s8], $0x40, s11, s8, $0xb8;
	[tilespmem:$0x8400] =	vst v63  }
0x2c: {  	_ = 	snop  }
0x2d: {  	[tilespmem:s14], [sflag:$0x1] =	stream.indirect.gather [hbm4b:s7+s8], $0x40, s13, s8, $0xb8;
	[tilespmem:$0x8400] =	vst v63  }
0x2e: {  	_ =	swait.ge [sflag:s15], $0x2000  }
0x2f: {  	[sflag:s15] =	ssyncset.done $0x0  }
0x30: {  	[sflag:s15] =	ssyncadd.s32 $0xFFFFE000  }
0x31: {  	_ =	swait.ge [sflag:s15], $0x2000  }
0x32: {  	[sflag:s15] =	ssyncset.done $0x0  }
0x33: {  	[sflag:s15] =	ssyncadd.s32 $0xFFFFE000  }
0x34: {  	_ =	swait.ge [sflag:s15], $0x2000  }
0x35: {  	[sflag:s15] =	ssyncset.done $0x0  }
0x36: {  	[sflag:s15] =	ssyncadd.s32 $0xFFFFE000  }
0x37: {  	_ =	swait.ge [sflag:s15], $0x2000  }
.Ltmp1:
0x38: {  	[sflag:s15] =	ssyncset.done $0x0;
	(pc) =	sbr.rel @p0 .LBB2_1-.Ltmp1, $4  }
0x39: {  	[sflag:s15] =	ssyncadd.s32 $0xFFFFE000  }
0x3a: {  	[hbm4b:s16+s17] =	stream.strided.scatter [tilespmem:s9], [sflag:$0x2], $0x8000, s8, s17, $0x38;
	[tilespmem:$0x8400] =	vst v63  }
0x3b: {  	_ =	swait.ge [sflag:s5], $0x8000  }
0x3c: {  	[sflag:s5] =	ssyncset.done $0x0  }
.LBB2_2:
0x3d: {  	[sflag:s5] =	ssyncadd.s32 $0xFFFF8000  }
0x3e: {  	_ =	sfence.sel $0x180000  }
0x3f: {  	[bflag:$0x0] =	sbarrier.arrive $0xFFFF  }
0x40: {  	p0 =	sne.s32 s0, $0x0;
	_ =	strace $0x90000047  }
0x41: {  	s0 =	sadd.s32 @!p0 $0x100000, s1;
	[bflag:$0x2] =	sbarrier.arrive $0xFFFF  }
0x42: {  	[sflag:s0] =	ssyncadd.tile.s32 @!p0 $0x1;
	_ =	shalt  }
.Lfunc_end2:
_tile_overlayer_lowered:
.L_overlay_start_2:
0x43: {  	(tag) =	ssettag $0x2  }
0x44: {  	s0 =	rddreg [dreg:$0x0];
	s2 =	stileid.u32  }
0x45: {  	s1 =	rddreg [dreg:$0x1];
	p0 =	sne.s32 s2, $0x0  }
0x46: {  	s3 =	rddreg [dreg:$0x2];
	[bflag:$0x3] =	sbarrier.arrive $0xFFFF;
	s2 =	simm.s32 @!p0 $0x1C02  }
0x47: {  	[timem:s3], [sflag:s2] =	dma.local @!p0 [hbm:s0], s1  }
0x48: {  	s0 =	simm.s32 @!p0 $0x2  }
0x49: {  	_ =	swait.ge @!p0 [sflag:s0], s1  }
0x4a: {  	s1 =	ssub.s32 @!p0 $0x0, s1;
	[sflag:s0] =	ssyncset.done @!p0 $0x0  }
0x4b: {  	[sflag:s0] =	ssyncadd.s32 @!p0 s1  }
0x4c: {  	[bflag:$0x3] =	sbarrier.arrive $0xFFFF  }
0x4d: {  	_ =	shalt  }

</sc_bundles>
